<compile_context>
chip_gen: v7x
topology: tpu7x:2x2x1
jax: 0.10.2.dev20260603
libtpu: 0.0.44.dev20260713+nightly
codegen_flags: <defaults>
</compile_context>

<pallas_src>
import functools

import jax
import jax.numpy as jnp
from jax import lax
from jax.experimental import pallas as pl
from jax.experimental.pallas import tpu as pltpu
from jax.experimental.pallas import tpu_sc as plsc

_L = 16
_ROWS = 64


def _make_tables(params_v, iota):
    lane = lambda off: plsc.load_gather(params_v, [jnp.zeros((_L,), jnp.int32) + off])
    lb = lane(7)
    rb = lane(8)
    ls = lane(9)
    rs = lane(10)
    p0 = lane(0)
    rl = rb - lb
    inv = 1.0 / rl
    sim_left = lb - rl
    g_lo = plsc.load_gather(params_v, [jnp.maximum(iota - 1, 0)])
    fp_vec = jnp.where(iota == 0, p0 - ls * rl, g_lo)
    g_hi = plsc.load_gather(params_v, [jnp.minimum(iota, 6)])
    s_int = (g_hi - g_lo) * inv
    sl_vec = jnp.where(iota == 0, ls, jnp.where(iota >= 7, rs, s_int))
    a_vec = fp_vec - iota.astype(jnp.float32) * sl_vec
    return a_vec, sl_vec, sim_left * inv, inv


def _compute_chunk(src, dst, a_ref, sl_ref, s2_ref, inv_ref, n_w):
    s2 = s2_ref[...]
    inv = inv_ref[...]

    @plsc.parallel_loop(0, _ROWS, 1)
    def _(r):
        for v in range(n_w):
            xv = src[r, pl.ds(v * _L, _L)]
            t = xv * inv - s2
            tc = jnp.minimum(jnp.maximum(t, 0.0), 7.007)
            ri = tc.astype(jnp.int32)
            av = plsc.load_gather(a_ref, [ri])
            slv = plsc.load_gather(sl_ref, [ri])
            dst[r, pl.ds(v * _L, _L)] = av + t * slv


def _pwlu_sc_body(n_slab_per_w, n_ch, x_hbm, params_hbm, out_hbm,
                  params_v, fp_ref, sl_ref, sim_ref, inv_ref,
                  xb0, xb1, ob0, ob1, si0, si1, so0, so1):
    wid = lax.axis_index("s") * 2 + lax.axis_index("c")
    iota = lax.iota(jnp.int32, _L)

    H, W = x_hbm.shape[2], x_hbm.shape[3]
    n_w = W // _L
    n_chunks = H // _ROWS
    T = n_slab_per_w * n_chunks
    assert T % 2 == 0 and n_chunks % 2 == 0

    def x_slice(t):
        slab = wid * n_slab_per_w + lax.div(t, n_chunks)
        k = lax.rem(t, n_chunks)
        return x_hbm.at[lax.div(slab, n_ch), lax.rem(slab, n_ch),
                        pl.ds(k * _ROWS, _ROWS), :]

    def o_slice(t):
        slab = wid * n_slab_per_w + lax.div(t, n_chunks)
        k = lax.rem(t, n_chunks)
        return out_hbm.at[lax.div(slab, n_ch), lax.rem(slab, n_ch),
                          pl.ds(k * _ROWS, _ROWS), :]

    def setup_tables(t):
        slab = wid * n_slab_per_w + lax.div(t, n_chunks)
        c = lax.rem(slab, n_ch)
        pltpu.sync_copy(params_hbm.at[pl.ds(c * _L, _L)], params_v)
        fp_vec, sl_vec, sim_left, inv = _make_tables(params_v, iota)
        fp_ref[...] = fp_vec
        sl_ref[...] = sl_vec
        sim_ref[...] = sim_left
        inv_ref[...] = inv

    pltpu.async_copy(x_slice(jnp.int32(0)), xb0, si0)

    def pair_body(p, carry):
        a = 2 * p

        @pl.when(lax.rem(a, n_chunks) == 0)
        def _():
            setup_tables(a)

        pltpu.async_copy(x_slice(a + 1), xb1, si1)
        pltpu.make_async_copy(x_slice(a), xb0, si0).wait()

        @pl.when(p > 0)
        def _():
            pltpu.make_async_copy(ob0, o_slice(a - 2), so0).wait()

        _compute_chunk(xb0, ob0, fp_ref, sl_ref, sim_ref, inv_ref, n_w)
        pltpu.async_copy(ob0, o_slice(a), so0)

        @pl.when(a + 2 < T)
        def _():
            pltpu.async_copy(x_slice(a + 2), xb0, si0)

        @pl.when(p > 0)
        def _():
            pltpu.make_async_copy(ob1, o_slice(a - 1), so1).wait()

        pltpu.make_async_copy(x_slice(a + 1), xb1, si1).wait()
        _compute_chunk(xb1, ob1, fp_ref, sl_ref, sim_ref, inv_ref, n_w)
        pltpu.async_copy(ob1, o_slice(a + 1), so1)
        return carry

    lax.fori_loop(0, T // 2, pair_body, jnp.int32(0))
    pltpu.make_async_copy(ob0, o_slice(jnp.int32(T - 2)), so0).wait()
    pltpu.make_async_copy(ob1, o_slice(jnp.int32(T - 1)), so1).wait()


def kernel(x, points, bounds, left_slopes, right_slopes):
    B, C, H, W = x.shape
    n_slabs = B * C
    n_workers = 32
    assert n_slabs % n_workers == 0 and H % _ROWS == 0 and W % _L == 0

    params = jnp.concatenate(
        [points, bounds, left_slopes[:, None], right_slopes[:, None],
         jnp.zeros((C, _L - 11), jnp.float32)], axis=1).reshape(-1)

    mesh = plsc.VectorSubcoreMesh(core_axis_name="c", subcore_axis_name="s")
    body = functools.partial(_pwlu_sc_body, n_slabs // n_workers, C)
    run = pl.kernel(
        body,
        mesh=mesh,
        out_type=jax.ShapeDtypeStruct((B, C, H, W), jnp.float32),
        scratch_types=[
            pltpu.VMEM((_L,), jnp.float32),
            pltpu.VMEM((_L,), jnp.float32),
            pltpu.VMEM((_L,), jnp.float32),
            pltpu.VMEM((_L,), jnp.float32),
            pltpu.VMEM((_L,), jnp.float32),
            pltpu.VMEM((_ROWS, W), jnp.float32),
            pltpu.VMEM((_ROWS, W), jnp.float32),
            pltpu.VMEM((_ROWS, W), jnp.float32),
            pltpu.VMEM((_ROWS, W), jnp.float32),
            pltpu.SemaphoreType.DMA,
            pltpu.SemaphoreType.DMA,
            pltpu.SemaphoreType.DMA,
            pltpu.SemaphoreType.DMA,
        ],
        compiler_params=pltpu.CompilerParams(needs_layout_passes=False),
    )
    return run(x, params)

# --- scband reference (transcript-rebuilt; emitter-appended) ---
"""Pipeline reference for scband-pwlubase-36790689857763 (READ-ONLY COPY).

The authoritative reference and input builder live on the scoring server;
editing this copy changes nothing except your own understanding.
"""

import jax, jax.numpy as jnp
import numpy as np

N_REGIONS = 6
N_CHANNELS = 96
BOUND = 2.5


def setup_inputs(seed: int = 0) -> dict:
    key = jax.random.key(seed)
    x = jax.random.normal(key, (2, 96, 384, 384), dtype=jnp.float32)
    # channelwise parameters (subclass sets _n_channels=96), init='relu'
    base = jnp.linspace(-BOUND, BOUND, N_REGIONS + 1).astype(jnp.float32)
    points = jnp.maximum(base, 0.0)  # relu init of control points
    points = jnp.tile(points[None, :], (N_CHANNELS, 1))
    bounds = jnp.tile(jnp.array([-BOUND, BOUND], dtype=jnp.float32)[None, :], (N_CHANNELS, 1))
    left_slopes = jnp.zeros((N_CHANNELS,), dtype=jnp.float32)   # relu: slope 0 left of bound
    right_slopes = jnp.ones((N_CHANNELS,), dtype=jnp.float32)   # relu: slope 1 right of bound
    return {"x": x, "points": points, "bounds": bounds,
            "left_slopes": left_slopes, "right_slopes": right_slopes}


def pwlu_forward(x, points, bounds, left_slopes, right_slopes):
    # channelwise case: points [C, n_points], bounds [C, 2]
    n_points = points.shape[-1]
    n_regions = n_points - 1
    left_bounds = bounds[..., 0]
    right_bounds = bounds[..., 1]
    region_lengths = right_bounds - left_bounds  # [C]
    batch_size, n_channels = x.shape[0], x.shape[1]
    other_dims = x.shape[2:]
    # interior slopes from consecutive points
    slopes = (points - jnp.roll(points, 1, axis=-1))[..., 1:] / region_lengths[..., None]
    slopes = jnp.concatenate([left_slopes[..., None], slopes, right_slopes[..., None]], axis=-1)
    sim_left_bounds = left_bounds - region_lengths  # [C]
    # channelwise, bounds has 2 dims -> channels-last normalization path
    x_channels_last = jnp.moveaxis(x, 1, -1)  # [B, H, W, C]
    x_normal = (x_channels_last - sim_left_bounds) / ((n_regions + 1) * region_lengths)
    x_normal = jnp.moveaxis(x_normal, -1, 0)  # [C, B, H, W]
    regions = jnp.floor(jnp.clip(x_normal, 0.0, 1.001) * (n_regions + 1))
    dists = x_normal * (n_regions + 1) - regions
    regions_packed = regions.astype(jnp.int32).reshape(n_channels, -1)
    false_points = jnp.concatenate(
        [(points[..., 0] - left_slopes * region_lengths)[..., None], points], axis=-1)
    left_points = jnp.take_along_axis(false_points, regions_packed, axis=-1)
    slopes_g = jnp.take_along_axis(slopes, regions_packed, axis=-1)
    left_points = left_points.reshape((n_channels, batch_size) + tuple(other_dims))
    slopes_g = slopes_g.reshape((n_channels, batch_size) + tuple(other_dims))
    ret = left_points + dists * slopes_g
    ret = jnp.moveaxis(ret, 0, 1)  # back to [B, C, H, W]
    return ret


def reference(x, points, bounds, left_slopes, right_slopes):
    return pwlu_forward(x, points, bounds, left_slopes, right_slopes)

if __name__ == "__main__":
    import jax
    _d = setup_inputs()
    print(jax.jit(kernel)(*tuple(_d.values())))

</pallas_src>

<mosaic_0001>
#map = affine_map<(d0, d1) -> (0, 0, 0, 0)>
#map1 = affine_map<(d0, d1) -> (0)>
module attributes {stable_mosaic.version = 14 : i64} {
  func.func @_pwlu_sc_body(%arg0: i32, %arg1: i32, %arg2: memref<2x96x384x384xf32, #tpu.memory_space<hbm>>, %arg3: memref<1536xf32, #tpu.memory_space<hbm>>, %arg4: memref<2x96x384x384xf32, #tpu.memory_space<hbm>>, %arg5: memref<16xf32, #tpu.memory_space<vmem>>, %arg6: memref<16xf32, #tpu.memory_space<vmem>>, %arg7: memref<16xf32, #tpu.memory_space<vmem>>, %arg8: memref<16xf32, #tpu.memory_space<vmem>>, %arg9: memref<16xf32, #tpu.memory_space<vmem>>, %arg10: memref<64x384xf32, #tpu.memory_space<vmem>>, %arg11: memref<64x384xf32, #tpu.memory_space<vmem>>, %arg12: memref<64x384xf32, #tpu.memory_space<vmem>>, %arg13: memref<64x384xf32, #tpu.memory_space<vmem>>, %arg14: memref<!tpu.dma_semaphore, #tpu.memory_space<semaphore_mem>>, %arg15: memref<!tpu.dma_semaphore, #tpu.memory_space<semaphore_mem>>, %arg16: memref<!tpu.dma_semaphore, #tpu.memory_space<semaphore_mem>>, %arg17: memref<!tpu.dma_semaphore, #tpu.memory_space<semaphore_mem>>) attributes {dimension_semantics = [#tpu.dimension_semantics<core_parallel>, #tpu.dimension_semantics<subcore_parallel>], iteration_bounds = array<i64: 2, 16>, scalar_prefetch = 0 : i64, scratch_operands = 13 : i64, tpu.core_type = #tpu.core_type<sc_vector_subcore>, window_params = [{transform_indices = #map}, {transform_indices = #map1}, {transform_indices = #map}]} {
    %mul3A = arith.constant 2 : i32
    %mul3A_0 = arith.muli %arg1, %mul3A : i32
    %add3A = arith.addi %mul3A_0, %arg0 : i32
    %iota3A = tpu.iota {dimensions = array<i32: 0>} : vector<16xi32>
    %mul3A_1 = arith.constant 6 : i32
    %mul3A_2 = arith.muli %add3A, %mul3A_1 : i32
    %div3A = arith.constant 0 : i32
    %div3A_3 = arith.constant 6 : i32
    %div3A_4 = arith.divsi %div3A, %div3A_3 : i32
    %add3A_5 = arith.addi %mul3A_2, %div3A_4 : i32
    %rem3A = arith.constant 0 : i32
    %rem3A_6 = arith.constant 6 : i32
    %rem3A_7 = arith.remsi %rem3A, %rem3A_6 : i32
    %div3A_8 = arith.constant 96 : i32
    %div3A_9 = arith.divsi %add3A_5, %div3A_8 : i32
    %rem3A_10 = arith.constant 96 : i32
    %rem3A_11 = arith.remsi %add3A_5, %rem3A_10 : i32
    %mul3A_12 = arith.constant 64 : i32
    %mul3A_13 = arith.muli %rem3A_7, %mul3A_12 : i32
    %dma_start3A = arith.constant 0 : i32
    %dma_start3A_14 = tpu.memref_slice %arg2[%div3A_9, %rem3A_11, %mul3A_13, %dma_start3A] : memref<2x96x384x384xf32, #tpu.memory_space<hbm>> -> memref<1x1x64x384xf32, #tpu.memory_space<hbm>>
    %dma_start3A_15 = tpu.memref_squeeze %dma_start3A_14 : memref<1x1x64x384xf32, #tpu.memory_space<hbm>> -> memref<64x384xf32, #tpu.memory_space<hbm>>
    %dma_start3A_16 = arith.constant 0 : i32
    %dma_start3A_17 = tpu.memref_slice %arg2[%div3A_9, %rem3A_11, %mul3A_13, %dma_start3A_16] : memref<2x96x384x384xf32, #tpu.memory_space<hbm>> -> memref<1x1x64x384xf32, #tpu.memory_space<hbm>>
    %dma_start3A_18 = tpu.memref_squeeze %dma_start3A_17 : memref<1x1x64x384xf32, #tpu.memory_space<hbm>> -> memref<64x384xf32, #tpu.memory_space<hbm>>
    tpu.enqueue_dma source(%dma_start3A_18 : memref<64x384xf32, #tpu.memory_space<hbm>>) target(%arg10 : memref<64x384xf32, #tpu.memory_space<vmem>>) target_semaphore(%arg14 : memref<!tpu.dma_semaphore, #tpu.memory_space<semaphore_mem>>)
    %scan3A = arith.constant 0 : i32
    %scan3A_19 = arith.constant 0 : i32
    %scan3A_20 = arith.constant 18 : i32
    %scan3A_21 = arith.addi %scan3A_19, %scan3A_20 : i32
    %scan3A_22 = arith.constant 1 : i32
    scf.for %scan3A_65 = %scan3A_19 to %scan3A_21 step %scan3A_22  : i32 {
      %mul3A_66 = arith.constant 2 : i32
      %mul3A_67 = arith.muli %mul3A_66, %scan3A_65 : i32
      %rem3A_68 = arith.constant 6 : i32
      %rem3A_69 = arith.remsi %mul3A_67, %rem3A_68 : i32
      %eq3A = arith.constant 0 : i32
      %eq3A_70 = arith.cmpi eq, %rem3A_69, %eq3A : i32
      %convert_element_type3A = arith.extui %eq3A_70 : i1 to i32
      %cond3A = arith.constant 0 : i32
      %cond3A_71 = arith.cmpi ne, %convert_element_type3A, %cond3A : i32
      scf.if %cond3A_71 {
        %mul3A_200 = arith.constant 6 : i32
        %mul3A_201 = arith.muli %add3A, %mul3A_200 : i32
        %div3A_202 = arith.constant 6 : i32
        %div3A_203 = arith.divsi %mul3A_67, %div3A_202 : i32
        %add3A_204 = arith.addi %mul3A_201, %div3A_203 : i32
        %rem3A_205 = arith.constant 96 : i32
        %rem3A_206 = arith.remsi %add3A_204, %rem3A_205 : i32
        %mul3A_207 = arith.constant 16 : i32
        %mul3A_208 = arith.muli %rem3A_206, %mul3A_207 : i32
        "tpu.region"() ({
          %run_scoped3A = tpu.sem_alloc : memref<!tpu.dma_semaphore, #tpu.memory_space<semaphore_mem>>
          %dma_start3A_275 = tpu.memref_slice %arg3[%mul3A_208] : memref<1536xf32, #tpu.memory_space<hbm>> -> memref<16xf32, #tpu.memory_space<hbm>>
          %dma_start3A_276 = tpu.memref_slice %arg3[%mul3A_208] : memref<1536xf32, #tpu.memory_space<hbm>> -> memref<16xf32, #tpu.memory_space<hbm>>
          tpu.enqueue_dma source(%dma_start3A_276 : memref<16xf32, #tpu.memory_space<hbm>>) target(%arg5 : memref<16xf32, #tpu.memory_space<vmem>>) target_semaphore(%run_scoped3A : memref<!tpu.dma_semaphore, #tpu.memory_space<semaphore_mem>>)
          %dma_wait3A_277 = tpu.memref_slice %arg3[%mul3A_208] : memref<1536xf32, #tpu.memory_space<hbm>> -> memref<16xf32, #tpu.memory_space<hbm>>
          %dma_wait3A_278 = tpu.memref_slice %arg3[%mul3A_208] : memref<1536xf32, #tpu.memory_space<hbm>> -> memref<16xf32, #tpu.memory_space<hbm>>
          tpu.wait_dma2 semaphore(%run_scoped3A : memref<!tpu.dma_semaphore, #tpu.memory_space<semaphore_mem>>) src(%dma_wait3A_278 : memref<16xf32, #tpu.memory_space<hbm>>) dst(%arg5 : memref<16xf32, #tpu.memory_space<vmem>>)
          tpu.yield
        }) : () -> ()
        %broadcast_in_dim3A = arith.constant 0 : i32
        %broadcast_in_dim3A_209 = vector.broadcast %broadcast_in_dim3A : i32 to vector<16xi32>
        %add3A_210 = arith.constant 7 : i32
        %add3A_211 = vector.broadcast %add3A_210 : i32 to vector<16xi32>
        %add3A_212 = arith.addi %broadcast_in_dim3A_209, %add3A_211 : vector<16xi32>
        %gather3A = tpu.vector_load_idx %arg5[%add3A_212] : memref<16xf32, #tpu.memory_space<vmem>>[vector<16xi32>], vector<16xf32>,
        %broadcast_in_dim3A_213 = arith.constant 0 : i32
        %broadcast_in_dim3A_214 = vector.broadcast %broadcast_in_dim3A_213 : i32 to vector<16xi32>
        %add3A_215 = arith.constant 8 : i32
        %add3A_216 = vector.broadcast %add3A_215 : i32 to vector<16xi32>
        %add3A_217 = arith.addi %broadcast_in_dim3A_214, %add3A_216 : vector<16xi32>
        %gather3A_218 = tpu.vector_load_idx %arg5[%add3A_217] : memref<16xf32, #tpu.memory_space<vmem>>[vector<16xi32>], vector<16xf32>,
        %broadcast_in_dim3A_219 = arith.constant 0 : i32
        %broadcast_in_dim3A_220 = vector.broadcast %broadcast_in_dim3A_219 : i32 to vector<16xi32>
        %add3A_221 = arith.constant 9 : i32
        %add3A_222 = vector.broadcast %add3A_221 : i32 to vector<16xi32>
        %add3A_223 = arith.addi %broadcast_in_dim3A_220, %add3A_222 : vector<16xi32>
        %gather3A_224 = tpu.vector_load_idx %arg5[%add3A_223] : memref<16xf32, #tpu.memory_space<vmem>>[vector<16xi32>], vector<16xf32>,
        %broadcast_in_dim3A_225 = arith.constant 0 : i32
        %broadcast_in_dim3A_226 = vector.broadcast %broadcast_in_dim3A_225 : i32 to vector<16xi32>
        %add3A_227 = arith.constant 10 : i32
        %add3A_228 = vector.broadcast %add3A_227 : i32 to vector<16xi32>
        %add3A_229 = arith.addi %broadcast_in_dim3A_226, %add3A_228 : vector<16xi32>
        %gather3A_230 = tpu.vector_load_idx %arg5[%add3A_229] : memref<16xf32, #tpu.memory_space<vmem>>[vector<16xi32>], vector<16xf32>,
        %broadcast_in_dim3A_231 = arith.constant 0 : i32
        %broadcast_in_dim3A_232 = vector.broadcast %broadcast_in_dim3A_231 : i32 to vector<16xi32>
        %add3A_233 = arith.constant 0 : i32
        %add3A_234 = vector.broadcast %add3A_233 : i32 to vector<16xi32>
        %add3A_235 = arith.addi %broadcast_in_dim3A_232, %add3A_234 : vector<16xi32>
        %gather3A_236 = tpu.vector_load_idx %arg5[%add3A_235] : memref<16xf32, #tpu.memory_space<vmem>>[vector<16xi32>], vector<16xf32>,
        %sub3A = arith.subf %gather3A_218, %gather3A : vector<16xf32>
        %div3A_237 = arith.constant 1.000000e+00 : f32
        %div3A_238 = vector.broadcast %div3A_237 : f32 to vector<16xf32>
        %div3A_239 = arith.divf %div3A_238, %sub3A : vector<16xf32>
        %sub3A_240 = arith.subf %gather3A, %sub3A : vector<16xf32>
        %sub3A_241 = arith.constant 1 : i32
        %sub3A_242 = vector.broadcast %sub3A_241 : i32 to vector<16xi32>
        %sub3A_243 = arith.subi %iota3A, %sub3A_242 : vector<16xi32>
        %max3A = arith.constant 0 : i32
        %max3A_244 = vector.broadcast %max3A : i32 to vector<16xi32>
        %max3A_245 = arith.maxsi %sub3A_243, %max3A_244 : vector<16xi32>
        %gather3A_246 = tpu.vector_load_idx %arg5[%max3A_245] : memref<16xf32, #tpu.memory_space<vmem>>[vector<16xi32>], vector<16xf32>,
        %eq3A_247 = arith.constant 0 : i32
        %eq3A_248 = vector.broadcast %eq3A_247 : i32 to vector<16xi32>
        %eq3A_249 = arith.cmpi eq, %iota3A, %eq3A_248 : vector<16xi32>
        %mul3A_250 = arith.mulf %gather3A_224, %sub3A : vector<16xf32>
        %sub3A_251 = arith.subf %gather3A_236, %mul3A_250 : vector<16xf32>
        %select_n3A = arith.select %eq3A_249, %sub3A_251, %gather3A_246 : vector<16xi1>, vector<16xf32>
        %min3A = arith.constant 6 : i32
        %min3A_252 = vector.broadcast %min3A : i32 to vector<16xi32>
        %min3A_253 = arith.minsi %iota3A, %min3A_252 : vector<16xi32>
        %gather3A_254 = tpu.vector_load_idx %arg5[%min3A_253] : memref<16xf32, #tpu.memory_space<vmem>>[vector<16xi32>], vector<16xf32>,
        %sub3A_255 = arith.subf %gather3A_254, %gather3A_246 : vector<16xf32>
        %mul3A_256 = arith.mulf %sub3A_255, %div3A_239 : vector<16xf32>
        %eq3A_257 = arith.constant 0 : i32
        %eq3A_258 = vector.broadcast %eq3A_257 : i32 to vector<16xi32>
        %eq3A_259 = arith.cmpi eq, %iota3A, %eq3A_258 : vector<16xi32>
        %ge3A = arith.constant 7 : i32
        %ge3A_260 = vector.broadcast %ge3A : i32 to vector<16xi32>
        %ge3A_261 = arith.cmpi sge, %iota3A, %ge3A_260 : vector<16xi32>
        %select_n3A_262 = arith.select %ge3A_261, %gather3A_230, %mul3A_256 : vector<16xi1>, vector<16xf32>
        %select_n3A_263 = arith.select %eq3A_259, %gather3A_224, %select_n3A_262 : vector<16xi1>, vector<16xf32>
        %convert_element_type3A_264 = arith.sitofp %iota3A : vector<16xi32> to vector<16xf32>
        %mul3A_265 = arith.mulf %convert_element_type3A_264, %select_n3A_263 : vector<16xf32>
        %sub3A_266 = arith.subf %select_n3A, %mul3A_265 : vector<16xf32>
        %mul3A_267 = arith.mulf %sub3A_240, %div3A_239 : vector<16xf32>
        %swap3A = arith.constant 0 : index
        %swap3A_268 = tpu.vector_load %arg6[%swap3A] {strides = array<i32>} : memref<16xf32, #tpu.memory_space<vmem>>, vector<16xf32>,
        tpu.vector_store %arg6[%swap3A], %sub3A_266 {strides = array<i32>} : memref<16xf32, #tpu.memory_space<vmem>>, vector<16xf32>,
        %swap3A_269 = arith.constant 0 : index
        %swap3A_270 = tpu.vector_load %arg7[%swap3A_269] {strides = array<i32>} : memref<16xf32, #tpu.memory_space<vmem>>, vector<16xf32>,
        tpu.vector_store %arg7[%swap3A_269], %select_n3A_263 {strides = array<i32>} : memref<16xf32, #tpu.memory_space<vmem>>, vector<16xf32>,
        %swap3A_271 = arith.constant 0 : index
        %swap3A_272 = tpu.vector_load %arg8[%swap3A_271] {strides = array<i32>} : memref<16xf32, #tpu.memory_space<vmem>>, vector<16xf32>,
        tpu.vector_store %arg8[%swap3A_271], %mul3A_267 {strides = array<i32>} : memref<16xf32, #tpu.memory_space<vmem>>, vector<16xf32>,
        %swap3A_273 = arith.constant 0 : index
        %swap3A_274 = tpu.vector_load %arg9[%swap3A_273] {strides = array<i32>} : memref<16xf32, #tpu.memory_space<vmem>>, vector<16xf32>,
        tpu.vector_store %arg9[%swap3A_273], %div3A_239 {strides = array<i32>} : memref<16xf32, #tpu.memory_space<vmem>>, vector<16xf32>,
      } else {
      }
      %add3A_72 = arith.constant 1 : i32
      %add3A_73 = arith.addi %mul3A_67, %add3A_72 : i32
      %mul3A_74 = arith.constant 6 : i32
      %mul3A_75 = arith.muli %add3A, %mul3A_74 : i32
      %div3A_76 = arith.constant 6 : i32
      %div3A_77 = arith.divsi %add3A_73, %div3A_76 : i32
      %add3A_78 = arith.addi %mul3A_75, %div3A_77 : i32
      %rem3A_79 = arith.constant 6 : i32
      %rem3A_80 = arith.remsi %add3A_73, %rem3A_79 : i32
      %div3A_81 = arith.constant 96 : i32
      %div3A_82 = arith.divsi %add3A_78, %div3A_81 : i32
      %rem3A_83 = arith.constant 96 : i32
      %rem3A_84 = arith.remsi %add3A_78, %rem3A_83 : i32
      %mul3A_85 = arith.constant 64 : i32
      %mul3A_86 = arith.muli %rem3A_80, %mul3A_85 : i32
      %dma_start3A_87 = arith.constant 0 : i32
      %dma_start3A_88 = tpu.memref_slice %arg2[%div3A_82, %rem3A_84, %mul3A_86, %dma_start3A_87] : memref<2x96x384x384xf32, #tpu.memory_space<hbm>> -> memref<1x1x64x384xf32, #tpu.memory_space<hbm>>
      %dma_start3A_89 = tpu.memref_squeeze %dma_start3A_88 : memref<1x1x64x384xf32, #tpu.memory_space<hbm>> -> memref<64x384xf32, #tpu.memory_space<hbm>>
      %dma_start3A_90 = arith.constant 0 : i32
      %dma_start3A_91 = tpu.memref_slice %arg2[%div3A_82, %rem3A_84, %mul3A_86, %dma_start3A_90] : memref<2x96x384x384xf32, #tpu.memory_space<hbm>> -> memref<1x1x64x384xf32, #tpu.memory_space<hbm>>
      %dma_start3A_92 = tpu.memref_squeeze %dma_start3A_91 : memref<1x1x64x384xf32, #tpu.memory_space<hbm>> -> memref<64x384xf32, #tpu.memory_space<hbm>>
      tpu.enqueue_dma source(%dma_start3A_92 : memref<64x384xf32, #tpu.memory_space<hbm>>) target(%arg11 : memref<64x384xf32, #tpu.memory_space<vmem>>) target_semaphore(%arg15 : memref<!tpu.dma_semaphore, #tpu.memory_space<semaphore_mem>>)
      %mul3A_93 = arith.constant 6 : i32
      %mul3A_94 = arith.muli %add3A, %mul3A_93 : i32
      %div3A_95 = arith.constant 6 : i32
      %div3A_96 = arith.divsi %mul3A_67, %div3A_95 : i32
      %add3A_97 = arith.addi %mul3A_94, %div3A_96 : i32
      %rem3A_98 = arith.constant 6 : i32
      %rem3A_99 = arith.remsi %mul3A_67, %rem3A_98 : i32
      %div3A_100 = arith.constant 96 : i32
      %div3A_101 = arith.divsi %add3A_97, %div3A_100 : i32
      %rem3A_102 = arith.constant 96 : i32
      %rem3A_103 = arith.remsi %add3A_97, %rem3A_102 : i32
      %mul3A_104 = arith.constant 64 : i32
      %mul3A_105 = arith.muli %rem3A_99, %mul3A_104 : i32
      %dma_wait3A_106 = arith.constant 0 : i32
      %dma_wait3A_107 = tpu.memref_slice %arg2[%div3A_101, %rem3A_103, %mul3A_105, %dma_wait3A_106] : memref<2x96x384x384xf32, #tpu.memory_space<hbm>> -> memref<1x1x64x384xf32, #tpu.memory_space<hbm>>
      %dma_wait3A_108 = tpu.memref_squeeze %dma_wait3A_107 : memref<1x1x64x384xf32, #tpu.memory_space<hbm>> -> memref<64x384xf32, #tpu.memory_space<hbm>>
      %dma_wait3A_109 = arith.constant 0 : i32
      %dma_wait3A_110 = tpu.memref_slice %arg2[%div3A_101, %rem3A_103, %mul3A_105, %dma_wait3A_109] : memref<2x96x384x384xf32, #tpu.memory_space<hbm>> -> memref<1x1x64x384xf32, #tpu.memory_space<hbm>>
      %dma_wait3A_111 = tpu.memref_squeeze %dma_wait3A_110 : memref<1x1x64x384xf32, #tpu.memory_space<hbm>> -> memref<64x384xf32, #tpu.memory_space<hbm>>
      tpu.wait_dma2 semaphore(%arg14 : memref<!tpu.dma_semaphore, #tpu.memory_space<semaphore_mem>>) src(%dma_wait3A_111 : memref<64x384xf32, #tpu.memory_space<hbm>>) dst(%arg10 : memref<64x384xf32, #tpu.memory_space<vmem>>)
      %gt3A = arith.constant 0 : i32
      %gt3A_112 = arith.cmpi sgt, %scan3A_65, %gt3A : i32
      %convert_element_type3A_113 = arith.extui %gt3A_112 : i1 to i32
      %cond3A_114 = arith.constant 0 : i32
      %cond3A_115 = arith.cmpi ne, %convert_element_type3A_113, %cond3A_114 : i32
      scf.if %cond3A_115 {
        %sub3A = arith.constant 2 : i32
        %sub3A_200 = arith.subi %mul3A_67, %sub3A : i32
        %mul3A_201 = arith.constant 6 : i32
        %mul3A_202 = arith.muli %add3A, %mul3A_201 : i32
        %div3A_203 = arith.constant 6 : i32
        %div3A_204 = arith.divsi %sub3A_200, %div3A_203 : i32
        %add3A_205 = arith.addi %mul3A_202, %div3A_204 : i32
        %rem3A_206 = arith.constant 6 : i32
        %rem3A_207 = arith.remsi %sub3A_200, %rem3A_206 : i32
        %div3A_208 = arith.constant 96 : i32
        %div3A_209 = arith.divsi %add3A_205, %div3A_208 : i32
        %rem3A_210 = arith.constant 96 : i32
        %rem3A_211 = arith.remsi %add3A_205, %rem3A_210 : i32
        %mul3A_212 = arith.constant 64 : i32
        %mul3A_213 = arith.muli %rem3A_207, %mul3A_212 : i32
        %dma_wait3A_214 = arith.constant 0 : i32
        %dma_wait3A_215 = tpu.memref_slice %arg4[%div3A_209, %rem3A_211, %mul3A_213, %dma_wait3A_214] : memref<2x96x384x384xf32, #tpu.memory_space<hbm>> -> memref<1x1x64x384xf32, #tpu.memory_space<hbm>>
        %dma_wait3A_216 = tpu.memref_squeeze %dma_wait3A_215 : memref<1x1x64x384xf32, #tpu.memory_space<hbm>> -> memref<64x384xf32, #tpu.memory_space<hbm>>
        %dma_wait3A_217 = arith.constant 0 : i32
        %dma_wait3A_218 = tpu.memref_slice %arg4[%div3A_209, %rem3A_211, %mul3A_213, %dma_wait3A_217] : memref<2x96x384x384xf32, #tpu.memory_space<hbm>> -> memref<1x1x64x384xf32, #tpu.memory_space<hbm>>
        %dma_wait3A_219 = tpu.memref_squeeze %dma_wait3A_218 : memref<1x1x64x384xf32, #tpu.memory_space<hbm>> -> memref<64x384xf32, #tpu.memory_space<hbm>>
        tpu.wait_dma2 semaphore(%arg16 : memref<!tpu.dma_semaphore, #tpu.memory_space<semaphore_mem>>) src(%arg12 : memref<64x384xf32, #tpu.memory_space<vmem>>) dst(%dma_wait3A_219 : memref<64x384xf32, #tpu.memory_space<hbm>>)
      } else {
      }
      %get3A = arith.constant 0 : index
      %get3A_116 = tpu.vector_load %arg8[%get3A] {strides = array<i32>} : memref<16xf32, #tpu.memory_space<vmem>>, vector<16xf32>,
      %get3A_117 = arith.constant 0 : index
      %get3A_118 = tpu.vector_load %arg9[%get3A_117] {strides = array<i32>} : memref<16xf32, #tpu.memory_space<vmem>>, vector<16xf32>,
      %parallel_loop3A = arith.constant 0 : i32
      %parallel_loop3A_119 = arith.constant 64 : i32
      %parallel_loop3A_120 = arith.constant 1 : i32
      scf.for %parallel_loop3A_200 = %parallel_loop3A to %parallel_loop3A_119 step %parallel_loop3A_120  : i32 {
        %parallel_loop3A_201 = arith.index_cast %parallel_loop3A_200 : i32 to index
        %parallel_loop3A_202 = arith.constant 0 : index
        %parallel_loop3A_203 = tpu.vector_load %arg10[%parallel_loop3A_201, %parallel_loop3A_202] {strides = array<i32>} : memref<64x384xf32, #tpu.memory_space<vmem>>, vector<16xf32>,
        %parallel_loop3A_204 = arith.mulf %parallel_loop3A_203, %get3A_118 : vector<16xf32>
        %parallel_loop3A_205 = arith.subf %parallel_loop3A_204, %get3A_116 : vector<16xf32>
        %parallel_loop3A_206 = arith.constant 0.000000e+00 : f32
        %parallel_loop3A_207 = vector.broadcast %parallel_loop3A_206 : f32 to vector<16xf32>
        %parallel_loop3A_208 = arith.maximumf %parallel_loop3A_205, %parallel_loop3A_207 : vector<16xf32>
        %parallel_loop3A_209 = arith.constant 7.007000e+00 : f32
        %parallel_loop3A_210 = vector.broadcast %parallel_loop3A_209 : f32 to vector<16xf32>
        %parallel_loop3A_211 = arith.minimumf %parallel_loop3A_208, %parallel_loop3A_210 : vector<16xf32>
        %parallel_loop3A_212 = arith.fptosi %parallel_loop3A_211 : vector<16xf32> to vector<16xi32>
        %parallel_loop3A_213 = tpu.vector_load_idx %arg6[%parallel_loop3A_212] : memref<16xf32, #tpu.memory_space<vmem>>[vector<16xi32>], vector<16xf32>,
        %parallel_loop3A_214 = tpu.vector_load_idx %arg7[%parallel_loop3A_212] : memref<16xf32, #tpu.memory_space<vmem>>[vector<16xi32>], vector<16xf32>,
        %parallel_loop3A_215 = arith.mulf %parallel_loop3A_205, %parallel_loop3A_214 : vector<16xf32>
        %parallel_loop3A_216 = arith.addf %parallel_loop3A_213, %parallel_loop3A_215 : vector<16xf32>
        %parallel_loop3A_217 = arith.index_cast %parallel_loop3A_200 : i32 to index
        %parallel_loop3A_218 = arith.constant 0 : index
        %parallel_loop3A_219 = tpu.vector_load %arg12[%parallel_loop3A_217, %parallel_loop3A_218] {strides = array<i32>} : memref<64x384xf32, #tpu.memory_space<vmem>>, vector<16xf32>,
        tpu.vector_store %arg12[%parallel_loop3A_217, %parallel_loop3A_218], %parallel_loop3A_216 {strides = array<i32>} : memref<64x384xf32, #tpu.memory_space<vmem>>, vector<16xf32>,
        %parallel_loop3A_220 = arith.index_cast %parallel_loop3A_200 : i32 to index
        %parallel_loop3A_221 = arith.constant 16 : index
        %parallel_loop3A_222 = tpu.vector_load %arg10[%parallel_loop3A_220, %parallel_loop3A_221] {strides = array<i32>} : memref<64x384xf32, #tpu.memory_space<vmem>>, vector<16xf32>,
        %parallel_loop3A_223 = arith.mulf %parallel_loop3A_222, %get3A_118 : vector<16xf32>
        %parallel_loop3A_224 = arith.subf %parallel_loop3A_223, %get3A_116 : vector<16xf32>
        %parallel_loop3A_225 = arith.constant 0.000000e+00 : f32
        %parallel_loop3A_226 = vector.broadcast %parallel_loop3A_225 : f32 to vector<16xf32>
        %parallel_loop3A_227 = arith.maximumf %parallel_loop3A_224, %parallel_loop3A_226 : vector<16xf32>
        %parallel_loop3A_228 = arith.constant 7.007000e+00 : f32
        %parallel_loop3A_229 = vector.broadcast %parallel_loop3A_228 : f32 to vector<16xf32>
        %parallel_loop3A_230 = arith.minimumf %parallel_loop3A_227, %parallel_loop3A_229 : vector<16xf32>
        %parallel_loop3A_231 = arith.fptosi %parallel_loop3A_230 : vector<16xf32> to vector<16xi32>
        %parallel_loop3A_232 = tpu.vector_load_idx %arg6[%parallel_loop3A_231] : memref<16xf32, #tpu.memory_space<vmem>>[vector<16xi32>], vector<16xf32>,
        %parallel_loop3A_233 = tpu.vector_load_idx %arg7[%parallel_loop3A_231] : memref<16xf32, #tpu.memory_space<vmem>>[vector<16xi32>], vector<16xf32>,
        %parallel_loop3A_234 = arith.mulf %parallel_loop3A_224, %parallel_loop3A_233 : vector<16xf32>
        %parallel_loop3A_235 = arith.addf %parallel_loop3A_232, %parallel_loop3A_234 : vector<16xf32>
        %parallel_loop3A_236 = arith.index_cast %parallel_loop3A_200 : i32 to index
        %parallel_loop3A_237 = arith.constant 16 : index
        %parallel_loop3A_238 = tpu.vector_load %arg12[%parallel_loop3A_236, %parallel_loop3A_237] {strides = array<i32>} : memref<64x384xf32, #tpu.memory_space<vmem>>, vector<16xf32>,
        tpu.vector_store %arg12[%parallel_loop3A_236, %parallel_loop3A_237], %parallel_loop3A_235 {strides = array<i32>} : memref<64x384xf32, #tpu.memory_space<vmem>>, vector<16xf32>,
        %parallel_loop3A_239 = arith.index_cast %parallel_loop3A_200 : i32 to index
        %parallel_loop3A_240 = arith.constant 32 : index
        %parallel_loop3A_241 = tpu.vector_load %arg10[%parallel_loop3A_239, %parallel_loop3A_240] {strides = array<i32>} : memref<64x384xf32, #tpu.memory_space<vmem>>, vector<16xf32>,
        %parallel_loop3A_242 = arith.mulf %parallel_loop3A_241, %get3A_118 : vector<16xf32>
        %parallel_loop3A_243 = arith.subf %parallel_loop3A_242, %get3A_116 : vector<16xf32>
        %parallel_loop3A_244 = arith.constant 0.000000e+00 : f32
        %parallel_loop3A_245 = vector.broadcast %parallel_loop3A_244 : f32 to vector<16xf32>
        %parallel_loop3A_246 = arith.maximumf %parallel_loop3A_243, %parallel_loop3A_245 : vector<16xf32>
        %parallel_loop3A_247 = arith.constant 7.007000e+00 : f32
        %parallel_loop3A_248 = vector.broadcast %parallel_loop3A_247 : f32 to vector<16xf32>
        %parallel_loop3A_249 = arith.minimumf %parallel_loop3A_246, %parallel_loop3A_248 : vector<16xf32>
        %parallel_loop3A_250 = arith.fptosi %parallel_loop3A_249 : vector<16xf32> to vector<16xi32>
        %parallel_loop3A_251 = tpu.vector_load_idx %arg6[%parallel_loop3A_250] : memref<16xf32, #tpu.memory_space<vmem>>[vector<16xi32>], vector<16xf32>,
        %parallel_loop3A_252 = tpu.vector_load_idx %arg7[%parallel_loop3A_250] : memref<16xf32, #tpu.memory_space<vmem>>[vector<16xi32>], vector<16xf32>,
        %parallel_loop3A_253 = arith.mulf %parallel_loop3A_243, %parallel_loop3A_252 : vector<16xf32>
        %parallel_loop3A_254 = arith.addf %parallel_loop3A_251, %parallel_loop3A_253 : vector<16xf32>
        %parallel_loop3A_255 = arith.index_cast %parallel_loop3A_200 : i32 to index
        %parallel_loop3A_256 = arith.constant 32 : index
        %parallel_loop3A_257 = tpu.vector_load %arg12[%parallel_loop3A_255, %parallel_loop3A_256] {strides = array<i32>} : memref<64x384xf32, #tpu.memory_space<vmem>>, vector<16xf32>,
        tpu.vector_store %arg12[%parallel_loop3A_255, %parallel_loop3A_256], %parallel_loop3A_254 {strides = array<i32>} : memref<64x384xf32, #tpu.memory_space<vmem>>, vector<16xf32>,
        %parallel_loop3A_258 = arith.index_cast %parallel_loop3A_200 : i32 to index
        %parallel_loop3A_259 = arith.constant 48 : index
        %parallel_loop3A_260 = tpu.vector_load %arg10[%parallel_loop3A_258, %parallel_loop3A_259] {strides = array<i32>} : memref<64x384xf32, #tpu.memory_space<vmem>>, vector<16xf32>,
        %parallel_loop3A_261 = arith.mulf %parallel_loop3A_260, %get3A_118 : vector<16xf32>
        %parallel_loop3A_262 = arith.subf %parallel_loop3A_261, %get3A_116 : vector<16xf32>
        %parallel_loop3A_263 = arith.constant 0.000000e+00 : f32
        %parallel_loop3A_264 = vector.broadcast %parallel_loop3A_263 : f32 to vector<16xf32>
        %parallel_loop3A_265 = arith.maximumf %parallel_loop3A_262, %parallel_loop3A_264 : vector<16xf32>
        %parallel_loop3A_266 = arith.constant 7.007000e+00 : f32
        %parallel_loop3A_267 = vector.broadcast %parallel_loop3A_266 : f32 to vector<16xf32>
        %parallel_loop3A_268 = arith.minimumf %parallel_loop3A_265, %parallel_loop3A_267 : vector<16xf32>
        %parallel_loop3A_269 = arith.fptosi %parallel_loop3A_268 : vector<16xf32> to vector<16xi32>
        %parallel_loop3A_270 = tpu.vector_load_idx %arg6[%parallel_loop3A_269] : memref<16xf32, #tpu.memory_space<vmem>>[vector<16xi32>], vector<16xf32>,
        %parallel_loop3A_271 = tpu.vector_load_idx %arg7[%parallel_loop3A_269] : memref<16xf32, #tpu.memory_space<vmem>>[vector<16xi32>], vector<16xf32>,
        %parallel_loop3A_272 = arith.mulf %parallel_loop3A_262, %parallel_loop3A_271 : vector<16xf32>
        %parallel_loop3A_273 = arith.addf %parallel_loop3A_270, %parallel_loop3A_272 : vector<16xf32>
        %parallel_loop3A_274 = arith.index_cast %parallel_loop3A_200 : i32 to index
        %parallel_loop3A_275 = arith.constant 48 : index
        %parallel_loop3A_276 = tpu.vector_load %arg12[%parallel_loop3A_274, %parallel_loop3A_275] {strides = array<i32>} : memref<64x384xf32, #tpu.memory_space<vmem>>, vector<16xf32>,
        tpu.vector_store %arg12[%parallel_loop3A_274, %parallel_loop3A_275], %parallel_loop3A_273 {strides = array<i32>} : memref<64x384xf32, #tpu.memory_space<vmem>>, vector<16xf32>,
        %parallel_loop3A_277 = arith.index_cast %parallel_loop3A_200 : i32 to index
        %parallel_loop3A_278 = arith.constant 64 : index
        %parallel_loop3A_279 = tpu.vector_load %arg10[%parallel_loop3A_277, %parallel_loop3A_278] {strides = array<i32>} : memref<64x384xf32, #tpu.memory_space<vmem>>, vector<16xf32>,
        %parallel_loop3A_280 = arith.mulf %parallel_loop3A_279, %get3A_118 : vector<16xf32>
        %parallel_loop3A_281 = arith.subf %parallel_loop3A_280, %get3A_116 : vector<16xf32>
        %parallel_loop3A_282 = arith.constant 0.000000e+00 : f32
        %parallel_loop3A_283 = vector.broadcast %parallel_loop3A_282 : f32 to vector<16xf32>
        %parallel_loop3A_284 = arith.maximumf %parallel_loop3A_281, %parallel_loop3A_283 : vector<16xf32>
        %parallel_loop3A_285 = arith.constant 7.007000e+00 : f32
        %parallel_loop3A_286 = vector.broadcast %parallel_loop3A_285 : f32 to vector<16xf32>
        %parallel_loop3A_287 = arith.minimumf %parallel_loop3A_284, %parallel_loop3A_286 : vector<16xf32>
        %parallel_loop3A_288 = arith.fptosi %parallel_loop3A_287 : vector<16xf32> to vector<16xi32>
        %parallel_loop3A_289 = tpu.vector_load_idx %arg6[%parallel_loop3A_288] : memref<16xf32, #tpu.memory_space<vmem>>[vector<16xi32>], vector<16xf32>,
        %parallel_loop3A_290 = tpu.vector_load_idx %arg7[%parallel_loop3A_288] : memref<16xf32, #tpu.memory_space<vmem>>[vector<16xi32>], vector<16xf32>,
        %parallel_loop3A_291 = arith.mulf %parallel_loop3A_281, %parallel_loop3A_290 : vector<16xf32>
        %parallel_loop3A_292 = arith.addf %parallel_loop3A_289, %parallel_loop3A_291 : vector<16xf32>
        %parallel_loop3A_293 = arith.index_cast %parallel_loop3A_200 : i32 to index
        %parallel_loop3A_294 = arith.constant 64 : index
        %parallel_loop3A_295 = tpu.vector_load %arg12[%parallel_loop3A_293, %parallel_loop3A_294] {strides = array<i32>} : memref<64x384xf32, #tpu.memory_space<vmem>>, vector<16xf32>,
        tpu.vector_store %arg12[%parallel_loop3A_293, %parallel_loop3A_294], %parallel_loop3A_292 {strides = array<i32>} : memref<64x384xf32, #tpu.memory_space<vmem>>, vector<16xf32>,
        %parallel_loop3A_296 = arith.index_cast %parallel_loop3A_200 : i32 to index
        %parallel_loop3A_297 = arith.constant 80 : index
        %parallel_loop3A_298 = tpu.vector_load %arg10[%parallel_loop3A_296, %parallel_loop3A_297] {strides = array<i32>} : memref<64x384xf32, #tpu.memory_space<vmem>>, vector<16xf32>,
        %parallel_loop3A_299 = arith.mulf %parallel_loop3A_298, %get3A_118 : vector<16xf32>
        %parallel_loop3A_300 = arith.subf %parallel_loop3A_299, %get3A_116 : vector<16xf32>
        %parallel_loop3A_301 = arith.constant 0.000000e+00 : f32
        %parallel_loop3A_302 = vector.broadcast %parallel_loop3A_301 : f32 to vector<16xf32>
        %parallel_loop3A_303 = arith.maximumf %parallel_loop3A_300, %parallel_loop3A_302 : vector<16xf32>
        %parallel_loop3A_304 = arith.constant 7.007000e+00 : f32
        %parallel_loop3A_305 = vector.broadcast %parallel_loop3A_304 : f32 to vector<16xf32>
        %parallel_loop3A_306 = arith.minimumf %parallel_loop3A_303, %parallel_loop3A_305 : vector<16xf32>
        %parallel_loop3A_307 = arith.fptosi %parallel_loop3A_306 : vector<16xf32> to vector<16xi32>
        %parallel_loop3A_308 = tpu.vector_load_idx %arg6[%parallel_loop3A_307] : memref<16xf32, #tpu.memory_space<vmem>>[vector<16xi32>], vector<16xf32>,
        %parallel_loop3A_309 = tpu.vector_load_idx %arg7[%parallel_loop3A_307] : memref<16xf32, #tpu.memory_space<vmem>>[vector<16xi32>], vector<16xf32>,
        %parallel_loop3A_310 = arith.mulf %parallel_loop3A_300, %parallel_loop3A_309 : vector<16xf32>
        %parallel_loop3A_311 = arith.addf %parallel_loop3A_308, %parallel_loop3A_310 : vector<16xf32>
        %parallel_loop3A_312 = arith.index_cast %parallel_loop3A_200 : i32 to index
        %parallel_loop3A_313 = arith.constant 80 : index
        %parallel_loop3A_314 = tpu.vector_load %arg12[%parallel_loop3A_312, %parallel_loop3A_313] {strides = array<i32>} : memref<64x384xf32, #tpu.memory_space<vmem>>, vector<16xf32>,
        tpu.vector_store %arg12[%parallel_loop3A_312, %parallel_loop3A_313], %parallel_loop3A_311 {strides = array<i32>} : memref<64x384xf32, #tpu.memory_space<vmem>>, vector<16xf32>,
        %parallel_loop3A_315 = arith.index_cast %parallel_loop3A_200 : i32 to index
        %parallel_loop3A_316 = arith.constant 96 : index
        %parallel_loop3A_317 = tpu.vector_load %arg10[%parallel_loop3A_315, %parallel_loop3A_316] {strides = array<i32>} : memref<64x384xf32, #tpu.memory_space<vmem>>, vector<16xf32>,
        %parallel_loop3A_318 = arith.mulf %parallel_loop3A_317, %get3A_118 : vector<16xf32>
        %parallel_loop3A_319 = arith.subf %parallel_loop3A_318, %get3A_116 : vector<16xf32>
        %parallel_loop3A_320 = arith.constant 0.000000e+00 : f32
        %parallel_loop3A_321 = vector.broadcast %parallel_loop3A_320 : f32 to vector<16xf32>
        %parallel_loop3A_322 = arith.maximumf %parallel_loop3A_319, %parallel_loop3A_321 : vector<16xf32>
        %parallel_loop3A_323 = arith.constant 7.007000e+00 : f32
        %parallel_loop3A_324 = vector.broadcast %parallel_loop3A_323 : f32 to vector<16xf32>
        %parallel_loop3A_325 = arith.minimumf %parallel_loop3A_322, %parallel_loop3A_324 : vector<16xf32>
        %parallel_loop3A_326 = arith.fptosi %parallel_loop3A_325 : vector<16xf32> to vector<16xi32>
        %parallel_loop3A_327 = tpu.vector_load_idx %arg6[%parallel_loop3A_326] : memref<16xf32, #tpu.memory_space<vmem>>[vector<16xi32>], vector<16xf32>,
        %parallel_loop3A_328 = tpu.vector_load_idx %arg7[%parallel_loop3A_326] : memref<16xf32, #tpu.memory_space<vmem>>[vector<16xi32>], vector<16xf32>,
        %parallel_loop3A_329 = arith.mulf %parallel_loop3A_319, %parallel_loop3A_328 : vector<16xf32>
        %parallel_loop3A_330 = arith.addf %parallel_loop3A_327, %parallel_loop3A_329 : vector<16xf32>
        %parallel_loop3A_331 = arith.index_cast %parallel_loop3A_200 : i32 to index
        %parallel_loop3A_332 = arith.constant 96 : index
        %parallel_loop3A_333 = tpu.vector_load %arg12[%parallel_loop3A_331, %parallel_loop3A_332] {strides = array<i32>} : memref<64x384xf32, #tpu.memory_space<vmem>>, vector<16xf32>,
        tpu.vector_store %arg12[%parallel_loop3A_331, %parallel_loop3A_332], %parallel_loop3A_330 {strides = array<i32>} : memref<64x384xf32, #tpu.memory_space<vmem>>, vector<16xf32>,
        %parallel_loop3A_334 = arith.index_cast %parallel_loop3A_200 : i32 to index
        %parallel_loop3A_335 = arith.constant 112 : index
        %parallel_loop3A_336 = tpu.vector_load %arg10[%parallel_loop3A_334, %parallel_loop3A_335] {strides = array<i32>} : memref<64x384xf32, #tpu.memory_space<vmem>>, vector<16xf32>,
        %parallel_loop3A_337 = arith.mulf %parallel_loop3A_336, %get3A_118 : vector<16xf32>
        %parallel_loop3A_338 = arith.subf %parallel_loop3A_337, %get3A_116 : vector<16xf32>
        %parallel_loop3A_339 = arith.constant 0.000000e+00 : f32
        %parallel_loop3A_340 = vector.broadcast %parallel_loop3A_339 : f32 to vector<16xf32>
        %parallel_loop3A_341 = arith.maximumf %parallel_loop3A_338, %parallel_loop3A_340 : vector<16xf32>
        %parallel_loop3A_342 = arith.constant 7.007000e+00 : f32
        %parallel_loop3A_343 = vector.broadcast %parallel_loop3A_342 : f32 to vector<16xf32>
        %parallel_loop3A_344 = arith.minimumf %parallel_loop3A_341, %parallel_loop3A_343 : vector<16xf32>
        %parallel_loop3A_345 = arith.fptosi %parallel_loop3A_344 : vector<16xf32> to vector<16xi32>
        %parallel_loop3A_346 = tpu.vector_load_idx %arg6[%parallel_loop3A_345] : memref<16xf32, #tpu.memory_space<vmem>>[vector<16xi32>], vector<16xf32>,
        %parallel_loop3A_347 = tpu.vector_load_idx %arg7[%parallel_loop3A_345] : memref<16xf32, #tpu.memory_space<vmem>>[vector<16xi32>], vector<16xf32>,
        %parallel_loop3A_348 = arith.mulf %parallel_loop3A_338, %parallel_loop3A_347 : vector<16xf32>
        %parallel_loop3A_349 = arith.addf %parallel_loop3A_346, %parallel_loop3A_348 : vector<16xf32>
        %parallel_loop3A_350 = arith.index_cast %parallel_loop3A_200 : i32 to index
        %parallel_loop3A_351 = arith.constant 112 : index
        %parallel_loop3A_352 = tpu.vector_load %arg12[%parallel_loop3A_350, %parallel_loop3A_351] {strides = array<i32>} : memref<64x384xf32, #tpu.memory_space<vmem>>, vector<16xf32>,
        tpu.vector_store %arg12[%parallel_loop3A_350, %parallel_loop3A_351], %parallel_loop3A_349 {strides = array<i32>} : memref<64x384xf32, #tpu.memory_space<vmem>>, vector<16xf32>,
        %parallel_loop3A_353 = arith.index_cast %parallel_loop3A_200 : i32 to index
        %parallel_loop3A_354 = arith.constant 128 : index
        %parallel_loop3A_355 = tpu.vector_load %arg10[%parallel_loop3A_353, %parallel_loop3A_354] {strides = array<i32>} : memref<64x384xf32, #tpu.memory_space<vmem>>, vector<16xf32>,
        %parallel_loop3A_356 = arith.mulf %parallel_loop3A_355, %get3A_118 : vector<16xf32>
        %parallel_loop3A_357 = arith.subf %parallel_loop3A_356, %get3A_116 : vector<16xf32>
        %parallel_loop3A_358 = arith.constant 0.000000e+00 : f32
        %parallel_loop3A_359 = vector.broadcast %parallel_loop3A_358 : f32 to vector<16xf32>
        %parallel_loop3A_360 = arith.maximumf %parallel_loop3A_357, %parallel_loop3A_359 : vector<16xf32>
        %parallel_loop3A_361 = arith.constant 7.007000e+00 : f32
        %parallel_loop3A_362 = vector.broadcast %parallel_loop3A_361 : f32 to vector<16xf32>
        %parallel_loop3A_363 = arith.minimumf %parallel_loop3A_360, %parallel_loop3A_362 : vector<16xf32>
        %parallel_loop3A_364 = arith.fptosi %parallel_loop3A_363 : vector<16xf32> to vector<16xi32>
        %parallel_loop3A_365 = tpu.vector_load_idx %arg6[%parallel_loop3A_364] : memref<16xf32, #tpu.memory_space<vmem>>[vector<16xi32>], vector<16xf32>,
        %parallel_loop3A_366 = tpu.vector_load_idx %arg7[%parallel_loop3A_364] : memref<16xf32, #tpu.memory_space<vmem>>[vector<16xi32>], vector<16xf32>,
        %parallel_loop3A_367 = arith.mulf %parallel_loop3A_357, %parallel_loop3A_366 : vector<16xf32>
        %parallel_loop3A_368 = arith.addf %parallel_loop3A_365, %parallel_loop3A_367 : vector<16xf32>
        %parallel_loop3A_369 = arith.index_cast %parallel_loop3A_200 : i32 to index
        %parallel_loop3A_370 = arith.constant 128 : index
        %parallel_loop3A_371 = tpu.vector_load %arg12[%parallel_loop3A_369, %parallel_loop3A_370] {strides = array<i32>} : memref<64x384xf32, #tpu.memory_space<vmem>>, vector<16xf32>,
        tpu.vector_store %arg12[%parallel_loop3A_369, %parallel_loop3A_370], %parallel_loop3A_368 {strides = array<i32>} : memref<64x384xf32, #tpu.memory_space<vmem>>, vector<16xf32>,
        %parallel_loop3A_372 = arith.index_cast %parallel_loop3A_200 : i32 to index
        %parallel_loop3A_373 = arith.constant 144 : index
        %parallel_loop3A_374 = tpu.vector_load %arg10[%parallel_loop3A_372, %parallel_loop3A_373] {strides = array<i32>} : memref<64x384xf32, #tpu.memory_space<vmem>>, vector<16xf32>,
        %parallel_loop3A_375 = arith.mulf %parallel_loop3A_374, %get3A_118 : vector<16xf32>
        %parallel_loop3A_376 = arith.subf %parallel_loop3A_375, %get3A_116 : vector<16xf32>
        %parallel_loop3A_377 = arith.constant 0.000000e+00 : f32
        %parallel_loop3A_378 = vector.broadcast %parallel_loop3A_377 : f32 to vector<16xf32>
        %parallel_loop3A_379 = arith.maximumf %parallel_loop3A_376, %parallel_loop3A_378 : vector<16xf32>
        %parallel_loop3A_380 = arith.constant 7.007000e+00 : f32
        %parallel_loop3A_381 = vector.broadcast %parallel_loop3A_380 : f32 to vector<16xf32>
        %parallel_loop3A_382 = arith.minimumf %parallel_loop3A_379, %parallel_loop3A_381 : vector<16xf32>
        %parallel_loop3A_383 = arith.fptosi %parallel_loop3A_382 : vector<16xf32> to vector<16xi32>
        %parallel_loop3A_384 = tpu.vector_load_idx %arg6[%parallel_loop3A_383] : memref<16xf32, #tpu.memory_space<vmem>>[vector<16xi32>], vector<16xf32>,
        %parallel_loop3A_385 = tpu.vector_load_idx %arg7[%parallel_loop3A_383] : memref<16xf32, #tpu.memory_space<vmem>>[vector<16xi32>], vector<16xf32>,
        %parallel_loop3A_386 = arith.mulf %parallel_loop3A_376, %parallel_loop3A_385 : vector<16xf32>
        %parallel_loop3A_387 = arith.addf %parallel_loop3A_384, %parallel_loop3A_386 : vector<16xf32>
        %parallel_loop3A_388 = arith.index_cast %parallel_loop3A_200 : i32 to index
        %parallel_loop3A_389 = arith.constant 144 : index
        %parallel_loop3A_390 = tpu.vector_load %arg12[%parallel_loop3A_388, %parallel_loop3A_389] {strides = array<i32>} : memref<64x384xf32, #tpu.memory_space<vmem>>, vector<16xf32>,
        tpu.vector_store %arg12[%parallel_loop3A_388, %parallel_loop3A_389], %parallel_loop3A_387 {strides = array<i32>} : memref<64x384xf32, #tpu.memory_space<vmem>>, vector<16xf32>,
        %parallel_loop3A_391 = arith.index_cast %parallel_loop3A_200 : i32 to index
        %parallel_loop3A_392 = arith.constant 160 : index
        %parallel_loop3A_393 = tpu.vector_load %arg10[%parallel_loop3A_391, %parallel_loop3A_392] {strides = array<i32>} : memref<64x384xf32, #tpu.memory_space<vmem>>, vector<16xf32>,
        %parallel_loop3A_394 = arith.mulf %parallel_loop3A_393, %get3A_118 : vector<16xf32>
        %parallel_loop3A_395 = arith.subf %parallel_loop3A_394, %get3A_116 : vector<16xf32>
        %parallel_loop3A_396 = arith.constant 0.000000e+00 : f32
        %parallel_loop3A_397 = vector.broadcast %parallel_loop3A_396 : f32 to vector<16xf32>
        %parallel_loop3A_398 = arith.maximumf %parallel_loop3A_395, %parallel_loop3A_397 : vector<16xf32>
        %parallel_loop3A_399 = arith.constant 7.007000e+00 : f32
        %parallel_loop3A_400 = vector.broadcast %parallel_loop3A_399 : f32 to vector<16xf32>
        %parallel_loop3A_401 = arith.minimumf %parallel_loop3A_398, %parallel_loop3A_400 : vector<16xf32>
        %parallel_loop3A_402 = arith.fptosi %parallel_loop3A_401 : vector<16xf32> to vector<16xi32>
        %parallel_loop3A_403 = tpu.vector_load_idx %arg6[%parallel_loop3A_402] : memref<16xf32, #tpu.memory_space<vmem>>[vector<16xi32>], vector<16xf32>,
        %parallel_loop3A_404 = tpu.vector_load_idx %arg7[%parallel_loop3A_402] : memref<16xf32, #tpu.memory_space<vmem>>[vector<16xi32>], vector<16xf32>,
        %parallel_loop3A_405 = arith.mulf %parallel_loop3A_395, %parallel_loop3A_404 : vector<16xf32>
        %parallel_loop3A_406 = arith.addf %parallel_loop3A_403, %parallel_loop3A_405 : vector<16xf32>
        %parallel_loop3A_407 = arith.index_cast %parallel_loop3A_200 : i32 to index
        %parallel_loop3A_408 = arith.constant 160 : index
        %parallel_loop3A_409 = tpu.vector_load %arg12[%parallel_loop3A_407, %parallel_loop3A_408] {strides = array<i32>} : memref<64x384xf32, #tpu.memory_space<vmem>>, vector<16xf32>,
        tpu.vector_store %arg12[%parallel_loop3A_407, %parallel_loop3A_408], %parallel_loop3A_406 {strides = array<i32>} : memref<64x384xf32, #tpu.memory_space<vmem>>, vector<16xf32>,
        %parallel_loop3A_410 = arith.index_cast %parallel_loop3A_200 : i32 to index
        %parallel_loop3A_411 = arith.constant 176 : index
        %parallel_loop3A_412 = tpu.vector_load %arg10[%parallel_loop3A_410, %parallel_loop3A_411] {strides = array<i32>} : memref<64x384xf32, #tpu.memory_space<vmem>>, vector<16xf32>,
        %parallel_loop3A_413 = arith.mulf %parallel_loop3A_412, %get3A_118 : vector<16xf32>
        %parallel_loop3A_414 = arith.subf %parallel_loop3A_413, %get3A_116 : vector<16xf32>
        %parallel_loop3A_415 = arith.constant 0.000000e+00 : f32
        %parallel_loop3A_416 = vector.broadcast %parallel_loop3A_415 : f32 to vector<16xf32>
        %parallel_loop3A_417 = arith.maximumf %parallel_loop3A_414, %parallel_loop3A_416 : vector<16xf32>
        %parallel_loop3A_418 = arith.constant 7.007000e+00 : f32
        %parallel_loop3A_419 = vector.broadcast %parallel_loop3A_418 : f32 to vector<16xf32>
        %parallel_loop3A_420 = arith.minimumf %parallel_loop3A_417, %parallel_loop3A_419 : vector<16xf32>
        %parallel_loop3A_421 = arith.fptosi %parallel_loop3A_420 : vector<16xf32> to vector<16xi32>
        %parallel_loop3A_422 = tpu.vector_load_idx %arg6[%parallel_loop3A_421] : memref<16xf32, #tpu.memory_space<vmem>>[vector<16xi32>], vector<16xf32>,
        %parallel_loop3A_423 = tpu.vector_load_idx %arg7[%parallel_loop3A_421] : memref<16xf32, #tpu.memory_space<vmem>>[vector<16xi32>], vector<16xf32>,
        %parallel_loop3A_424 = arith.mulf %parallel_loop3A_414, %parallel_loop3A_423 : vector<16xf32>
        %parallel_loop3A_425 = arith.addf %parallel_loop3A_422, %parallel_loop3A_424 : vector<16xf32>
        %parallel_loop3A_426 = arith.index_cast %parallel_loop3A_200 : i32 to index
        %parallel_loop3A_427 = arith.constant 176 : index
        %parallel_loop3A_428 = tpu.vector_load %arg12[%parallel_loop3A_426, %parallel_loop3A_427] {strides = array<i32>} : memref<64x384xf32, #tpu.memory_space<vmem>>, vector<16xf32>,
        tpu.vector_store %arg12[%parallel_loop3A_426, %parallel_loop3A_427], %parallel_loop3A_425 {strides = array<i32>} : memref<64x384xf32, #tpu.memory_space<vmem>>, vector<16xf32>,
        %parallel_loop3A_429 = arith.index_cast %parallel_loop3A_200 : i32 to index
        %parallel_loop3A_430 = arith.constant 192 : index
        %parallel_loop3A_431 = tpu.vector_load %arg10[%parallel_loop3A_429, %parallel_loop3A_430] {strides = array<i32>} : memref<64x384xf32, #tpu.memory_space<vmem>>, vector<16xf32>,
        %parallel_loop3A_432 = arith.mulf %parallel_loop3A_431, %get3A_118 : vector<16xf32>
        %parallel_loop3A_433 = arith.subf %parallel_loop3A_432, %get3A_116 : vector<16xf32>
        %parallel_loop3A_434 = arith.constant 0.000000e+00 : f32
        %parallel_loop3A_435 = vector.broadcast %parallel_loop3A_434 : f32 to vector<16xf32>
        %parallel_loop3A_436 = arith.maximumf %parallel_loop3A_433, %parallel_loop3A_435 : vector<16xf32>
        %parallel_loop3A_437 = arith.constant 7.007000e+00 : f32
        %parallel_loop3A_438 = vector.broadcast %parallel_loop3A_437 : f32 to vector<16xf32>
        %parallel_loop3A_439 = arith.minimumf %parallel_loop3A_436, %parallel_loop3A_438 : vector<16xf32>
        %parallel_loop3A_440 = arith.fptosi %parallel_loop3A_439 : vector<16xf32> to vector<16xi32>
        %parallel_loop3A_441 = tpu.vector_load_idx %arg6[%parallel_loop3A_440] : memref<16xf32, #tpu.memory_space<vmem>>[vector<16xi32>], vector<16xf32>,
        %parallel_loop3A_442 = tpu.vector_load_idx %arg7[%parallel_loop3A_440] : memref<16xf32, #tpu.memory_space<vmem>>[vector<16xi32>], vector<16xf32>,
        %parallel_loop3A_443 = arith.mulf %parallel_loop3A_433, %parallel_loop3A_442 : vector<16xf32>
        %parallel_loop3A_444 = arith.addf %parallel_loop3A_441, %parallel_loop3A_443 : vector<16xf32>
        %parallel_loop3A_445 = arith.index_cast %parallel_loop3A_200 : i32 to index
        %parallel_loop3A_446 = arith.constant 192 : index
        %parallel_loop3A_447 = tpu.vector_load %arg12[%parallel_loop3A_445, %parallel_loop3A_446] {strides = array<i32>} : memref<64x384xf32, #tpu.memory_space<vmem>>, vector<16xf32>,
        tpu.vector_store %arg12[%parallel_loop3A_445, %parallel_loop3A_446], %parallel_loop3A_444 {strides = array<i32>} : memref<64x384xf32, #tpu.memory_space<vmem>>, vector<16xf32>,
        %parallel_loop3A_448 = arith.index_cast %parallel_loop3A_200 : i32 to index
        %parallel_loop3A_449 = arith.constant 208 : index
        %parallel_loop3A_450 = tpu.vector_load %arg10[%parallel_loop3A_448, %parallel_loop3A_449] {strides = array<i32>} : memref<64x384xf32, #tpu.memory_space<vmem>>, vector<16xf32>,
        %parallel_loop3A_451 = arith.mulf %parallel_loop3A_450, %get3A_118 : vector<16xf32>
        %parallel_loop3A_452 = arith.subf %parallel_loop3A_451, %get3A_116 : vector<16xf32>
        %parallel_loop3A_453 = arith.constant 0.000000e+00 : f32
        %parallel_loop3A_454 = vector.broadcast %parallel_loop3A_453 : f32 to vector<16xf32>
        %parallel_loop3A_455 = arith.maximumf %parallel_loop3A_452, %parallel_loop3A_454 : vector<16xf32>
        %parallel_loop3A_456 = arith.constant 7.007000e+00 : f32
        %parallel_loop3A_457 = vector.broadcast %parallel_loop3A_456 : f32 to vector<16xf32>
        %parallel_loop3A_458 = arith.minimumf %parallel_loop3A_455, %parallel_loop3A_457 : vector<16xf32>
        %parallel_loop3A_459 = arith.fptosi %parallel_loop3A_458 : vector<16xf32> to vector<16xi32>
        %parallel_loop3A_460 = tpu.vector_load_idx %arg6[%parallel_loop3A_459] : memref<16xf32, #tpu.memory_space<vmem>>[vector<16xi32>], vector<16xf32>,
        %parallel_loop3A_461 = tpu.vector_load_idx %arg7[%parallel_loop3A_459] : memref<16xf32, #tpu.memory_space<vmem>>[vector<16xi32>], vector<16xf32>,
        %parallel_loop3A_462 = arith.mulf %parallel_loop3A_452, %parallel_loop3A_461 : vector<16xf32>
        %parallel_loop3A_463 = arith.addf %parallel_loop3A_460, %parallel_loop3A_462 : vector<16xf32>
        %parallel_loop3A_464 = arith.index_cast %parallel_loop3A_200 : i32 to index
        %parallel_loop3A_465 = arith.constant 208 : index
        %parallel_loop3A_466 = tpu.vector_load %arg12[%parallel_loop3A_464, %parallel_loop3A_465] {strides = array<i32>} : memref<64x384xf32, #tpu.memory_space<vmem>>, vector<16xf32>,
        tpu.vector_store %arg12[%parallel_loop3A_464, %parallel_loop3A_465], %parallel_loop3A_463 {strides = array<i32>} : memref<64x384xf32, #tpu.memory_space<vmem>>, vector<16xf32>,
        %parallel_loop3A_467 = arith.index_cast %parallel_loop3A_200 : i32 to index
        %parallel_loop3A_468 = arith.constant 224 : index
        %parallel_loop3A_469 = tpu.vector_load %arg10[%parallel_loop3A_467, %parallel_loop3A_468] {strides = array<i32>} : memref<64x384xf32, #tpu.memory_space<vmem>>, vector<16xf32>,
        %parallel_loop3A_470 = arith.mulf %parallel_loop3A_469, %get3A_118 : vector<16xf32>
        %parallel_loop3A_471 = arith.subf %parallel_loop3A_470, %get3A_116 : vector<16xf32>
        %parallel_loop3A_472 = arith.constant 0.000000e+00 : f32
        %parallel_loop3A_473 = vector.broadcast %parallel_loop3A_472 : f32 to vector<16xf32>
        %parallel_loop3A_474 = arith.maximumf %parallel_loop3A_471, %parallel_loop3A_473 : vector<16xf32>
        %parallel_loop3A_475 = arith.constant 7.007000e+00 : f32
        %parallel_loop3A_476 = vector.broadcast %parallel_loop3A_475 : f32 to vector<16xf32>
        %parallel_loop3A_477 = arith.minimumf %parallel_loop3A_474, %parallel_loop3A_476 : vector<16xf32>
        %parallel_loop3A_478 = arith.fptosi %parallel_loop3A_477 : vector<16xf32> to vector<16xi32>
        %parallel_loop3A_479 = tpu.vector_load_idx %arg6[%parallel_loop3A_478] : memref<16xf32, #tpu.memory_space<vmem>>[vector<16xi32>], vector<16xf32>,
        %parallel_loop3A_480 = tpu.vector_load_idx %arg7[%parallel_loop3A_478] : memref<16xf32, #tpu.memory_space<vmem>>[vector<16xi32>], vector<16xf32>,
        %parallel_loop3A_481 = arith.mulf %parallel_loop3A_471, %parallel_loop3A_480 : vector<16xf32>
        %parallel_loop3A_482 = arith.addf %parallel_loop3A_479, %parallel_loop3A_481 : vector<16xf32>
        %parallel_loop3A_483 = arith.index_cast %parallel_loop3A_200 : i32 to index
        %parallel_loop3A_484 = arith.constant 224 : index
        %parallel_loop3A_485 = tpu.vector_load %arg12[%parallel_loop3A_483, %parallel_loop3A_484] {strides = array<i32>} : memref<64x384xf32, #tpu.memory_space<vmem>>, vector<16xf32>,
        tpu.vector_store %arg12[%parallel_loop3A_483, %parallel_loop3A_484], %parallel_loop3A_482 {strides = array<i32>} : memref<64x384xf32, #tpu.memory_space<vmem>>, vector<16xf32>,
        %parallel_loop3A_486 = arith.index_cast %parallel_loop3A_200 : i32 to index
        %parallel_loop3A_487 = arith.constant 240 : index
        %parallel_loop3A_488 = tpu.vector_load %arg10[%parallel_loop3A_486, %parallel_loop3A_487] {strides = array<i32>} : memref<64x384xf32, #tpu.memory_space<vmem>>, vector<16xf32>,
        %parallel_loop3A_489 = arith.mulf %parallel_loop3A_488, %get3A_118 : vector<16xf32>
        %parallel_loop3A_490 = arith.subf %parallel_loop3A_489, %get3A_116 : vector<16xf32>
        %parallel_loop3A_491 = arith.constant 0.000000e+00 : f32
        %parallel_loop3A_492 = vector.broadcast %parallel_loop3A_491 : f32 to vector<16xf32>
        %parallel_loop3A_493 = arith.maximumf %parallel_loop3A_490, %parallel_loop3A_492 : vector<16xf32>
        %parallel_loop3A_494 = arith.constant 7.007000e+00 : f32
        %parallel_loop3A_495 = vector.broadcast %parallel_loop3A_494 : f32 to vector<16xf32>
        %parallel_loop3A_496 = arith.minimumf %parallel_loop3A_493, %parallel_loop3A_495 : vector<16xf32>
        %parallel_loop3A_497 = arith.fptosi %parallel_loop3A_496 : vector<16xf32> to vector<16xi32>
        %parallel_loop3A_498 = tpu.vector_load_idx %arg6[%parallel_loop3A_497] : memref<16xf32, #tpu.memory_space<vmem>>[vector<16xi32>], vector<16xf32>,
        %parallel_loop3A_499 = tpu.vector_load_idx %arg7[%parallel_loop3A_497] : memref<16xf32, #tpu.memory_space<vmem>>[vector<16xi32>], vector<16xf32>,
        %parallel_loop3A_500 = arith.mulf %parallel_loop3A_490, %parallel_loop3A_499 : vector<16xf32>
        %parallel_loop3A_501 = arith.addf %parallel_loop3A_498, %parallel_loop3A_500 : vector<16xf32>
        %parallel_loop3A_502 = arith.index_cast %parallel_loop3A_200 : i32 to index
        %parallel_loop3A_503 = arith.constant 240 : index
        %parallel_loop3A_504 = tpu.vector_load %arg12[%parallel_loop3A_502, %parallel_loop3A_503] {strides = array<i32>} : memref<64x384xf32, #tpu.memory_space<vmem>>, vector<16xf32>,
        tpu.vector_store %arg12[%parallel_loop3A_502, %parallel_loop3A_503], %parallel_loop3A_501 {strides = array<i32>} : memref<64x384xf32, #tpu.memory_space<vmem>>, vector<16xf32>,
        %parallel_loop3A_505 = arith.index_cast %parallel_loop3A_200 : i32 to index
        %parallel_loop3A_506 = arith.constant 256 : index
        %parallel_loop3A_507 = tpu.vector_load %arg10[%parallel_loop3A_505, %parallel_loop3A_506] {strides = array<i32>} : memref<64x384xf32, #tpu.memory_space<vmem>>, vector<16xf32>,
        %parallel_loop3A_508 = arith.mulf %parallel_loop3A_507, %get3A_118 : vector<16xf32>
        %parallel_loop3A_509 = arith.subf %parallel_loop3A_508, %get3A_116 : vector<16xf32>
        %parallel_loop3A_510 = arith.constant 0.000000e+00 : f32
        %parallel_loop3A_511 = vector.broadcast %parallel_loop3A_510 : f32 to vector<16xf32>
        %parallel_loop3A_512 = arith.maximumf %parallel_loop3A_509, %parallel_loop3A_511 : vector<16xf32>
        %parallel_loop3A_513 = arith.constant 7.007000e+00 : f32
        %parallel_loop3A_514 = vector.broadcast %parallel_loop3A_513 : f32 to vector<16xf32>
        %parallel_loop3A_515 = arith.minimumf %parallel_loop3A_512, %parallel_loop3A_514 : vector<16xf32>
        %parallel_loop3A_516 = arith.fptosi %parallel_loop3A_515 : vector<16xf32> to vector<16xi32>
        %parallel_loop3A_517 = tpu.vector_load_idx %arg6[%parallel_loop3A_516] : memref<16xf32, #tpu.memory_space<vmem>>[vector<16xi32>], vector<16xf32>,
        %parallel_loop3A_518 = tpu.vector_load_idx %arg7[%parallel_loop3A_516] : memref<16xf32, #tpu.memory_space<vmem>>[vector<16xi32>], vector<16xf32>,
        %parallel_loop3A_519 = arith.mulf %parallel_loop3A_509, %parallel_loop3A_518 : vector<16xf32>
        %parallel_loop3A_520 = arith.addf %parallel_loop3A_517, %parallel_loop3A_519 : vector<16xf32>
        %parallel_loop3A_521 = arith.index_cast %parallel_loop3A_200 : i32 to index
        %parallel_loop3A_522 = arith.constant 256 : index
        %parallel_loop3A_523 = tpu.vector_load %arg12[%parallel_loop3A_521, %parallel_loop3A_522] {strides = array<i32>} : memref<64x384xf32, #tpu.memory_space<vmem>>, vector<16xf32>,
        tpu.vector_store %arg12[%parallel_loop3A_521, %parallel_loop3A_522], %parallel_loop3A_520 {strides = array<i32>} : memref<64x384xf32, #tpu.memory_space<vmem>>, vector<16xf32>,
        %parallel_loop3A_524 = arith.index_cast %parallel_loop3A_200 : i32 to index
        %parallel_loop3A_525 = arith.constant 272 : index
        %parallel_loop3A_526 = tpu.vector_load %arg10[%parallel_loop3A_524, %parallel_loop3A_525] {strides = array<i32>} : memref<64x384xf32, #tpu.memory_space<vmem>>, vector<16xf32>,
        %parallel_loop3A_527 = arith.mulf %parallel_loop3A_526, %get3A_118 : vector<16xf32>
        %parallel_loop3A_528 = arith.subf %parallel_loop3A_527, %get3A_116 : vector<16xf32>
        %parallel_loop3A_529 = arith.constant 0.000000e+00 : f32
        %parallel_loop3A_530 = vector.broadcast %parallel_loop3A_529 : f32 to vector<16xf32>
        %parallel_loop3A_531 = arith.maximumf %parallel_loop3A_528, %parallel_loop3A_530 : vector<16xf32>
        %parallel_loop3A_532 = arith.constant 7.007000e+00 : f32
        %parallel_loop3A_533 = vector.broadcast %parallel_loop3A_532 : f32 to vector<16xf32>
        %parallel_loop3A_534 = arith.minimumf %parallel_loop3A_531, %parallel_loop3A_533 : vector<16xf32>
        %parallel_loop3A_535 = arith.fptosi %parallel_loop3A_534 : vector<16xf32> to vector<16xi32>
        %parallel_loop3A_536 = tpu.vector_load_idx %arg6[%parallel_loop3A_535] : memref<16xf32, #tpu.memory_space<vmem>>[vector<16xi32>], vector<16xf32>,
        %parallel_loop3A_537 = tpu.vector_load_idx %arg7[%parallel_loop3A_535] : memref<16xf32, #tpu.memory_space<vmem>>[vector<16xi32>], vector<16xf32>,
        %parallel_loop3A_538 = arith.mulf %parallel_loop3A_528, %parallel_loop3A_537 : vector<16xf32>
        %parallel_loop3A_539 = arith.addf %parallel_loop3A_536, %parallel_loop3A_538 : vector<16xf32>
        %parallel_loop3A_540 = arith.index_cast %parallel_loop3A_200 : i32 to index
        %parallel_loop3A_541 = arith.constant 272 : index
        %parallel_loop3A_542 = tpu.vector_load %arg12[%parallel_loop3A_540, %parallel_loop3A_541] {strides = array<i32>} : memref<64x384xf32, #tpu.memory_space<vmem>>, vector<16xf32>,
        tpu.vector_store %arg12[%parallel_loop3A_540, %parallel_loop3A_541], %parallel_loop3A_539 {strides = array<i32>} : memref<64x384xf32, #tpu.memory_space<vmem>>, vector<16xf32>,
        %parallel_loop3A_543 = arith.index_cast %parallel_loop3A_200 : i32 to index
        %parallel_loop3A_544 = arith.constant 288 : index
        %parallel_loop3A_545 = tpu.vector_load %arg10[%parallel_loop3A_543, %parallel_loop3A_544] {strides = array<i32>} : memref<64x384xf32, #tpu.memory_space<vmem>>, vector<16xf32>,
        %parallel_loop3A_546 = arith.mulf %parallel_loop3A_545, %get3A_118 : vector<16xf32>
        %parallel_loop3A_547 = arith.subf %parallel_loop3A_546, %get3A_116 : vector<16xf32>
        %parallel_loop3A_548 = arith.constant 0.000000e+00 : f32
        %parallel_loop3A_549 = vector.broadcast %parallel_loop3A_548 : f32 to vector<16xf32>
        %parallel_loop3A_550 = arith.maximumf %parallel_loop3A_547, %parallel_loop3A_549 : vector<16xf32>
        %parallel_loop3A_551 = arith.constant 7.007000e+00 : f32
        %parallel_loop3A_552 = vector.broadcast %parallel_loop3A_551 : f32 to vector<16xf32>
        %parallel_loop3A_553 = arith.minimumf %parallel_loop3A_550, %parallel_loop3A_552 : vector<16xf32>
        %parallel_loop3A_554 = arith.fptosi %parallel_loop3A_553 : vector<16xf32> to vector<16xi32>
        %parallel_loop3A_555 = tpu.vector_load_idx %arg6[%parallel_loop3A_554] : memref<16xf32, #tpu.memory_space<vmem>>[vector<16xi32>], vector<16xf32>,
        %parallel_loop3A_556 = tpu.vector_load_idx %arg7[%parallel_loop3A_554] : memref<16xf32, #tpu.memory_space<vmem>>[vector<16xi32>], vector<16xf32>,
        %parallel_loop3A_557 = arith.mulf %parallel_loop3A_547, %parallel_loop3A_556 : vector<16xf32>
        %parallel_loop3A_558 = arith.addf %parallel_loop3A_555, %parallel_loop3A_557 : vector<16xf32>
        %parallel_loop3A_559 = arith.index_cast %parallel_loop3A_200 : i32 to index
        %parallel_loop3A_560 = arith.constant 288 : index
        %parallel_loop3A_561 = tpu.vector_load %arg12[%parallel_loop3A_559, %parallel_loop3A_560] {strides = array<i32>} : memref<64x384xf32, #tpu.memory_space<vmem>>, vector<16xf32>,
        tpu.vector_store %arg12[%parallel_loop3A_559, %parallel_loop3A_560], %parallel_loop3A_558 {strides = array<i32>} : memref<64x384xf32, #tpu.memory_space<vmem>>, vector<16xf32>,
        %parallel_loop3A_562 = arith.index_cast %parallel_loop3A_200 : i32 to index
        %parallel_loop3A_563 = arith.constant 304 : index
        %parallel_loop3A_564 = tpu.vector_load %arg10[%parallel_loop3A_562, %parallel_loop3A_563] {strides = array<i32>} : memref<64x384xf32, #tpu.memory_space<vmem>>, vector<16xf32>,
        %parallel_loop3A_565 = arith.mulf %parallel_loop3A_564, %get3A_118 : vector<16xf32>
        %parallel_loop3A_566 = arith.subf %parallel_loop3A_565, %get3A_116 : vector<16xf32>
        %parallel_loop3A_567 = arith.constant 0.000000e+00 : f32
        %parallel_loop3A_568 = vector.broadcast %parallel_loop3A_567 : f32 to vector<16xf32>
        %parallel_loop3A_569 = arith.maximumf %parallel_loop3A_566, %parallel_loop3A_568 : vector<16xf32>
        %parallel_loop3A_570 = arith.constant 7.007000e+00 : f32
        %parallel_loop3A_571 = vector.broadcast %parallel_loop3A_570 : f32 to vector<16xf32>
        %parallel_loop3A_572 = arith.minimumf %parallel_loop3A_569, %parallel_loop3A_571 : vector<16xf32>
        %parallel_loop3A_573 = arith.fptosi %parallel_loop3A_572 : vector<16xf32> to vector<16xi32>
        %parallel_loop3A_574 = tpu.vector_load_idx %arg6[%parallel_loop3A_573] : memref<16xf32, #tpu.memory_space<vmem>>[vector<16xi32>], vector<16xf32>,
        %parallel_loop3A_575 = tpu.vector_load_idx %arg7[%parallel_loop3A_573] : memref<16xf32, #tpu.memory_space<vmem>>[vector<16xi32>], vector<16xf32>,
        %parallel_loop3A_576 = arith.mulf %parallel_loop3A_566, %parallel_loop3A_575 : vector<16xf32>
        %parallel_loop3A_577 = arith.addf %parallel_loop3A_574, %parallel_loop3A_576 : vector<16xf32>
        %parallel_loop3A_578 = arith.index_cast %parallel_loop3A_200 : i32 to index
        %parallel_loop3A_579 = arith.constant 304 : index
        %parallel_loop3A_580 = tpu.vector_load %arg12[%parallel_loop3A_578, %parallel_loop3A_579] {strides = array<i32>} : memref<64x384xf32, #tpu.memory_space<vmem>>, vector<16xf32>,
        tpu.vector_store %arg12[%parallel_loop3A_578, %parallel_loop3A_579], %parallel_loop3A_577 {strides = array<i32>} : memref<64x384xf32, #tpu.memory_space<vmem>>, vector<16xf32>,
        %parallel_loop3A_581 = arith.index_cast %parallel_loop3A_200 : i32 to index
        %parallel_loop3A_582 = arith.constant 320 : index
        %parallel_loop3A_583 = tpu.vector_load %arg10[%parallel_loop3A_581, %parallel_loop3A_582] {strides = array<i32>} : memref<64x384xf32, #tpu.memory_space<vmem>>, vector<16xf32>,
        %parallel_loop3A_584 = arith.mulf %parallel_loop3A_583, %get3A_118 : vector<16xf32>
        %parallel_loop3A_585 = arith.subf %parallel_loop3A_584, %get3A_116 : vector<16xf32>
        %parallel_loop3A_586 = arith.constant 0.000000e+00 : f32
        %parallel_loop3A_587 = vector.broadcast %parallel_loop3A_586 : f32 to vector<16xf32>
        %parallel_loop3A_588 = arith.maximumf %parallel_loop3A_585, %parallel_loop3A_587 : vector<16xf32>
        %parallel_loop3A_589 = arith.constant 7.007000e+00 : f32
        %parallel_loop3A_590 = vector.broadcast %parallel_loop3A_589 : f32 to vector<16xf32>
        %parallel_loop3A_591 = arith.minimumf %parallel_loop3A_588, %parallel_loop3A_590 : vector<16xf32>
        %parallel_loop3A_592 = arith.fptosi %parallel_loop3A_591 : vector<16xf32> to vector<16xi32>
        %parallel_loop3A_593 = tpu.vector_load_idx %arg6[%parallel_loop3A_592] : memref<16xf32, #tpu.memory_space<vmem>>[vector<16xi32>], vector<16xf32>,
        %parallel_loop3A_594 = tpu.vector_load_idx %arg7[%parallel_loop3A_592] : memref<16xf32, #tpu.memory_space<vmem>>[vector<16xi32>], vector<16xf32>,
        %parallel_loop3A_595 = arith.mulf %parallel_loop3A_585, %parallel_loop3A_594 : vector<16xf32>
        %parallel_loop3A_596 = arith.addf %parallel_loop3A_593, %parallel_loop3A_595 : vector<16xf32>
        %parallel_loop3A_597 = arith.index_cast %parallel_loop3A_200 : i32 to index
        %parallel_loop3A_598 = arith.constant 320 : index
        %parallel_loop3A_599 = tpu.vector_load %arg12[%parallel_loop3A_597, %parallel_loop3A_598] {strides = array<i32>} : memref<64x384xf32, #tpu.memory_space<vmem>>, vector<16xf32>,
        tpu.vector_store %arg12[%parallel_loop3A_597, %parallel_loop3A_598], %parallel_loop3A_596 {strides = array<i32>} : memref<64x384xf32, #tpu.memory_space<vmem>>, vector<16xf32>,
        %parallel_loop3A_600 = arith.index_cast %parallel_loop3A_200 : i32 to index
        %parallel_loop3A_601 = arith.constant 336 : index
        %parallel_loop3A_602 = tpu.vector_load %arg10[%parallel_loop3A_600, %parallel_loop3A_601] {strides = array<i32>} : memref<64x384xf32, #tpu.memory_space<vmem>>, vector<16xf32>,
        %parallel_loop3A_603 = arith.mulf %parallel_loop3A_602, %get3A_118 : vector<16xf32>
        %parallel_loop3A_604 = arith.subf %parallel_loop3A_603, %get3A_116 : vector<16xf32>
        %parallel_loop3A_605 = arith.constant 0.000000e+00 : f32
        %parallel_loop3A_606 = vector.broadcast %parallel_loop3A_605 : f32 to vector<16xf32>
        %parallel_loop3A_607 = arith.maximumf %parallel_loop3A_604, %parallel_loop3A_606 : vector<16xf32>
        %parallel_loop3A_608 = arith.constant 7.007000e+00 : f32
        %parallel_loop3A_609 = vector.broadcast %parallel_loop3A_608 : f32 to vector<16xf32>
        %parallel_loop3A_610 = arith.minimumf %parallel_loop3A_607, %parallel_loop3A_609 : vector<16xf32>
        %parallel_loop3A_611 = arith.fptosi %parallel_loop3A_610 : vector<16xf32> to vector<16xi32>
        %parallel_loop3A_612 = tpu.vector_load_idx %arg6[%parallel_loop3A_611] : memref<16xf32, #tpu.memory_space<vmem>>[vector<16xi32>], vector<16xf32>,
        %parallel_loop3A_613 = tpu.vector_load_idx %arg7[%parallel_loop3A_611] : memref<16xf32, #tpu.memory_space<vmem>>[vector<16xi32>], vector<16xf32>,
        %parallel_loop3A_614 = arith.mulf %parallel_loop3A_604, %parallel_loop3A_613 : vector<16xf32>
        %parallel_loop3A_615 = arith.addf %parallel_loop3A_612, %parallel_loop3A_614 : vector<16xf32>
        %parallel_loop3A_616 = arith.index_cast %parallel_loop3A_200 : i32 to index
        %parallel_loop3A_617 = arith.constant 336 : index
        %parallel_loop3A_618 = tpu.vector_load %arg12[%parallel_loop3A_616, %parallel_loop3A_617] {strides = array<i32>} : memref<64x384xf32, #tpu.memory_space<vmem>>, vector<16xf32>,
        tpu.vector_store %arg12[%parallel_loop3A_616, %parallel_loop3A_617], %parallel_loop3A_615 {strides = array<i32>} : memref<64x384xf32, #tpu.memory_space<vmem>>, vector<16xf32>,
        %parallel_loop3A_619 = arith.index_cast %parallel_loop3A_200 : i32 to index
        %parallel_loop3A_620 = arith.constant 352 : index
        %parallel_loop3A_621 = tpu.vector_load %arg10[%parallel_loop3A_619, %parallel_loop3A_620] {strides = array<i32>} : memref<64x384xf32, #tpu.memory_space<vmem>>, vector<16xf32>,
        %parallel_loop3A_622 = arith.mulf %parallel_loop3A_621, %get3A_118 : vector<16xf32>
        %parallel_loop3A_623 = arith.subf %parallel_loop3A_622, %get3A_116 : vector<16xf32>
        %parallel_loop3A_624 = arith.constant 0.000000e+00 : f32
        %parallel_loop3A_625 = vector.broadcast %parallel_loop3A_624 : f32 to vector<16xf32>
        %parallel_loop3A_626 = arith.maximumf %parallel_loop3A_623, %parallel_loop3A_625 : vector<16xf32>
        %parallel_loop3A_627 = arith.constant 7.007000e+00 : f32
        %parallel_loop3A_628 = vector.broadcast %parallel_loop3A_627 : f32 to vector<16xf32>
        %parallel_loop3A_629 = arith.minimumf %parallel_loop3A_626, %parallel_loop3A_628 : vector<16xf32>
        %parallel_loop3A_630 = arith.fptosi %parallel_loop3A_629 : vector<16xf32> to vector<16xi32>
        %parallel_loop3A_631 = tpu.vector_load_idx %arg6[%parallel_loop3A_630] : memref<16xf32, #tpu.memory_space<vmem>>[vector<16xi32>], vector<16xf32>,
        %parallel_loop3A_632 = tpu.vector_load_idx %arg7[%parallel_loop3A_630] : memref<16xf32, #tpu.memory_space<vmem>>[vector<16xi32>], vector<16xf32>,
        %parallel_loop3A_633 = arith.mulf %parallel_loop3A_623, %parallel_loop3A_632 : vector<16xf32>
        %parallel_loop3A_634 = arith.addf %parallel_loop3A_631, %parallel_loop3A_633 : vector<16xf32>
        %parallel_loop3A_635 = arith.index_cast %parallel_loop3A_200 : i32 to index
        %parallel_loop3A_636 = arith.constant 352 : index
        %parallel_loop3A_637 = tpu.vector_load %arg12[%parallel_loop3A_635, %parallel_loop3A_636] {strides = array<i32>} : memref<64x384xf32, #tpu.memory_space<vmem>>, vector<16xf32>,
        tpu.vector_store %arg12[%parallel_loop3A_635, %parallel_loop3A_636], %parallel_loop3A_634 {strides = array<i32>} : memref<64x384xf32, #tpu.memory_space<vmem>>, vector<16xf32>,
        %parallel_loop3A_638 = arith.index_cast %parallel_loop3A_200 : i32 to index
        %parallel_loop3A_639 = arith.constant 368 : index
        %parallel_loop3A_640 = tpu.vector_load %arg10[%parallel_loop3A_638, %parallel_loop3A_639] {strides = array<i32>} : memref<64x384xf32, #tpu.memory_space<vmem>>, vector<16xf32>,
        %parallel_loop3A_641 = arith.mulf %parallel_loop3A_640, %get3A_118 : vector<16xf32>
        %parallel_loop3A_642 = arith.subf %parallel_loop3A_641, %get3A_116 : vector<16xf32>
        %parallel_loop3A_643 = arith.constant 0.000000e+00 : f32
        %parallel_loop3A_644 = vector.broadcast %parallel_loop3A_643 : f32 to vector<16xf32>
        %parallel_loop3A_645 = arith.maximumf %parallel_loop3A_642, %parallel_loop3A_644 : vector<16xf32>
        %parallel_loop3A_646 = arith.constant 7.007000e+00 : f32
        %parallel_loop3A_647 = vector.broadcast %parallel_loop3A_646 : f32 to vector<16xf32>
        %parallel_loop3A_648 = arith.minimumf %parallel_loop3A_645, %parallel_loop3A_647 : vector<16xf32>
        %parallel_loop3A_649 = arith.fptosi %parallel_loop3A_648 : vector<16xf32> to vector<16xi32>
        %parallel_loop3A_650 = tpu.vector_load_idx %arg6[%parallel_loop3A_649] : memref<16xf32, #tpu.memory_space<vmem>>[vector<16xi32>], vector<16xf32>,
        %parallel_loop3A_651 = tpu.vector_load_idx %arg7[%parallel_loop3A_649] : memref<16xf32, #tpu.memory_space<vmem>>[vector<16xi32>], vector<16xf32>,
        %parallel_loop3A_652 = arith.mulf %parallel_loop3A_642, %parallel_loop3A_651 : vector<16xf32>
        %parallel_loop3A_653 = arith.addf %parallel_loop3A_650, %parallel_loop3A_652 : vector<16xf32>
        %parallel_loop3A_654 = arith.index_cast %parallel_loop3A_200 : i32 to index
        %parallel_loop3A_655 = arith.constant 368 : index
        %parallel_loop3A_656 = tpu.vector_load %arg12[%parallel_loop3A_654, %parallel_loop3A_655] {strides = array<i32>} : memref<64x384xf32, #tpu.memory_space<vmem>>, vector<16xf32>,
        tpu.vector_store %arg12[%parallel_loop3A_654, %parallel_loop3A_655], %parallel_loop3A_653 {strides = array<i32>} : memref<64x384xf32, #tpu.memory_space<vmem>>, vector<16xf32>,
      } {sc.loop_unroll_factor = 1 : i64, sc.parallel_access}
      %mul3A_121 = arith.constant 6 : i32
      %mul3A_122 = arith.muli %add3A, %mul3A_121 : i32
      %div3A_123 = arith.constant 6 : i32
      %div3A_124 = arith.divsi %mul3A_67, %div3A_123 : i32
      %add3A_125 = arith.addi %mul3A_122, %div3A_124 : i32
      %rem3A_126 = arith.constant 6 : i32
      %rem3A_127 = arith.remsi %mul3A_67, %rem3A_126 : i32
      %div3A_128 = arith.constant 96 : i32
      %div3A_129 = arith.divsi %add3A_125, %div3A_128 : i32
      %rem3A_130 = arith.constant 96 : i32
      %rem3A_131 = arith.remsi %add3A_125, %rem3A_130 : i32
      %mul3A_132 = arith.constant 64 : i32
      %mul3A_133 = arith.muli %rem3A_127, %mul3A_132 : i32
      %dma_start3A_134 = arith.constant 0 : i32
      %dma_start3A_135 = tpu.memref_slice %arg4[%div3A_129, %rem3A_131, %mul3A_133, %dma_start3A_134] : memref<2x96x384x384xf32, #tpu.memory_space<hbm>> -> memref<1x1x64x384xf32, #tpu.memory_space<hbm>>
      %dma_start3A_136 = tpu.memref_squeeze %dma_start3A_135 : memref<1x1x64x384xf32, #tpu.memory_space<hbm>> -> memref<64x384xf32, #tpu.memory_space<hbm>>
      %dma_start3A_137 = arith.constant 0 : i32
      %dma_start3A_138 = tpu.memref_slice %arg4[%div3A_129, %rem3A_131, %mul3A_133, %dma_start3A_137] : memref<2x96x384x384xf32, #tpu.memory_space<hbm>> -> memref<1x1x64x384xf32, #tpu.memory_space<hbm>>
      %dma_start3A_139 = tpu.memref_squeeze %dma_start3A_138 : memref<1x1x64x384xf32, #tpu.memory_space<hbm>> -> memref<64x384xf32, #tpu.memory_space<hbm>>
      tpu.enqueue_dma source(%arg12 : memref<64x384xf32, #tpu.memory_space<vmem>>) target(%dma_start3A_139 : memref<64x384xf32, #tpu.memory_space<hbm>>) target_semaphore(%arg16 : memref<!tpu.dma_semaphore, #tpu.memory_space<semaphore_mem>>)
      %add3A_140 = arith.constant 2 : i32
      %add3A_141 = arith.addi %mul3A_67, %add3A_140 : i32
      %lt3A = arith.constant 36 : i32
      %lt3A_142 = arith.cmpi slt, %add3A_141, %lt3A : i32
      %convert_element_type3A_143 = arith.extui %lt3A_142 : i1 to i32
      %cond3A_144 = arith.constant 0 : i32
      %cond3A_145 = arith.cmpi ne, %convert_element_type3A_143, %cond3A_144 : i32
      scf.if %cond3A_145 {
        %add3A_200 = arith.constant 2 : i32
        %add3A_201 = arith.addi %mul3A_67, %add3A_200 : i32
        %mul3A_202 = arith.constant 6 : i32
        %mul3A_203 = arith.muli %add3A, %mul3A_202 : i32
        %div3A_204 = arith.constant 6 : i32
        %div3A_205 = arith.divsi %add3A_201, %div3A_204 : i32
        %add3A_206 = arith.addi %mul3A_203, %div3A_205 : i32
        %rem3A_207 = arith.constant 6 : i32
        %rem3A_208 = arith.remsi %add3A_201, %rem3A_207 : i32
        %div3A_209 = arith.constant 96 : i32
        %div3A_210 = arith.divsi %add3A_206, %div3A_209 : i32
        %rem3A_211 = arith.constant 96 : i32
        %rem3A_212 = arith.remsi %add3A_206, %rem3A_211 : i32
        %mul3A_213 = arith.constant 64 : i32
        %mul3A_214 = arith.muli %rem3A_208, %mul3A_213 : i32
        %dma_start3A_215 = arith.constant 0 : i32
        %dma_start3A_216 = tpu.memref_slice %arg2[%div3A_210, %rem3A_212, %mul3A_214, %dma_start3A_215] : memref<2x96x384x384xf32, #tpu.memory_space<hbm>> -> memref<1x1x64x384xf32, #tpu.memory_space<hbm>>
        %dma_start3A_217 = tpu.memref_squeeze %dma_start3A_216 : memref<1x1x64x384xf32, #tpu.memory_space<hbm>> -> memref<64x384xf32, #tpu.memory_space<hbm>>
        %dma_start3A_218 = arith.constant 0 : i32
        %dma_start3A_219 = tpu.memref_slice %arg2[%div3A_210, %rem3A_212, %mul3A_214, %dma_start3A_218] : memref<2x96x384x384xf32, #tpu.memory_space<hbm>> -> memref<1x1x64x384xf32, #tpu.memory_space<hbm>>
        %dma_start3A_220 = tpu.memref_squeeze %dma_start3A_219 : memref<1x1x64x384xf32, #tpu.memory_space<hbm>> -> memref<64x384xf32, #tpu.memory_space<hbm>>
        tpu.enqueue_dma source(%dma_start3A_220 : memref<64x384xf32, #tpu.memory_space<hbm>>) target(%arg10 : memref<64x384xf32, #tpu.memory_space<vmem>>) target_semaphore(%arg14 : memref<!tpu.dma_semaphore, #tpu.memory_space<semaphore_mem>>)
      } else {
      }
      %gt3A_146 = arith.constant 0 : i32
      %gt3A_147 = arith.cmpi sgt, %scan3A_65, %gt3A_146 : i32
      %convert_element_type3A_148 = arith.extui %gt3A_147 : i1 to i32
      %cond3A_149 = arith.constant 0 : i32
      %cond3A_150 = arith.cmpi ne, %convert_element_type3A_148, %cond3A_149 : i32
      scf.if %cond3A_150 {
        %sub3A = arith.constant 1 : i32
        %sub3A_200 = arith.subi %mul3A_67, %sub3A : i32
        %mul3A_201 = arith.constant 6 : i32
        %mul3A_202 = arith.muli %add3A, %mul3A_201 : i32
        %div3A_203 = arith.constant 6 : i32
        %div3A_204 = arith.divsi %sub3A_200, %div3A_203 : i32
        %add3A_205 = arith.addi %mul3A_202, %div3A_204 : i32
        %rem3A_206 = arith.constant 6 : i32
        %rem3A_207 = arith.remsi %sub3A_200, %rem3A_206 : i32
        %div3A_208 = arith.constant 96 : i32
        %div3A_209 = arith.divsi %add3A_205, %div3A_208 : i32
        %rem3A_210 = arith.constant 96 : i32
        %rem3A_211 = arith.remsi %add3A_205, %rem3A_210 : i32
        %mul3A_212 = arith.constant 64 : i32
        %mul3A_213 = arith.muli %rem3A_207, %mul3A_212 : i32
        %dma_wait3A_214 = arith.constant 0 : i32
        %dma_wait3A_215 = tpu.memref_slice %arg4[%div3A_209, %rem3A_211, %mul3A_213, %dma_wait3A_214] : memref<2x96x384x384xf32, #tpu.memory_space<hbm>> -> memref<1x1x64x384xf32, #tpu.memory_space<hbm>>
        %dma_wait3A_216 = tpu.memref_squeeze %dma_wait3A_215 : memref<1x1x64x384xf32, #tpu.memory_space<hbm>> -> memref<64x384xf32, #tpu.memory_space<hbm>>
        %dma_wait3A_217 = arith.constant 0 : i32
        %dma_wait3A_218 = tpu.memref_slice %arg4[%div3A_209, %rem3A_211, %mul3A_213, %dma_wait3A_217] : memref<2x96x384x384xf32, #tpu.memory_space<hbm>> -> memref<1x1x64x384xf32, #tpu.memory_space<hbm>>
        %dma_wait3A_219 = tpu.memref_squeeze %dma_wait3A_218 : memref<1x1x64x384xf32, #tpu.memory_space<hbm>> -> memref<64x384xf32, #tpu.memory_space<hbm>>
        tpu.wait_dma2 semaphore(%arg17 : memref<!tpu.dma_semaphore, #tpu.memory_space<semaphore_mem>>) src(%arg13 : memref<64x384xf32, #tpu.memory_space<vmem>>) dst(%dma_wait3A_219 : memref<64x384xf32, #tpu.memory_space<hbm>>)
      } else {
      }
      %add3A_151 = arith.constant 1 : i32
      %add3A_152 = arith.addi %mul3A_67, %add3A_151 : i32
      %mul3A_153 = arith.constant 6 : i32
      %mul3A_154 = arith.muli %add3A, %mul3A_153 : i32
      %div3A_155 = arith.constant 6 : i32
      %div3A_156 = arith.divsi %add3A_152, %div3A_155 : i32
      %add3A_157 = arith.addi %mul3A_154, %div3A_156 : i32
      %rem3A_158 = arith.constant 6 : i32
      %rem3A_159 = arith.remsi %add3A_152, %rem3A_158 : i32
      %div3A_160 = arith.constant 96 : i32
      %div3A_161 = arith.divsi %add3A_157, %div3A_160 : i32
      %rem3A_162 = arith.constant 96 : i32
      %rem3A_163 = arith.remsi %add3A_157, %rem3A_162 : i32
      %mul3A_164 = arith.constant 64 : i32
      %mul3A_165 = arith.muli %rem3A_159, %mul3A_164 : i32
      %dma_wait3A_166 = arith.constant 0 : i32
      %dma_wait3A_167 = tpu.memref_slice %arg2[%div3A_161, %rem3A_163, %mul3A_165, %dma_wait3A_166] : memref<2x96x384x384xf32, #tpu.memory_space<hbm>> -> memref<1x1x64x384xf32, #tpu.memory_space<hbm>>
      %dma_wait3A_168 = tpu.memref_squeeze %dma_wait3A_167 : memref<1x1x64x384xf32, #tpu.memory_space<hbm>> -> memref<64x384xf32, #tpu.memory_space<hbm>>
      %dma_wait3A_169 = arith.constant 0 : i32
      %dma_wait3A_170 = tpu.memref_slice %arg2[%div3A_161, %rem3A_163, %mul3A_165, %dma_wait3A_169] : memref<2x96x384x384xf32, #tpu.memory_space<hbm>> -> memref<1x1x64x384xf32, #tpu.memory_space<hbm>>
      %dma_wait3A_171 = tpu.memref_squeeze %dma_wait3A_170 : memref<1x1x64x384xf32, #tpu.memory_space<hbm>> -> memref<64x384xf32, #tpu.memory_space<hbm>>
      tpu.wait_dma2 semaphore(%arg15 : memref<!tpu.dma_semaphore, #tpu.memory_space<semaphore_mem>>) src(%dma_wait3A_171 : memref<64x384xf32, #tpu.memory_space<hbm>>) dst(%arg11 : memref<64x384xf32, #tpu.memory_space<vmem>>)
      %get3A_172 = arith.constant 0 : index
      %get3A_173 = tpu.vector_load %arg8[%get3A_172] {strides = array<i32>} : memref<16xf32, #tpu.memory_space<vmem>>, vector<16xf32>,
      %get3A_174 = arith.constant 0 : index
      %get3A_175 = tpu.vector_load %arg9[%get3A_174] {strides = array<i32>} : memref<16xf32, #tpu.memory_space<vmem>>, vector<16xf32>,
      %parallel_loop3A_176 = arith.constant 0 : i32
      %parallel_loop3A_177 = arith.constant 64 : i32
      %parallel_loop3A_178 = arith.constant 1 : i32
      scf.for %parallel_loop3A_200 = %parallel_loop3A_176 to %parallel_loop3A_177 step %parallel_loop3A_178  : i32 {
        %parallel_loop3A_201 = arith.index_cast %parallel_loop3A_200 : i32 to index
        %parallel_loop3A_202 = arith.constant 0 : index
        %parallel_loop3A_203 = tpu.vector_load %arg11[%parallel_loop3A_201, %parallel_loop3A_202] {strides = array<i32>} : memref<64x384xf32, #tpu.memory_space<vmem>>, vector<16xf32>,
        %parallel_loop3A_204 = arith.mulf %parallel_loop3A_203, %get3A_175 : vector<16xf32>
        %parallel_loop3A_205 = arith.subf %parallel_loop3A_204, %get3A_173 : vector<16xf32>
        %parallel_loop3A_206 = arith.constant 0.000000e+00 : f32
        %parallel_loop3A_207 = vector.broadcast %parallel_loop3A_206 : f32 to vector<16xf32>
        %parallel_loop3A_208 = arith.maximumf %parallel_loop3A_205, %parallel_loop3A_207 : vector<16xf32>
        %parallel_loop3A_209 = arith.constant 7.007000e+00 : f32
        %parallel_loop3A_210 = vector.broadcast %parallel_loop3A_209 : f32 to vector<16xf32>
        %parallel_loop3A_211 = arith.minimumf %parallel_loop3A_208, %parallel_loop3A_210 : vector<16xf32>
        %parallel_loop3A_212 = arith.fptosi %parallel_loop3A_211 : vector<16xf32> to vector<16xi32>
        %parallel_loop3A_213 = tpu.vector_load_idx %arg6[%parallel_loop3A_212] : memref<16xf32, #tpu.memory_space<vmem>>[vector<16xi32>], vector<16xf32>,
        %parallel_loop3A_214 = tpu.vector_load_idx %arg7[%parallel_loop3A_212] : memref<16xf32, #tpu.memory_space<vmem>>[vector<16xi32>], vector<16xf32>,
        %parallel_loop3A_215 = arith.mulf %parallel_loop3A_205, %parallel_loop3A_214 : vector<16xf32>
        %parallel_loop3A_216 = arith.addf %parallel_loop3A_213, %parallel_loop3A_215 : vector<16xf32>
        %parallel_loop3A_217 = arith.index_cast %parallel_loop3A_200 : i32 to index
        %parallel_loop3A_218 = arith.constant 0 : index
        %parallel_loop3A_219 = tpu.vector_load %arg13[%parallel_loop3A_217, %parallel_loop3A_218] {strides = array<i32>} : memref<64x384xf32, #tpu.memory_space<vmem>>, vector<16xf32>,
        tpu.vector_store %arg13[%parallel_loop3A_217, %parallel_loop3A_218], %parallel_loop3A_216 {strides = array<i32>} : memref<64x384xf32, #tpu.memory_space<vmem>>, vector<16xf32>,
        %parallel_loop3A_220 = arith.index_cast %parallel_loop3A_200 : i32 to index
        %parallel_loop3A_221 = arith.constant 16 : index
        %parallel_loop3A_222 = tpu.vector_load %arg11[%parallel_loop3A_220, %parallel_loop3A_221] {strides = array<i32>} : memref<64x384xf32, #tpu.memory_space<vmem>>, vector<16xf32>,
        %parallel_loop3A_223 = arith.mulf %parallel_loop3A_222, %get3A_175 : vector<16xf32>
        %parallel_loop3A_224 = arith.subf %parallel_loop3A_223, %get3A_173 : vector<16xf32>
        %parallel_loop3A_225 = arith.constant 0.000000e+00 : f32
        %parallel_loop3A_226 = vector.broadcast %parallel_loop3A_225 : f32 to vector<16xf32>
        %parallel_loop3A_227 = arith.maximumf %parallel_loop3A_224, %parallel_loop3A_226 : vector<16xf32>
        %parallel_loop3A_228 = arith.constant 7.007000e+00 : f32
        %parallel_loop3A_229 = vector.broadcast %parallel_loop3A_228 : f32 to vector<16xf32>
        %parallel_loop3A_230 = arith.minimumf %parallel_loop3A_227, %parallel_loop3A_229 : vector<16xf32>
        %parallel_loop3A_231 = arith.fptosi %parallel_loop3A_230 : vector<16xf32> to vector<16xi32>
        %parallel_loop3A_232 = tpu.vector_load_idx %arg6[%parallel_loop3A_231] : memref<16xf32, #tpu.memory_space<vmem>>[vector<16xi32>], vector<16xf32>,
        %parallel_loop3A_233 = tpu.vector_load_idx %arg7[%parallel_loop3A_231] : memref<16xf32, #tpu.memory_space<vmem>>[vector<16xi32>], vector<16xf32>,
        %parallel_loop3A_234 = arith.mulf %parallel_loop3A_224, %parallel_loop3A_233 : vector<16xf32>
        %parallel_loop3A_235 = arith.addf %parallel_loop3A_232, %parallel_loop3A_234 : vector<16xf32>
        %parallel_loop3A_236 = arith.index_cast %parallel_loop3A_200 : i32 to index
        %parallel_loop3A_237 = arith.constant 16 : index
        %parallel_loop3A_238 = tpu.vector_load %arg13[%parallel_loop3A_236, %parallel_loop3A_237] {strides = array<i32>} : memref<64x384xf32, #tpu.memory_space<vmem>>, vector<16xf32>,
        tpu.vector_store %arg13[%parallel_loop3A_236, %parallel_loop3A_237], %parallel_loop3A_235 {strides = array<i32>} : memref<64x384xf32, #tpu.memory_space<vmem>>, vector<16xf32>,
        %parallel_loop3A_239 = arith.index_cast %parallel_loop3A_200 : i32 to index
        %parallel_loop3A_240 = arith.constant 32 : index
        %parallel_loop3A_241 = tpu.vector_load %arg11[%parallel_loop3A_239, %parallel_loop3A_240] {strides = array<i32>} : memref<64x384xf32, #tpu.memory_space<vmem>>, vector<16xf32>,
        %parallel_loop3A_242 = arith.mulf %parallel_loop3A_241, %get3A_175 : vector<16xf32>
        %parallel_loop3A_243 = arith.subf %parallel_loop3A_242, %get3A_173 : vector<16xf32>
        %parallel_loop3A_244 = arith.constant 0.000000e+00 : f32
        %parallel_loop3A_245 = vector.broadcast %parallel_loop3A_244 : f32 to vector<16xf32>
        %parallel_loop3A_246 = arith.maximumf %parallel_loop3A_243, %parallel_loop3A_245 : vector<16xf32>
        %parallel_loop3A_247 = arith.constant 7.007000e+00 : f32
        %parallel_loop3A_248 = vector.broadcast %parallel_loop3A_247 : f32 to vector<16xf32>
        %parallel_loop3A_249 = arith.minimumf %parallel_loop3A_246, %parallel_loop3A_248 : vector<16xf32>
        %parallel_loop3A_250 = arith.fptosi %parallel_loop3A_249 : vector<16xf32> to vector<16xi32>
        %parallel_loop3A_251 = tpu.vector_load_idx %arg6[%parallel_loop3A_250] : memref<16xf32, #tpu.memory_space<vmem>>[vector<16xi32>], vector<16xf32>,
        %parallel_loop3A_252 = tpu.vector_load_idx %arg7[%parallel_loop3A_250] : memref<16xf32, #tpu.memory_space<vmem>>[vector<16xi32>], vector<16xf32>,
        %parallel_loop3A_253 = arith.mulf %parallel_loop3A_243, %parallel_loop3A_252 : vector<16xf32>
        %parallel_loop3A_254 = arith.addf %parallel_loop3A_251, %parallel_loop3A_253 : vector<16xf32>
        %parallel_loop3A_255 = arith.index_cast %parallel_loop3A_200 : i32 to index
        %parallel_loop3A_256 = arith.constant 32 : index
        %parallel_loop3A_257 = tpu.vector_load %arg13[%parallel_loop3A_255, %parallel_loop3A_256] {strides = array<i32>} : memref<64x384xf32, #tpu.memory_space<vmem>>, vector<16xf32>,
        tpu.vector_store %arg13[%parallel_loop3A_255, %parallel_loop3A_256], %parallel_loop3A_254 {strides = array<i32>} : memref<64x384xf32, #tpu.memory_space<vmem>>, vector<16xf32>,
        %parallel_loop3A_258 = arith.index_cast %parallel_loop3A_200 : i32 to index
        %parallel_loop3A_259 = arith.constant 48 : index
        %parallel_loop3A_260 = tpu.vector_load %arg11[%parallel_loop3A_258, %parallel_loop3A_259] {strides = array<i32>} : memref<64x384xf32, #tpu.memory_space<vmem>>, vector<16xf32>,
        %parallel_loop3A_261 = arith.mulf %parallel_loop3A_260, %get3A_175 : vector<16xf32>
        %parallel_loop3A_262 = arith.subf %parallel_loop3A_261, %get3A_173 : vector<16xf32>
        %parallel_loop3A_263 = arith.constant 0.000000e+00 : f32
        %parallel_loop3A_264 = vector.broadcast %parallel_loop3A_263 : f32 to vector<16xf32>
        %parallel_loop3A_265 = arith.maximumf %parallel_loop3A_262, %parallel_loop3A_264 : vector<16xf32>
        %parallel_loop3A_266 = arith.constant 7.007000e+00 : f32
        %parallel_loop3A_267 = vector.broadcast %parallel_loop3A_266 : f32 to vector<16xf32>
        %parallel_loop3A_268 = arith.minimumf %parallel_loop3A_265, %parallel_loop3A_267 : vector<16xf32>
        %parallel_loop3A_269 = arith.fptosi %parallel_loop3A_268 : vector<16xf32> to vector<16xi32>
        %parallel_loop3A_270 = tpu.vector_load_idx %arg6[%parallel_loop3A_269] : memref<16xf32, #tpu.memory_space<vmem>>[vector<16xi32>], vector<16xf32>,
        %parallel_loop3A_271 = tpu.vector_load_idx %arg7[%parallel_loop3A_269] : memref<16xf32, #tpu.memory_space<vmem>>[vector<16xi32>], vector<16xf32>,
        %parallel_loop3A_272 = arith.mulf %parallel_loop3A_262, %parallel_loop3A_271 : vector<16xf32>
        %parallel_loop3A_273 = arith.addf %parallel_loop3A_270, %parallel_loop3A_272 : vector<16xf32>
        %parallel_loop3A_274 = arith.index_cast %parallel_loop3A_200 : i32 to index
        %parallel_loop3A_275 = arith.constant 48 : index
        %parallel_loop3A_276 = tpu.vector_load %arg13[%parallel_loop3A_274, %parallel_loop3A_275] {strides = array<i32>} : memref<64x384xf32, #tpu.memory_space<vmem>>, vector<16xf32>,
        tpu.vector_store %arg13[%parallel_loop3A_274, %parallel_loop3A_275], %parallel_loop3A_273 {strides = array<i32>} : memref<64x384xf32, #tpu.memory_space<vmem>>, vector<16xf32>,
        %parallel_loop3A_277 = arith.index_cast %parallel_loop3A_200 : i32 to index
        %parallel_loop3A_278 = arith.constant 64 : index
        %parallel_loop3A_279 = tpu.vector_load %arg11[%parallel_loop3A_277, %parallel_loop3A_278] {strides = array<i32>} : memref<64x384xf32, #tpu.memory_space<vmem>>, vector<16xf32>,
        %parallel_loop3A_280 = arith.mulf %parallel_loop3A_279, %get3A_175 : vector<16xf32>
        %parallel_loop3A_281 = arith.subf %parallel_loop3A_280, %get3A_173 : vector<16xf32>
        %parallel_loop3A_282 = arith.constant 0.000000e+00 : f32
        %parallel_loop3A_283 = vector.broadcast %parallel_loop3A_282 : f32 to vector<16xf32>
        %parallel_loop3A_284 = arith.maximumf %parallel_loop3A_281, %parallel_loop3A_283 : vector<16xf32>
        %parallel_loop3A_285 = arith.constant 7.007000e+00 : f32
        %parallel_loop3A_286 = vector.broadcast %parallel_loop3A_285 : f32 to vector<16xf32>
        %parallel_loop3A_287 = arith.minimumf %parallel_loop3A_284, %parallel_loop3A_286 : vector<16xf32>
        %parallel_loop3A_288 = arith.fptosi %parallel_loop3A_287 : vector<16xf32> to vector<16xi32>
        %parallel_loop3A_289 = tpu.vector_load_idx %arg6[%parallel_loop3A_288] : memref<16xf32, #tpu.memory_space<vmem>>[vector<16xi32>], vector<16xf32>,
        %parallel_loop3A_290 = tpu.vector_load_idx %arg7[%parallel_loop3A_288] : memref<16xf32, #tpu.memory_space<vmem>>[vector<16xi32>], vector<16xf32>,
        %parallel_loop3A_291 = arith.mulf %parallel_loop3A_281, %parallel_loop3A_290 : vector<16xf32>
        %parallel_loop3A_292 = arith.addf %parallel_loop3A_289, %parallel_loop3A_291 : vector<16xf32>
        %parallel_loop3A_293 = arith.index_cast %parallel_loop3A_200 : i32 to index
        %parallel_loop3A_294 = arith.constant 64 : index
        %parallel_loop3A_295 = tpu.vector_load %arg13[%parallel_loop3A_293, %parallel_loop3A_294] {strides = array<i32>} : memref<64x384xf32, #tpu.memory_space<vmem>>, vector<16xf32>,
        tpu.vector_store %arg13[%parallel_loop3A_293, %parallel_loop3A_294], %parallel_loop3A_292 {strides = array<i32>} : memref<64x384xf32, #tpu.memory_space<vmem>>, vector<16xf32>,
        %parallel_loop3A_296 = arith.index_cast %parallel_loop3A_200 : i32 to index
        %parallel_loop3A_297 = arith.constant 80 : index
        %parallel_loop3A_298 = tpu.vector_load %arg11[%parallel_loop3A_296, %parallel_loop3A_297] {strides = array<i32>} : memref<64x384xf32, #tpu.memory_space<vmem>>, vector<16xf32>,
        %parallel_loop3A_299 = arith.mulf %parallel_loop3A_298, %get3A_175 : vector<16xf32>
        %parallel_loop3A_300 = arith.subf %parallel_loop3A_299, %get3A_173 : vector<16xf32>
        %parallel_loop3A_301 = arith.constant 0.000000e+00 : f32
        %parallel_loop3A_302 = vector.broadcast %parallel_loop3A_301 : f32 to vector<16xf32>
        %parallel_loop3A_303 = arith.maximumf %parallel_loop3A_300, %parallel_loop3A_302 : vector<16xf32>
        %parallel_loop3A_304 = arith.constant 7.007000e+00 : f32
        %parallel_loop3A_305 = vector.broadcast %parallel_loop3A_304 : f32 to vector<16xf32>
        %parallel_loop3A_306 = arith.minimumf %parallel_loop3A_303, %parallel_loop3A_305 : vector<16xf32>
        %parallel_loop3A_307 = arith.fptosi %parallel_loop3A_306 : vector<16xf32> to vector<16xi32>
        %parallel_loop3A_308 = tpu.vector_load_idx %arg6[%parallel_loop3A_307] : memref<16xf32, #tpu.memory_space<vmem>>[vector<16xi32>], vector<16xf32>,
        %parallel_loop3A_309 = tpu.vector_load_idx %arg7[%parallel_loop3A_307] : memref<16xf32, #tpu.memory_space<vmem>>[vector<16xi32>], vector<16xf32>,
        %parallel_loop3A_310 = arith.mulf %parallel_loop3A_300, %parallel_loop3A_309 : vector<16xf32>
        %parallel_loop3A_311 = arith.addf %parallel_loop3A_308, %parallel_loop3A_310 : vector<16xf32>
        %parallel_loop3A_312 = arith.index_cast %parallel_loop3A_200 : i32 to index
        %parallel_loop3A_313 = arith.constant 80 : index
        %parallel_loop3A_314 = tpu.vector_load %arg13[%parallel_loop3A_312, %parallel_loop3A_313] {strides = array<i32>} : memref<64x384xf32, #tpu.memory_space<vmem>>, vector<16xf32>,
        tpu.vector_store %arg13[%parallel_loop3A_312, %parallel_loop3A_313], %parallel_loop3A_311 {strides = array<i32>} : memref<64x384xf32, #tpu.memory_space<vmem>>, vector<16xf32>,
        %parallel_loop3A_315 = arith.index_cast %parallel_loop3A_200 : i32 to index
        %parallel_loop3A_316 = arith.constant 96 : index
        %parallel_loop3A_317 = tpu.vector_load %arg11[%parallel_loop3A_315, %parallel_loop3A_316] {strides = array<i32>} : memref<64x384xf32, #tpu.memory_space<vmem>>, vector<16xf32>,
        %parallel_loop3A_318 = arith.mulf %parallel_loop3A_317, %get3A_175 : vector<16xf32>
        %parallel_loop3A_319 = arith.subf %parallel_loop3A_318, %get3A_173 : vector<16xf32>
        %parallel_loop3A_320 = arith.constant 0.000000e+00 : f32
        %parallel_loop3A_321 = vector.broadcast %parallel_loop3A_320 : f32 to vector<16xf32>
        %parallel_loop3A_322 = arith.maximumf %parallel_loop3A_319, %parallel_loop3A_321 : vector<16xf32>
        %parallel_loop3A_323 = arith.constant 7.007000e+00 : f32
        %parallel_loop3A_324 = vector.broadcast %parallel_loop3A_323 : f32 to vector<16xf32>
        %parallel_loop3A_325 = arith.minimumf %parallel_loop3A_322, %parallel_loop3A_324 : vector<16xf32>
        %parallel_loop3A_326 = arith.fptosi %parallel_loop3A_325 : vector<16xf32> to vector<16xi32>
        %parallel_loop3A_327 = tpu.vector_load_idx %arg6[%parallel_loop3A_326] : memref<16xf32, #tpu.memory_space<vmem>>[vector<16xi32>], vector<16xf32>,
        %parallel_loop3A_328 = tpu.vector_load_idx %arg7[%parallel_loop3A_326] : memref<16xf32, #tpu.memory_space<vmem>>[vector<16xi32>], vector<16xf32>,
        %parallel_loop3A_329 = arith.mulf %parallel_loop3A_319, %parallel_loop3A_328 : vector<16xf32>
        %parallel_loop3A_330 = arith.addf %parallel_loop3A_327, %parallel_loop3A_329 : vector<16xf32>
        %parallel_loop3A_331 = arith.index_cast %parallel_loop3A_200 : i32 to index
        %parallel_loop3A_332 = arith.constant 96 : index
        %parallel_loop3A_333 = tpu.vector_load %arg13[%parallel_loop3A_331, %parallel_loop3A_332] {strides = array<i32>} : memref<64x384xf32, #tpu.memory_space<vmem>>, vector<16xf32>,
        tpu.vector_store %arg13[%parallel_loop3A_331, %parallel_loop3A_332], %parallel_loop3A_330 {strides = array<i32>} : memref<64x384xf32, #tpu.memory_space<vmem>>, vector<16xf32>,
        %parallel_loop3A_334 = arith.index_cast %parallel_loop3A_200 : i32 to index
        %parallel_loop3A_335 = arith.constant 112 : index
        %parallel_loop3A_336 = tpu.vector_load %arg11[%parallel_loop3A_334, %parallel_loop3A_335] {strides = array<i32>} : memref<64x384xf32, #tpu.memory_space<vmem>>, vector<16xf32>,
        %parallel_loop3A_337 = arith.mulf %parallel_loop3A_336, %get3A_175 : vector<16xf32>
        %parallel_loop3A_338 = arith.subf %parallel_loop3A_337, %get3A_173 : vector<16xf32>
        %parallel_loop3A_339 = arith.constant 0.000000e+00 : f32
        %parallel_loop3A_340 = vector.broadcast %parallel_loop3A_339 : f32 to vector<16xf32>
        %parallel_loop3A_341 = arith.maximumf %parallel_loop3A_338, %parallel_loop3A_340 : vector<16xf32>
        %parallel_loop3A_342 = arith.constant 7.007000e+00 : f32
        %parallel_loop3A_343 = vector.broadcast %parallel_loop3A_342 : f32 to vector<16xf32>
        %parallel_loop3A_344 = arith.minimumf %parallel_loop3A_341, %parallel_loop3A_343 : vector<16xf32>
        %parallel_loop3A_345 = arith.fptosi %parallel_loop3A_344 : vector<16xf32> to vector<16xi32>
        %parallel_loop3A_346 = tpu.vector_load_idx %arg6[%parallel_loop3A_345] : memref<16xf32, #tpu.memory_space<vmem>>[vector<16xi32>], vector<16xf32>,
        %parallel_loop3A_347 = tpu.vector_load_idx %arg7[%parallel_loop3A_345] : memref<16xf32, #tpu.memory_space<vmem>>[vector<16xi32>], vector<16xf32>,
        %parallel_loop3A_348 = arith.mulf %parallel_loop3A_338, %parallel_loop3A_347 : vector<16xf32>
        %parallel_loop3A_349 = arith.addf %parallel_loop3A_346, %parallel_loop3A_348 : vector<16xf32>
        %parallel_loop3A_350 = arith.index_cast %parallel_loop3A_200 : i32 to index
        %parallel_loop3A_351 = arith.constant 112 : index
        %parallel_loop3A_352 = tpu.vector_load %arg13[%parallel_loop3A_350, %parallel_loop3A_351] {strides = array<i32>} : memref<64x384xf32, #tpu.memory_space<vmem>>, vector<16xf32>,
        tpu.vector_store %arg13[%parallel_loop3A_350, %parallel_loop3A_351], %parallel_loop3A_349 {strides = array<i32>} : memref<64x384xf32, #tpu.memory_space<vmem>>, vector<16xf32>,
        %parallel_loop3A_353 = arith.index_cast %parallel_loop3A_200 : i32 to index
        %parallel_loop3A_354 = arith.constant 128 : index
        %parallel_loop3A_355 = tpu.vector_load %arg11[%parallel_loop3A_353, %parallel_loop3A_354] {strides = array<i32>} : memref<64x384xf32, #tpu.memory_space<vmem>>, vector<16xf32>,
        %parallel_loop3A_356 = arith.mulf %parallel_loop3A_355, %get3A_175 : vector<16xf32>
        %parallel_loop3A_357 = arith.subf %parallel_loop3A_356, %get3A_173 : vector<16xf32>
        %parallel_loop3A_358 = arith.constant 0.000000e+00 : f32
        %parallel_loop3A_359 = vector.broadcast %parallel_loop3A_358 : f32 to vector<16xf32>
        %parallel_loop3A_360 = arith.maximumf %parallel_loop3A_357, %parallel_loop3A_359 : vector<16xf32>
        %parallel_loop3A_361 = arith.constant 7.007000e+00 : f32
        %parallel_loop3A_362 = vector.broadcast %parallel_loop3A_361 : f32 to vector<16xf32>
        %parallel_loop3A_363 = arith.minimumf %parallel_loop3A_360, %parallel_loop3A_362 : vector<16xf32>
        %parallel_loop3A_364 = arith.fptosi %parallel_loop3A_363 : vector<16xf32> to vector<16xi32>
        %parallel_loop3A_365 = tpu.vector_load_idx %arg6[%parallel_loop3A_364] : memref<16xf32, #tpu.memory_space<vmem>>[vector<16xi32>], vector<16xf32>,
        %parallel_loop3A_366 = tpu.vector_load_idx %arg7[%parallel_loop3A_364] : memref<16xf32, #tpu.memory_space<vmem>>[vector<16xi32>], vector<16xf32>,
        %parallel_loop3A_367 = arith.mulf %parallel_loop3A_357, %parallel_loop3A_366 : vector<16xf32>
        %parallel_loop3A_368 = arith.addf %parallel_loop3A_365, %parallel_loop3A_367 : vector<16xf32>
        %parallel_loop3A_369 = arith.index_cast %parallel_loop3A_200 : i32 to index
        %parallel_loop3A_370 = arith.constant 128 : index
        %parallel_loop3A_371 = tpu.vector_load %arg13[%parallel_loop3A_369, %parallel_loop3A_370] {strides = array<i32>} : memref<64x384xf32, #tpu.memory_space<vmem>>, vector<16xf32>,
        tpu.vector_store %arg13[%parallel_loop3A_369, %parallel_loop3A_370], %parallel_loop3A_368 {strides = array<i32>} : memref<64x384xf32, #tpu.memory_space<vmem>>, vector<16xf32>,
        %parallel_loop3A_372 = arith.index_cast %parallel_loop3A_200 : i32 to index
        %parallel_loop3A_373 = arith.constant 144 : index
        %parallel_loop3A_374 = tpu.vector_load %arg11[%parallel_loop3A_372, %parallel_loop3A_373] {strides = array<i32>} : memref<64x384xf32, #tpu.memory_space<vmem>>, vector<16xf32>,
        %parallel_loop3A_375 = arith.mulf %parallel_loop3A_374, %get3A_175 : vector<16xf32>
        %parallel_loop3A_376 = arith.subf %parallel_loop3A_375, %get3A_173 : vector<16xf32>
        %parallel_loop3A_377 = arith.constant 0.000000e+00 : f32
        %parallel_loop3A_378 = vector.broadcast %parallel_loop3A_377 : f32 to vector<16xf32>
        %parallel_loop3A_379 = arith.maximumf %parallel_loop3A_376, %parallel_loop3A_378 : vector<16xf32>
        %parallel_loop3A_380 = arith.constant 7.007000e+00 : f32
        %parallel_loop3A_381 = vector.broadcast %parallel_loop3A_380 : f32 to vector<16xf32>
        %parallel_loop3A_382 = arith.minimumf %parallel_loop3A_379, %parallel_loop3A_381 : vector<16xf32>
        %parallel_loop3A_383 = arith.fptosi %parallel_loop3A_382 : vector<16xf32> to vector<16xi32>
        %parallel_loop3A_384 = tpu.vector_load_idx %arg6[%parallel_loop3A_383] : memref<16xf32, #tpu.memory_space<vmem>>[vector<16xi32>], vector<16xf32>,
        %parallel_loop3A_385 = tpu.vector_load_idx %arg7[%parallel_loop3A_383] : memref<16xf32, #tpu.memory_space<vmem>>[vector<16xi32>], vector<16xf32>,
        %parallel_loop3A_386 = arith.mulf %parallel_loop3A_376, %parallel_loop3A_385 : vector<16xf32>
        %parallel_loop3A_387 = arith.addf %parallel_loop3A_384, %parallel_loop3A_386 : vector<16xf32>
        %parallel_loop3A_388 = arith.index_cast %parallel_loop3A_200 : i32 to index
        %parallel_loop3A_389 = arith.constant 144 : index
        %parallel_loop3A_390 = tpu.vector_load %arg13[%parallel_loop3A_388, %parallel_loop3A_389] {strides = array<i32>} : memref<64x384xf32, #tpu.memory_space<vmem>>, vector<16xf32>,
        tpu.vector_store %arg13[%parallel_loop3A_388, %parallel_loop3A_389], %parallel_loop3A_387 {strides = array<i32>} : memref<64x384xf32, #tpu.memory_space<vmem>>, vector<16xf32>,
        %parallel_loop3A_391 = arith.index_cast %parallel_loop3A_200 : i32 to index
        %parallel_loop3A_392 = arith.constant 160 : index
        %parallel_loop3A_393 = tpu.vector_load %arg11[%parallel_loop3A_391, %parallel_loop3A_392] {strides = array<i32>} : memref<64x384xf32, #tpu.memory_space<vmem>>, vector<16xf32>,
        %parallel_loop3A_394 = arith.mulf %parallel_loop3A_393, %get3A_175 : vector<16xf32>
        %parallel_loop3A_395 = arith.subf %parallel_loop3A_394, %get3A_173 : vector<16xf32>
        %parallel_loop3A_396 = arith.constant 0.000000e+00 : f32
        %parallel_loop3A_397 = vector.broadcast %parallel_loop3A_396 : f32 to vector<16xf32>
        %parallel_loop3A_398 = arith.maximumf %parallel_loop3A_395, %parallel_loop3A_397 : vector<16xf32>
        %parallel_loop3A_399 = arith.constant 7.007000e+00 : f32
        %parallel_loop3A_400 = vector.broadcast %parallel_loop3A_399 : f32 to vector<16xf32>
        %parallel_loop3A_401 = arith.minimumf %parallel_loop3A_398, %parallel_loop3A_400 : vector<16xf32>
        %parallel_loop3A_402 = arith.fptosi %parallel_loop3A_401 : vector<16xf32> to vector<16xi32>
        %parallel_loop3A_403 = tpu.vector_load_idx %arg6[%parallel_loop3A_402] : memref<16xf32, #tpu.memory_space<vmem>>[vector<16xi32>], vector<16xf32>,
        %parallel_loop3A_404 = tpu.vector_load_idx %arg7[%parallel_loop3A_402] : memref<16xf32, #tpu.memory_space<vmem>>[vector<16xi32>], vector<16xf32>,
        %parallel_loop3A_405 = arith.mulf %parallel_loop3A_395, %parallel_loop3A_404 : vector<16xf32>
        %parallel_loop3A_406 = arith.addf %parallel_loop3A_403, %parallel_loop3A_405 : vector<16xf32>
        %parallel_loop3A_407 = arith.index_cast %parallel_loop3A_200 : i32 to index
        %parallel_loop3A_408 = arith.constant 160 : index
        %parallel_loop3A_409 = tpu.vector_load %arg13[%parallel_loop3A_407, %parallel_loop3A_408] {strides = array<i32>} : memref<64x384xf32, #tpu.memory_space<vmem>>, vector<16xf32>,
        tpu.vector_store %arg13[%parallel_loop3A_407, %parallel_loop3A_408], %parallel_loop3A_406 {strides = array<i32>} : memref<64x384xf32, #tpu.memory_space<vmem>>, vector<16xf32>,
        %parallel_loop3A_410 = arith.index_cast %parallel_loop3A_200 : i32 to index
        %parallel_loop3A_411 = arith.constant 176 : index
        %parallel_loop3A_412 = tpu.vector_load %arg11[%parallel_loop3A_410, %parallel_loop3A_411] {strides = array<i32>} : memref<64x384xf32, #tpu.memory_space<vmem>>, vector<16xf32>,
        %parallel_loop3A_413 = arith.mulf %parallel_loop3A_412, %get3A_175 : vector<16xf32>
        %parallel_loop3A_414 = arith.subf %parallel_loop3A_413, %get3A_173 : vector<16xf32>
        %parallel_loop3A_415 = arith.constant 0.000000e+00 : f32
        %parallel_loop3A_416 = vector.broadcast %parallel_loop3A_415 : f32 to vector<16xf32>
        %parallel_loop3A_417 = arith.maximumf %parallel_loop3A_414, %parallel_loop3A_416 : vector<16xf32>
        %parallel_loop3A_418 = arith.constant 7.007000e+00 : f32
        %parallel_loop3A_419 = vector.broadcast %parallel_loop3A_418 : f32 to vector<16xf32>
        %parallel_loop3A_420 = arith.minimumf %parallel_loop3A_417, %parallel_loop3A_419 : vector<16xf32>
        %parallel_loop3A_421 = arith.fptosi %parallel_loop3A_420 : vector<16xf32> to vector<16xi32>
        %parallel_loop3A_422 = tpu.vector_load_idx %arg6[%parallel_loop3A_421] : memref<16xf32, #tpu.memory_space<vmem>>[vector<16xi32>], vector<16xf32>,
        %parallel_loop3A_423 = tpu.vector_load_idx %arg7[%parallel_loop3A_421] : memref<16xf32, #tpu.memory_space<vmem>>[vector<16xi32>], vector<16xf32>,
        %parallel_loop3A_424 = arith.mulf %parallel_loop3A_414, %parallel_loop3A_423 : vector<16xf32>
        %parallel_loop3A_425 = arith.addf %parallel_loop3A_422, %parallel_loop3A_424 : vector<16xf32>
        %parallel_loop3A_426 = arith.index_cast %parallel_loop3A_200 : i32 to index
        %parallel_loop3A_427 = arith.constant 176 : index
        %parallel_loop3A_428 = tpu.vector_load %arg13[%parallel_loop3A_426, %parallel_loop3A_427] {strides = array<i32>} : memref<64x384xf32, #tpu.memory_space<vmem>>, vector<16xf32>,
        tpu.vector_store %arg13[%parallel_loop3A_426, %parallel_loop3A_427], %parallel_loop3A_425 {strides = array<i32>} : memref<64x384xf32, #tpu.memory_space<vmem>>, vector<16xf32>,
        %parallel_loop3A_429 = arith.index_cast %parallel_loop3A_200 : i32 to index
        %parallel_loop3A_430 = arith.constant 192 : index
        %parallel_loop3A_431 = tpu.vector_load %arg11[%parallel_loop3A_429, %parallel_loop3A_430] {strides = array<i32>} : memref<64x384xf32, #tpu.memory_space<vmem>>, vector<16xf32>,
        %parallel_loop3A_432 = arith.mulf %parallel_loop3A_431, %get3A_175 : vector<16xf32>
        %parallel_loop3A_433 = arith.subf %parallel_loop3A_432, %get3A_173 : vector<16xf32>
        %parallel_loop3A_434 = arith.constant 0.000000e+00 : f32
        %parallel_loop3A_435 = vector.broadcast %parallel_loop3A_434 : f32 to vector<16xf32>
        %parallel_loop3A_436 = arith.maximumf %parallel_loop3A_433, %parallel_loop3A_435 : vector<16xf32>
        %parallel_loop3A_437 = arith.constant 7.007000e+00 : f32
        %parallel_loop3A_438 = vector.broadcast %parallel_loop3A_437 : f32 to vector<16xf32>
        %parallel_loop3A_439 = arith.minimumf %parallel_loop3A_436, %parallel_loop3A_438 : vector<16xf32>
        %parallel_loop3A_440 = arith.fptosi %parallel_loop3A_439 : vector<16xf32> to vector<16xi32>
        %parallel_loop3A_441 = tpu.vector_load_idx %arg6[%parallel_loop3A_440] : memref<16xf32, #tpu.memory_space<vmem>>[vector<16xi32>], vector<16xf32>,
        %parallel_loop3A_442 = tpu.vector_load_idx %arg7[%parallel_loop3A_440] : memref<16xf32, #tpu.memory_space<vmem>>[vector<16xi32>], vector<16xf32>,
        %parallel_loop3A_443 = arith.mulf %parallel_loop3A_433, %parallel_loop3A_442 : vector<16xf32>
        %parallel_loop3A_444 = arith.addf %parallel_loop3A_441, %parallel_loop3A_443 : vector<16xf32>
        %parallel_loop3A_445 = arith.index_cast %parallel_loop3A_200 : i32 to index
        %parallel_loop3A_446 = arith.constant 192 : index
        %parallel_loop3A_447 = tpu.vector_load %arg13[%parallel_loop3A_445, %parallel_loop3A_446] {strides = array<i32>} : memref<64x384xf32, #tpu.memory_space<vmem>>, vector<16xf32>,
        tpu.vector_store %arg13[%parallel_loop3A_445, %parallel_loop3A_446], %parallel_loop3A_444 {strides = array<i32>} : memref<64x384xf32, #tpu.memory_space<vmem>>, vector<16xf32>,
        %parallel_loop3A_448 = arith.index_cast %parallel_loop3A_200 : i32 to index
        %parallel_loop3A_449 = arith.constant 208 : index
        %parallel_loop3A_450 = tpu.vector_load %arg11[%parallel_loop3A_448, %parallel_loop3A_449] {strides = array<i32>} : memref<64x384xf32, #tpu.memory_space<vmem>>, vector<16xf32>,
        %parallel_loop3A_451 = arith.mulf %parallel_loop3A_450, %get3A_175 : vector<16xf32>
        %parallel_loop3A_452 = arith.subf %parallel_loop3A_451, %get3A_173 : vector<16xf32>
        %parallel_loop3A_453 = arith.constant 0.000000e+00 : f32
        %parallel_loop3A_454 = vector.broadcast %parallel_loop3A_453 : f32 to vector<16xf32>
        %parallel_loop3A_455 = arith.maximumf %parallel_loop3A_452, %parallel_loop3A_454 : vector<16xf32>
        %parallel_loop3A_456 = arith.constant 7.007000e+00 : f32
        %parallel_loop3A_457 = vector.broadcast %parallel_loop3A_456 : f32 to vector<16xf32>
        %parallel_loop3A_458 = arith.minimumf %parallel_loop3A_455, %parallel_loop3A_457 : vector<16xf32>
        %parallel_loop3A_459 = arith.fptosi %parallel_loop3A_458 : vector<16xf32> to vector<16xi32>
        %parallel_loop3A_460 = tpu.vector_load_idx %arg6[%parallel_loop3A_459] : memref<16xf32, #tpu.memory_space<vmem>>[vector<16xi32>], vector<16xf32>,
        %parallel_loop3A_461 = tpu.vector_load_idx %arg7[%parallel_loop3A_459] : memref<16xf32, #tpu.memory_space<vmem>>[vector<16xi32>], vector<16xf32>,
        %parallel_loop3A_462 = arith.mulf %parallel_loop3A_452, %parallel_loop3A_461 : vector<16xf32>
        %parallel_loop3A_463 = arith.addf %parallel_loop3A_460, %parallel_loop3A_462 : vector<16xf32>
        %parallel_loop3A_464 = arith.index_cast %parallel_loop3A_200 : i32 to index
        %parallel_loop3A_465 = arith.constant 208 : index
        %parallel_loop3A_466 = tpu.vector_load %arg13[%parallel_loop3A_464, %parallel_loop3A_465] {strides = array<i32>} : memref<64x384xf32, #tpu.memory_space<vmem>>, vector<16xf32>,
        tpu.vector_store %arg13[%parallel_loop3A_464, %parallel_loop3A_465], %parallel_loop3A_463 {strides = array<i32>} : memref<64x384xf32, #tpu.memory_space<vmem>>, vector<16xf32>,
        %parallel_loop3A_467 = arith.index_cast %parallel_loop3A_200 : i32 to index
        %parallel_loop3A_468 = arith.constant 224 : index
        %parallel_loop3A_469 = tpu.vector_load %arg11[%parallel_loop3A_467, %parallel_loop3A_468] {strides = array<i32>} : memref<64x384xf32, #tpu.memory_space<vmem>>, vector<16xf32>,
        %parallel_loop3A_470 = arith.mulf %parallel_loop3A_469, %get3A_175 : vector<16xf32>
        %parallel_loop3A_471 = arith.subf %parallel_loop3A_470, %get3A_173 : vector<16xf32>
        %parallel_loop3A_472 = arith.constant 0.000000e+00 : f32
        %parallel_loop3A_473 = vector.broadcast %parallel_loop3A_472 : f32 to vector<16xf32>
        %parallel_loop3A_474 = arith.maximumf %parallel_loop3A_471, %parallel_loop3A_473 : vector<16xf32>
        %parallel_loop3A_475 = arith.constant 7.007000e+00 : f32
        %parallel_loop3A_476 = vector.broadcast %parallel_loop3A_475 : f32 to vector<16xf32>
        %parallel_loop3A_477 = arith.minimumf %parallel_loop3A_474, %parallel_loop3A_476 : vector<16xf32>
        %parallel_loop3A_478 = arith.fptosi %parallel_loop3A_477 : vector<16xf32> to vector<16xi32>
        %parallel_loop3A_479 = tpu.vector_load_idx %arg6[%parallel_loop3A_478] : memref<16xf32, #tpu.memory_space<vmem>>[vector<16xi32>], vector<16xf32>,
        %parallel_loop3A_480 = tpu.vector_load_idx %arg7[%parallel_loop3A_478] : memref<16xf32, #tpu.memory_space<vmem>>[vector<16xi32>], vector<16xf32>,
        %parallel_loop3A_481 = arith.mulf %parallel_loop3A_471, %parallel_loop3A_480 : vector<16xf32>
        %parallel_loop3A_482 = arith.addf %parallel_loop3A_479, %parallel_loop3A_481 : vector<16xf32>
        %parallel_loop3A_483 = arith.index_cast %parallel_loop3A_200 : i32 to index
        %parallel_loop3A_484 = arith.constant 224 : index
        %parallel_loop3A_485 = tpu.vector_load %arg13[%parallel_loop3A_483, %parallel_loop3A_484] {strides = array<i32>} : memref<64x384xf32, #tpu.memory_space<vmem>>, vector<16xf32>,
        tpu.vector_store %arg13[%parallel_loop3A_483, %parallel_loop3A_484], %parallel_loop3A_482 {strides = array<i32>} : memref<64x384xf32, #tpu.memory_space<vmem>>, vector<16xf32>,
        %parallel_loop3A_486 = arith.index_cast %parallel_loop3A_200 : i32 to index
        %parallel_loop3A_487 = arith.constant 240 : index
        %parallel_loop3A_488 = tpu.vector_load %arg11[%parallel_loop3A_486, %parallel_loop3A_487] {strides = array<i32>} : memref<64x384xf32, #tpu.memory_space<vmem>>, vector<16xf32>,
        %parallel_loop3A_489 = arith.mulf %parallel_loop3A_488, %get3A_175 : vector<16xf32>
        %parallel_loop3A_490 = arith.subf %parallel_loop3A_489, %get3A_173 : vector<16xf32>
        %parallel_loop3A_491 = arith.constant 0.000000e+00 : f32
        %parallel_loop3A_492 = vector.broadcast %parallel_loop3A_491 : f32 to vector<16xf32>
        %parallel_loop3A_493 = arith.maximumf %parallel_loop3A_490, %parallel_loop3A_492 : vector<16xf32>
        %parallel_loop3A_494 = arith.constant 7.007000e+00 : f32
        %parallel_loop3A_495 = vector.broadcast %parallel_loop3A_494 : f32 to vector<16xf32>
        %parallel_loop3A_496 = arith.minimumf %parallel_loop3A_493, %parallel_loop3A_495 : vector<16xf32>
        %parallel_loop3A_497 = arith.fptosi %parallel_loop3A_496 : vector<16xf32> to vector<16xi32>
        %parallel_loop3A_498 = tpu.vector_load_idx %arg6[%parallel_loop3A_497] : memref<16xf32, #tpu.memory_space<vmem>>[vector<16xi32>], vector<16xf32>,
        %parallel_loop3A_499 = tpu.vector_load_idx %arg7[%parallel_loop3A_497] : memref<16xf32, #tpu.memory_space<vmem>>[vector<16xi32>], vector<16xf32>,
        %parallel_loop3A_500 = arith.mulf %parallel_loop3A_490, %parallel_loop3A_499 : vector<16xf32>
        %parallel_loop3A_501 = arith.addf %parallel_loop3A_498, %parallel_loop3A_500 : vector<16xf32>
        %parallel_loop3A_502 = arith.index_cast %parallel_loop3A_200 : i32 to index
        %parallel_loop3A_503 = arith.constant 240 : index
        %parallel_loop3A_504 = tpu.vector_load %arg13[%parallel_loop3A_502, %parallel_loop3A_503] {strides = array<i32>} : memref<64x384xf32, #tpu.memory_space<vmem>>, vector<16xf32>,
        tpu.vector_store %arg13[%parallel_loop3A_502, %parallel_loop3A_503], %parallel_loop3A_501 {strides = array<i32>} : memref<64x384xf32, #tpu.memory_space<vmem>>, vector<16xf32>,
        %parallel_loop3A_505 = arith.index_cast %parallel_loop3A_200 : i32 to index
        %parallel_loop3A_506 = arith.constant 256 : index
        %parallel_loop3A_507 = tpu.vector_load %arg11[%parallel_loop3A_505, %parallel_loop3A_506] {strides = array<i32>} : memref<64x384xf32, #tpu.memory_space<vmem>>, vector<16xf32>,
        %parallel_loop3A_508 = arith.mulf %parallel_loop3A_507, %get3A_175 : vector<16xf32>
        %parallel_loop3A_509 = arith.subf %parallel_loop3A_508, %get3A_173 : vector<16xf32>
        %parallel_loop3A_510 = arith.constant 0.000000e+00 : f32
        %parallel_loop3A_511 = vector.broadcast %parallel_loop3A_510 : f32 to vector<16xf32>
        %parallel_loop3A_512 = arith.maximumf %parallel_loop3A_509, %parallel_loop3A_511 : vector<16xf32>
        %parallel_loop3A_513 = arith.constant 7.007000e+00 : f32
        %parallel_loop3A_514 = vector.broadcast %parallel_loop3A_513 : f32 to vector<16xf32>
        %parallel_loop3A_515 = arith.minimumf %parallel_loop3A_512, %parallel_loop3A_514 : vector<16xf32>
        %parallel_loop3A_516 = arith.fptosi %parallel_loop3A_515 : vector<16xf32> to vector<16xi32>
        %parallel_loop3A_517 = tpu.vector_load_idx %arg6[%parallel_loop3A_516] : memref<16xf32, #tpu.memory_space<vmem>>[vector<16xi32>], vector<16xf32>,
        %parallel_loop3A_518 = tpu.vector_load_idx %arg7[%parallel_loop3A_516] : memref<16xf32, #tpu.memory_space<vmem>>[vector<16xi32>], vector<16xf32>,
        %parallel_loop3A_519 = arith.mulf %parallel_loop3A_509, %parallel_loop3A_518 : vector<16xf32>
        %parallel_loop3A_520 = arith.addf %parallel_loop3A_517, %parallel_loop3A_519 : vector<16xf32>
        %parallel_loop3A_521 = arith.index_cast %parallel_loop3A_200 : i32 to index
        %parallel_loop3A_522 = arith.constant 256 : index
        %parallel_loop3A_523 = tpu.vector_load %arg13[%parallel_loop3A_521, %parallel_loop3A_522] {strides = array<i32>} : memref<64x384xf32, #tpu.memory_space<vmem>>, vector<16xf32>,
        tpu.vector_store %arg13[%parallel_loop3A_521, %parallel_loop3A_522], %parallel_loop3A_520 {strides = array<i32>} : memref<64x384xf32, #tpu.memory_space<vmem>>, vector<16xf32>,
        %parallel_loop3A_524 = arith.index_cast %parallel_loop3A_200 : i32 to index
        %parallel_loop3A_525 = arith.constant 272 : index
        %parallel_loop3A_526 = tpu.vector_load %arg11[%parallel_loop3A_524, %parallel_loop3A_525] {strides = array<i32>} : memref<64x384xf32, #tpu.memory_space<vmem>>, vector<16xf32>,
        %parallel_loop3A_527 = arith.mulf %parallel_loop3A_526, %get3A_175 : vector<16xf32>
        %parallel_loop3A_528 = arith.subf %parallel_loop3A_527, %get3A_173 : vector<16xf32>
        %parallel_loop3A_529 = arith.constant 0.000000e+00 : f32
        %parallel_loop3A_530 = vector.broadcast %parallel_loop3A_529 : f32 to vector<16xf32>
        %parallel_loop3A_531 = arith.maximumf %parallel_loop3A_528, %parallel_loop3A_530 : vector<16xf32>
        %parallel_loop3A_532 = arith.constant 7.007000e+00 : f32
        %parallel_loop3A_533 = vector.broadcast %parallel_loop3A_532 : f32 to vector<16xf32>
        %parallel_loop3A_534 = arith.minimumf %parallel_loop3A_531, %parallel_loop3A_533 : vector<16xf32>
        %parallel_loop3A_535 = arith.fptosi %parallel_loop3A_534 : vector<16xf32> to vector<16xi32>
        %parallel_loop3A_536 = tpu.vector_load_idx %arg6[%parallel_loop3A_535] : memref<16xf32, #tpu.memory_space<vmem>>[vector<16xi32>], vector<16xf32>,
        %parallel_loop3A_537 = tpu.vector_load_idx %arg7[%parallel_loop3A_535] : memref<16xf32, #tpu.memory_space<vmem>>[vector<16xi32>], vector<16xf32>,
        %parallel_loop3A_538 = arith.mulf %parallel_loop3A_528, %parallel_loop3A_537 : vector<16xf32>
        %parallel_loop3A_539 = arith.addf %parallel_loop3A_536, %parallel_loop3A_538 : vector<16xf32>
        %parallel_loop3A_540 = arith.index_cast %parallel_loop3A_200 : i32 to index
        %parallel_loop3A_541 = arith.constant 272 : index
        %parallel_loop3A_542 = tpu.vector_load %arg13[%parallel_loop3A_540, %parallel_loop3A_541] {strides = array<i32>} : memref<64x384xf32, #tpu.memory_space<vmem>>, vector<16xf32>,
        tpu.vector_store %arg13[%parallel_loop3A_540, %parallel_loop3A_541], %parallel_loop3A_539 {strides = array<i32>} : memref<64x384xf32, #tpu.memory_space<vmem>>, vector<16xf32>,
        %parallel_loop3A_543 = arith.index_cast %parallel_loop3A_200 : i32 to index
        %parallel_loop3A_544 = arith.constant 288 : index
        %parallel_loop3A_545 = tpu.vector_load %arg11[%parallel_loop3A_543, %parallel_loop3A_544] {strides = array<i32>} : memref<64x384xf32, #tpu.memory_space<vmem>>, vector<16xf32>,
        %parallel_loop3A_546 = arith.mulf %parallel_loop3A_545, %get3A_175 : vector<16xf32>
        %parallel_loop3A_547 = arith.subf %parallel_loop3A_546, %get3A_173 : vector<16xf32>
        %parallel_loop3A_548 = arith.constant 0.000000e+00 : f32
        %parallel_loop3A_549 = vector.broadcast %parallel_loop3A_548 : f32 to vector<16xf32>
        %parallel_loop3A_550 = arith.maximumf %parallel_loop3A_547, %parallel_loop3A_549 : vector<16xf32>
        %parallel_loop3A_551 = arith.constant 7.007000e+00 : f32
        %parallel_loop3A_552 = vector.broadcast %parallel_loop3A_551 : f32 to vector<16xf32>
        %parallel_loop3A_553 = arith.minimumf %parallel_loop3A_550, %parallel_loop3A_552 : vector<16xf32>
        %parallel_loop3A_554 = arith.fptosi %parallel_loop3A_553 : vector<16xf32> to vector<16xi32>
        %parallel_loop3A_555 = tpu.vector_load_idx %arg6[%parallel_loop3A_554] : memref<16xf32, #tpu.memory_space<vmem>>[vector<16xi32>], vector<16xf32>,
        %parallel_loop3A_556 = tpu.vector_load_idx %arg7[%parallel_loop3A_554] : memref<16xf32, #tpu.memory_space<vmem>>[vector<16xi32>], vector<16xf32>,
        %parallel_loop3A_557 = arith.mulf %parallel_loop3A_547, %parallel_loop3A_556 : vector<16xf32>
        %parallel_loop3A_558 = arith.addf %parallel_loop3A_555, %parallel_loop3A_557 : vector<16xf32>
        %parallel_loop3A_559 = arith.index_cast %parallel_loop3A_200 : i32 to index
        %parallel_loop3A_560 = arith.constant 288 : index
        %parallel_loop3A_561 = tpu.vector_load %arg13[%parallel_loop3A_559, %parallel_loop3A_560] {strides = array<i32>} : memref<64x384xf32, #tpu.memory_space<vmem>>, vector<16xf32>,
        tpu.vector_store %arg13[%parallel_loop3A_559, %parallel_loop3A_560], %parallel_loop3A_558 {strides = array<i32>} : memref<64x384xf32, #tpu.memory_space<vmem>>, vector<16xf32>,
        %parallel_loop3A_562 = arith.index_cast %parallel_loop3A_200 : i32 to index
        %parallel_loop3A_563 = arith.constant 304 : index
        %parallel_loop3A_564 = tpu.vector_load %arg11[%parallel_loop3A_562, %parallel_loop3A_563] {strides = array<i32>} : memref<64x384xf32, #tpu.memory_space<vmem>>, vector<16xf32>,
        %parallel_loop3A_565 = arith.mulf %parallel_loop3A_564, %get3A_175 : vector<16xf32>
        %parallel_loop3A_566 = arith.subf %parallel_loop3A_565, %get3A_173 : vector<16xf32>
        %parallel_loop3A_567 = arith.constant 0.000000e+00 : f32
        %parallel_loop3A_568 = vector.broadcast %parallel_loop3A_567 : f32 to vector<16xf32>
        %parallel_loop3A_569 = arith.maximumf %parallel_loop3A_566, %parallel_loop3A_568 : vector<16xf32>
        %parallel_loop3A_570 = arith.constant 7.007000e+00 : f32
        %parallel_loop3A_571 = vector.broadcast %parallel_loop3A_570 : f32 to vector<16xf32>
        %parallel_loop3A_572 = arith.minimumf %parallel_loop3A_569, %parallel_loop3A_571 : vector<16xf32>
        %parallel_loop3A_573 = arith.fptosi %parallel_loop3A_572 : vector<16xf32> to vector<16xi32>
        %parallel_loop3A_574 = tpu.vector_load_idx %arg6[%parallel_loop3A_573] : memref<16xf32, #tpu.memory_space<vmem>>[vector<16xi32>], vector<16xf32>,
        %parallel_loop3A_575 = tpu.vector_load_idx %arg7[%parallel_loop3A_573] : memref<16xf32, #tpu.memory_space<vmem>>[vector<16xi32>], vector<16xf32>,
        %parallel_loop3A_576 = arith.mulf %parallel_loop3A_566, %parallel_loop3A_575 : vector<16xf32>
        %parallel_loop3A_577 = arith.addf %parallel_loop3A_574, %parallel_loop3A_576 : vector<16xf32>
        %parallel_loop3A_578 = arith.index_cast %parallel_loop3A_200 : i32 to index
        %parallel_loop3A_579 = arith.constant 304 : index
        %parallel_loop3A_580 = tpu.vector_load %arg13[%parallel_loop3A_578, %parallel_loop3A_579] {strides = array<i32>} : memref<64x384xf32, #tpu.memory_space<vmem>>, vector<16xf32>,
        tpu.vector_store %arg13[%parallel_loop3A_578, %parallel_loop3A_579], %parallel_loop3A_577 {strides = array<i32>} : memref<64x384xf32, #tpu.memory_space<vmem>>, vector<16xf32>,
        %parallel_loop3A_581 = arith.index_cast %parallel_loop3A_200 : i32 to index
        %parallel_loop3A_582 = arith.constant 320 : index
        %parallel_loop3A_583 = tpu.vector_load %arg11[%parallel_loop3A_581, %parallel_loop3A_582] {strides = array<i32>} : memref<64x384xf32, #tpu.memory_space<vmem>>, vector<16xf32>,
        %parallel_loop3A_584 = arith.mulf %parallel_loop3A_583, %get3A_175 : vector<16xf32>
        %parallel_loop3A_585 = arith.subf %parallel_loop3A_584, %get3A_173 : vector<16xf32>
        %parallel_loop3A_586 = arith.constant 0.000000e+00 : f32
        %parallel_loop3A_587 = vector.broadcast %parallel_loop3A_586 : f32 to vector<16xf32>
        %parallel_loop3A_588 = arith.maximumf %parallel_loop3A_585, %parallel_loop3A_587 : vector<16xf32>
        %parallel_loop3A_589 = arith.constant 7.007000e+00 : f32
        %parallel_loop3A_590 = vector.broadcast %parallel_loop3A_589 : f32 to vector<16xf32>
        %parallel_loop3A_591 = arith.minimumf %parallel_loop3A_588, %parallel_loop3A_590 : vector<16xf32>
        %parallel_loop3A_592 = arith.fptosi %parallel_loop3A_591 : vector<16xf32> to vector<16xi32>
        %parallel_loop3A_593 = tpu.vector_load_idx %arg6[%parallel_loop3A_592] : memref<16xf32, #tpu.memory_space<vmem>>[vector<16xi32>], vector<16xf32>,
        %parallel_loop3A_594 = tpu.vector_load_idx %arg7[%parallel_loop3A_592] : memref<16xf32, #tpu.memory_space<vmem>>[vector<16xi32>], vector<16xf32>,
        %parallel_loop3A_595 = arith.mulf %parallel_loop3A_585, %parallel_loop3A_594 : vector<16xf32>
        %parallel_loop3A_596 = arith.addf %parallel_loop3A_593, %parallel_loop3A_595 : vector<16xf32>
        %parallel_loop3A_597 = arith.index_cast %parallel_loop3A_200 : i32 to index
        %parallel_loop3A_598 = arith.constant 320 : index
        %parallel_loop3A_599 = tpu.vector_load %arg13[%parallel_loop3A_597, %parallel_loop3A_598] {strides = array<i32>} : memref<64x384xf32, #tpu.memory_space<vmem>>, vector<16xf32>,
        tpu.vector_store %arg13[%parallel_loop3A_597, %parallel_loop3A_598], %parallel_loop3A_596 {strides = array<i32>} : memref<64x384xf32, #tpu.memory_space<vmem>>, vector<16xf32>,
        %parallel_loop3A_600 = arith.index_cast %parallel_loop3A_200 : i32 to index
        %parallel_loop3A_601 = arith.constant 336 : index
        %parallel_loop3A_602 = tpu.vector_load %arg11[%parallel_loop3A_600, %parallel_loop3A_601] {strides = array<i32>} : memref<64x384xf32, #tpu.memory_space<vmem>>, vector<16xf32>,
        %parallel_loop3A_603 = arith.mulf %parallel_loop3A_602, %get3A_175 : vector<16xf32>
        %parallel_loop3A_604 = arith.subf %parallel_loop3A_603, %get3A_173 : vector<16xf32>
        %parallel_loop3A_605 = arith.constant 0.000000e+00 : f32
        %parallel_loop3A_606 = vector.broadcast %parallel_loop3A_605 : f32 to vector<16xf32>
        %parallel_loop3A_607 = arith.maximumf %parallel_loop3A_604, %parallel_loop3A_606 : vector<16xf32>
        %parallel_loop3A_608 = arith.constant 7.007000e+00 : f32
        %parallel_loop3A_609 = vector.broadcast %parallel_loop3A_608 : f32 to vector<16xf32>
        %parallel_loop3A_610 = arith.minimumf %parallel_loop3A_607, %parallel_loop3A_609 : vector<16xf32>
        %parallel_loop3A_611 = arith.fptosi %parallel_loop3A_610 : vector<16xf32> to vector<16xi32>
        %parallel_loop3A_612 = tpu.vector_load_idx %arg6[%parallel_loop3A_611] : memref<16xf32, #tpu.memory_space<vmem>>[vector<16xi32>], vector<16xf32>,
        %parallel_loop3A_613 = tpu.vector_load_idx %arg7[%parallel_loop3A_611] : memref<16xf32, #tpu.memory_space<vmem>>[vector<16xi32>], vector<16xf32>,
        %parallel_loop3A_614 = arith.mulf %parallel_loop3A_604, %parallel_loop3A_613 : vector<16xf32>
        %parallel_loop3A_615 = arith.addf %parallel_loop3A_612, %parallel_loop3A_614 : vector<16xf32>
        %parallel_loop3A_616 = arith.index_cast %parallel_loop3A_200 : i32 to index
        %parallel_loop3A_617 = arith.constant 336 : index
        %parallel_loop3A_618 = tpu.vector_load %arg13[%parallel_loop3A_616, %parallel_loop3A_617] {strides = array<i32>} : memref<64x384xf32, #tpu.memory_space<vmem>>, vector<16xf32>,
        tpu.vector_store %arg13[%parallel_loop3A_616, %parallel_loop3A_617], %parallel_loop3A_615 {strides = array<i32>} : memref<64x384xf32, #tpu.memory_space<vmem>>, vector<16xf32>,
        %parallel_loop3A_619 = arith.index_cast %parallel_loop3A_200 : i32 to index
        %parallel_loop3A_620 = arith.constant 352 : index
        %parallel_loop3A_621 = tpu.vector_load %arg11[%parallel_loop3A_619, %parallel_loop3A_620] {strides = array<i32>} : memref<64x384xf32, #tpu.memory_space<vmem>>, vector<16xf32>,
        %parallel_loop3A_622 = arith.mulf %parallel_loop3A_621, %get3A_175 : vector<16xf32>
        %parallel_loop3A_623 = arith.subf %parallel_loop3A_622, %get3A_173 : vector<16xf32>
        %parallel_loop3A_624 = arith.constant 0.000000e+00 : f32
        %parallel_loop3A_625 = vector.broadcast %parallel_loop3A_624 : f32 to vector<16xf32>
        %parallel_loop3A_626 = arith.maximumf %parallel_loop3A_623, %parallel_loop3A_625 : vector<16xf32>
        %parallel_loop3A_627 = arith.constant 7.007000e+00 : f32
        %parallel_loop3A_628 = vector.broadcast %parallel_loop3A_627 : f32 to vector<16xf32>
        %parallel_loop3A_629 = arith.minimumf %parallel_loop3A_626, %parallel_loop3A_628 : vector<16xf32>
        %parallel_loop3A_630 = arith.fptosi %parallel_loop3A_629 : vector<16xf32> to vector<16xi32>
        %parallel_loop3A_631 = tpu.vector_load_idx %arg6[%parallel_loop3A_630] : memref<16xf32, #tpu.memory_space<vmem>>[vector<16xi32>], vector<16xf32>,
        %parallel_loop3A_632 = tpu.vector_load_idx %arg7[%parallel_loop3A_630] : memref<16xf32, #tpu.memory_space<vmem>>[vector<16xi32>], vector<16xf32>,
        %parallel_loop3A_633 = arith.mulf %parallel_loop3A_623, %parallel_loop3A_632 : vector<16xf32>
        %parallel_loop3A_634 = arith.addf %parallel_loop3A_631, %parallel_loop3A_633 : vector<16xf32>
        %parallel_loop3A_635 = arith.index_cast %parallel_loop3A_200 : i32 to index
        %parallel_loop3A_636 = arith.constant 352 : index
        %parallel_loop3A_637 = tpu.vector_load %arg13[%parallel_loop3A_635, %parallel_loop3A_636] {strides = array<i32>} : memref<64x384xf32, #tpu.memory_space<vmem>>, vector<16xf32>,
        tpu.vector_store %arg13[%parallel_loop3A_635, %parallel_loop3A_636], %parallel_loop3A_634 {strides = array<i32>} : memref<64x384xf32, #tpu.memory_space<vmem>>, vector<16xf32>,
        %parallel_loop3A_638 = arith.index_cast %parallel_loop3A_200 : i32 to index
        %parallel_loop3A_639 = arith.constant 368 : index
        %parallel_loop3A_640 = tpu.vector_load %arg11[%parallel_loop3A_638, %parallel_loop3A_639] {strides = array<i32>} : memref<64x384xf32, #tpu.memory_space<vmem>>, vector<16xf32>,
        %parallel_loop3A_641 = arith.mulf %parallel_loop3A_640, %get3A_175 : vector<16xf32>
        %parallel_loop3A_642 = arith.subf %parallel_loop3A_641, %get3A_173 : vector<16xf32>
        %parallel_loop3A_643 = arith.constant 0.000000e+00 : f32
        %parallel_loop3A_644 = vector.broadcast %parallel_loop3A_643 : f32 to vector<16xf32>
        %parallel_loop3A_645 = arith.maximumf %parallel_loop3A_642, %parallel_loop3A_644 : vector<16xf32>
        %parallel_loop3A_646 = arith.constant 7.007000e+00 : f32
        %parallel_loop3A_647 = vector.broadcast %parallel_loop3A_646 : f32 to vector<16xf32>
        %parallel_loop3A_648 = arith.minimumf %parallel_loop3A_645, %parallel_loop3A_647 : vector<16xf32>
        %parallel_loop3A_649 = arith.fptosi %parallel_loop3A_648 : vector<16xf32> to vector<16xi32>
        %parallel_loop3A_650 = tpu.vector_load_idx %arg6[%parallel_loop3A_649] : memref<16xf32, #tpu.memory_space<vmem>>[vector<16xi32>], vector<16xf32>,
        %parallel_loop3A_651 = tpu.vector_load_idx %arg7[%parallel_loop3A_649] : memref<16xf32, #tpu.memory_space<vmem>>[vector<16xi32>], vector<16xf32>,
        %parallel_loop3A_652 = arith.mulf %parallel_loop3A_642, %parallel_loop3A_651 : vector<16xf32>
        %parallel_loop3A_653 = arith.addf %parallel_loop3A_650, %parallel_loop3A_652 : vector<16xf32>
        %parallel_loop3A_654 = arith.index_cast %parallel_loop3A_200 : i32 to index
        %parallel_loop3A_655 = arith.constant 368 : index
        %parallel_loop3A_656 = tpu.vector_load %arg13[%parallel_loop3A_654, %parallel_loop3A_655] {strides = array<i32>} : memref<64x384xf32, #tpu.memory_space<vmem>>, vector<16xf32>,
        tpu.vector_store %arg13[%parallel_loop3A_654, %parallel_loop3A_655], %parallel_loop3A_653 {strides = array<i32>} : memref<64x384xf32, #tpu.memory_space<vmem>>, vector<16xf32>,
      } {sc.loop_unroll_factor = 1 : i64, sc.parallel_access}
      %add3A_179 = arith.constant 1 : i32
      %add3A_180 = arith.addi %mul3A_67, %add3A_179 : i32
      %mul3A_181 = arith.constant 6 : i32
      %mul3A_182 = arith.muli %add3A, %mul3A_181 : i32
      %div3A_183 = arith.constant 6 : i32
      %div3A_184 = arith.divsi %add3A_180, %div3A_183 : i32
      %add3A_185 = arith.addi %mul3A_182, %div3A_184 : i32
      %rem3A_186 = arith.constant 6 : i32
      %rem3A_187 = arith.remsi %add3A_180, %rem3A_186 : i32
      %div3A_188 = arith.constant 96 : i32
      %div3A_189 = arith.divsi %add3A_185, %div3A_188 : i32
      %rem3A_190 = arith.constant 96 : i32
      %rem3A_191 = arith.remsi %add3A_185, %rem3A_190 : i32
      %mul3A_192 = arith.constant 64 : i32
      %mul3A_193 = arith.muli %rem3A_187, %mul3A_192 : i32
      %dma_start3A_194 = arith.constant 0 : i32
      %dma_start3A_195 = tpu.memref_slice %arg4[%div3A_189, %rem3A_191, %mul3A_193, %dma_start3A_194] : memref<2x96x384x384xf32, #tpu.memory_space<hbm>> -> memref<1x1x64x384xf32, #tpu.memory_space<hbm>>
      %dma_start3A_196 = tpu.memref_squeeze %dma_start3A_195 : memref<1x1x64x384xf32, #tpu.memory_space<hbm>> -> memref<64x384xf32, #tpu.memory_space<hbm>>
      %dma_start3A_197 = arith.constant 0 : i32
      %dma_start3A_198 = tpu.memref_slice %arg4[%div3A_189, %rem3A_191, %mul3A_193, %dma_start3A_197] : memref<2x96x384x384xf32, #tpu.memory_space<hbm>> -> memref<1x1x64x384xf32, #tpu.memory_space<hbm>>
      %dma_start3A_199 = tpu.memref_squeeze %dma_start3A_198 : memref<1x1x64x384xf32, #tpu.memory_space<hbm>> -> memref<64x384xf32, #tpu.memory_space<hbm>>
      tpu.enqueue_dma source(%arg13 : memref<64x384xf32, #tpu.memory_space<vmem>>) target(%dma_start3A_199 : memref<64x384xf32, #tpu.memory_space<hbm>>) target_semaphore(%arg17 : memref<!tpu.dma_semaphore, #tpu.memory_space<semaphore_mem>>)
    }
    %scan3A_23 = arith.constant 18 : i32
    %mul3A_24 = arith.constant 6 : i32
    %mul3A_25 = arith.muli %add3A, %mul3A_24 : i32
    %div3A_26 = arith.constant 34 : i32
    %div3A_27 = arith.constant 6 : i32
    %div3A_28 = arith.divsi %div3A_26, %div3A_27 : i32
    %add3A_29 = arith.addi %mul3A_25, %div3A_28 : i32
    %rem3A_30 = arith.constant 34 : i32
    %rem3A_31 = arith.constant 6 : i32
    %rem3A_32 = arith.remsi %rem3A_30, %rem3A_31 : i32
    %div3A_33 = arith.constant 96 : i32
    %div3A_34 = arith.divsi %add3A_29, %div3A_33 : i32
    %rem3A_35 = arith.constant 96 : i32
    %rem3A_36 = arith.remsi %add3A_29, %rem3A_35 : i32
    %mul3A_37 = arith.constant 64 : i32
    %mul3A_38 = arith.muli %rem3A_32, %mul3A_37 : i32
    %dma_wait3A = arith.constant 0 : i32
    %dma_wait3A_39 = tpu.memref_slice %arg4[%div3A_34, %rem3A_36, %mul3A_38, %dma_wait3A] : memref<2x96x384x384xf32, #tpu.memory_space<hbm>> -> memref<1x1x64x384xf32, #tpu.memory_space<hbm>>
    %dma_wait3A_40 = tpu.memref_squeeze %dma_wait3A_39 : memref<1x1x64x384xf32, #tpu.memory_space<hbm>> -> memref<64x384xf32, #tpu.memory_space<hbm>>
    %dma_wait3A_41 = arith.constant 0 : i32
    %dma_wait3A_42 = tpu.memref_slice %arg4[%div3A_34, %rem3A_36, %mul3A_38, %dma_wait3A_41] : memref<2x96x384x384xf32, #tpu.memory_space<hbm>> -> memref<1x1x64x384xf32, #tpu.memory_space<hbm>>
    %dma_wait3A_43 = tpu.memref_squeeze %dma_wait3A_42 : memref<1x1x64x384xf32, #tpu.memory_space<hbm>> -> memref<64x384xf32, #tpu.memory_space<hbm>>
    tpu.wait_dma2 semaphore(%arg16 : memref<!tpu.dma_semaphore, #tpu.memory_space<semaphore_mem>>) src(%arg12 : memref<64x384xf32, #tpu.memory_space<vmem>>) dst(%dma_wait3A_43 : memref<64x384xf32, #tpu.memory_space<hbm>>)
    %mul3A_44 = arith.constant 6 : i32
    %mul3A_45 = arith.muli %add3A, %mul3A_44 : i32
    %div3A_46 = arith.constant 35 : i32
    %div3A_47 = arith.constant 6 : i32
    %div3A_48 = arith.divsi %div3A_46, %div3A_47 : i32
    %add3A_49 = arith.addi %mul3A_45, %div3A_48 : i32
    %rem3A_50 = arith.constant 35 : i32
    %rem3A_51 = arith.constant 6 : i32
    %rem3A_52 = arith.remsi %rem3A_50, %rem3A_51 : i32
    %div3A_53 = arith.constant 96 : i32
    %div3A_54 = arith.divsi %add3A_49, %div3A_53 : i32
    %rem3A_55 = arith.constant 96 : i32
    %rem3A_56 = arith.remsi %add3A_49, %rem3A_55 : i32
    %mul3A_57 = arith.constant 64 : i32
    %mul3A_58 = arith.muli %rem3A_52, %mul3A_57 : i32
    %dma_wait3A_59 = arith.constant 0 : i32
    %dma_wait3A_60 = tpu.memref_slice %arg4[%div3A_54, %rem3A_56, %mul3A_58, %dma_wait3A_59] : memref<2x96x384x384xf32, #tpu.memory_space<hbm>> -> memref<1x1x64x384xf32, #tpu.memory_space<hbm>>
    %dma_wait3A_61 = tpu.memref_squeeze %dma_wait3A_60 : memref<1x1x64x384xf32, #tpu.memory_space<hbm>> -> memref<64x384xf32, #tpu.memory_space<hbm>>
    %dma_wait3A_62 = arith.constant 0 : i32
    %dma_wait3A_63 = tpu.memref_slice %arg4[%div3A_54, %rem3A_56, %mul3A_58, %dma_wait3A_62] : memref<2x96x384x384xf32, #tpu.memory_space<hbm>> -> memref<1x1x64x384xf32, #tpu.memory_space<hbm>>
    %dma_wait3A_64 = tpu.memref_squeeze %dma_wait3A_63 : memref<1x1x64x384xf32, #tpu.memory_space<hbm>> -> memref<64x384xf32, #tpu.memory_space<hbm>>
    tpu.wait_dma2 semaphore(%arg17 : memref<!tpu.dma_semaphore, #tpu.memory_space<semaphore_mem>>) src(%arg13 : memref<64x384xf32, #tpu.memory_space<vmem>>) dst(%dma_wait3A_64 : memref<64x384xf32, #tpu.memory_space<hbm>>)
    return
  }
}

</mosaic_0001>

<sc_bundles>
// kernel: kernel.3.cloned.1.call-start
scs
__scs_entry_jumppad:
0x0: {  	(pc) =	sbr.rel $0x88, $3  }
0x1: {  	(tag) =	ssettag $0x0;
	lr =	simm.s32 $0x1  }
0x2: {  	[smem:$0x3F9C] =	sst lr;
	_ =	strace $0xD0000000  }
0x3: {  	_ = 	snop  }
0x4: {  	_ = 	snop  }
0x5: {  	_ = 	snop  }
0x6: {  	_ = 	snop  }
0x7: {  	_ = 	snop  }
__scs_overlays_trampoline_lowered:
0x8: {  	[smem:$0x3FAB] =	sst s0  }
0x9: {  	[smem:$0x3FAC] =	sst s1  }
0xa: {  	[smem:$0x3FAD] =	sst s2  }
0xb: {  	[smem:$0x3FAE] =	sst s3  }
0xc: {  	[smem:$0x3FAF] =	sst s4  }
0xd: {  	[smem:$0x3FB0] =	sst s5  }
0xe: {  	[smem:$0x3FB1] =	sst s6  }
0xf: {  	[smem:$0x3FB2] =	sst s7  }
0x10: {  	[smem:$0x3FB3] =	sst s8  }
0x11: {  	[smem:$0x3FB4] =	sst s9;
	s0 =	simm.s32 @!p0 $0x0  }
0x12: {  	s1 =	sld [smem:$0x3F9A];
	s0 =	simm.s32 @p0 $0x1  }
0x13: {  	[smem:$0x3FB5] =	sst s0;
	s0 =	simm.s32 @!p1 $0x0  }
0x14: {  	s2 =	sld [smem:$0x3F99];
	s0 =	simm.s32 @p1 $0x1  }
0x15: {  	[smem:$0x3FB6] =	sst s0;
	s0 =	simm.s32 @!p2 $0x0  }
0x16: {  	s3 =	sld [smem:$0x3FDB];
	s0 =	simm.s32 @p2 $0x1  }
0x17: {  	s4 =	simm.s32 $0x1BF5;
	[smem:$0x3FB8] =	sst s0  }
0x18: {  	s0 =	sld [smem:$0x3F9B];
	_ =	swait.ge [sflag:s4], $0x0  }
0x19: {  	s7 =	sld [smem:$0x3F9C]  }
0x1a: {  	s8 =	sadd.s32 $0xFFFFE003, lr  }
0x1b: {  	s9 =	sadd.s32 $0xFFFFFEF7, lr;
	s5 =	simm.s32 $0xFFFFFFFF;
	p2 =	slt.u32 s8, $0xFFFFF086  }
0x1c: {  	p1 =	slt.u32 s9, $0xF7A;
	s5 =	simm.s32 @!p2 $0x0  }
0x1d: {  	s5 =	simm.s32 @p1 $0x1;
	p0 =	seq.s32 s7, s2  }
0x1e: {  	s7 =	smul.u32 @!p0 $0xF7A, s2;
	p2 =	seq.s32 @!p0 s5, $0x0  }
0x1f: {  	s9 =	smul.u32 $0xF7A, s1;
	s8 =	simm.s32 @!p0 $0x1BF5;
	p2 =	por !p2, p0  }
0x20: {  	[sflag:s8] =	ssyncset.s32 @!p0 $0xFFFFF086;
	s6 =	sadd.s32 @!p0 s3, s7;
	s7 =	simm.s32 @!p0 $0x108  }
0x21: {  	s3 =	sadd.s32 s3, s9;
	s6 =	sadd.s32 @!p0 $0x88, s6;
	s7 =	simm.s32 @p2 $0x1082  }
0x22: {  	[simem:s7], [sflag:s8] =	dma.local @!p0 [hbm:s6], $0xF7A  }
0x23: {  	s9 =	sor.u32 $0xD0000000, s2;
	s6 =	simm.s32 $0x108;
	_ =	swait.ge @!p0 [sflag:s8], $0x0  }
0x24: {  	s3 =	sadd.s32 $0x88, s3;
	s6 =	simm.s32 @!p1 $0x1082;
	[sflag:s4] =	ssyncset.s32 $0xFFFFF086  }
0x25: {  	[simem:s6], [sflag:s4] =	dma.local [hbm:s3], $0xF7A  }
0x26: {  	[smem:$0x3F9C] =	sst s1;
	(tag) =	ssettag s2;
	_ =	strace s9  }
0x27: {  	s1 =	sld [smem:$0x3FAC]  }
0x28: {  	s2 =	sld [smem:$0x3FAD]  }
0x29: {  	s4 =	sld [smem:$0x3FAF]  }
0x2a: {  	p0 =	seq.s32 s5, $0x0;
	s5 =	sld [smem:$0x3FB0]  }
0x2b: {  	s6 =	sld [smem:$0x3FB1]  }
0x2c: {  	s7 =	sld [smem:$0x3FB2]  }
0x2d: {  	s3 =	simm.s32 $0x108;
	s8 =	sld [smem:$0x3FB3]  }
0x2e: {  	s3 =	simm.s32 @!p0 $0x1082;
	s9 =	sld [smem:$0x3FB4]  }
0x2f: {  	lr =	sadd.s32 s0, s3;
	s0 =	sld [smem:$0x3FAB]  }
0x30: {  	s3 =	sld [smem:$0x3FAE]  }
0x31: {  	[smem:$0x3FB7] =	sst s10  }
0x32: {  	s10 =	sld [smem:$0x3FB5];
	_ =	sdelay $0x3  }
0x33: {  	p0 =	seq.s32 s10, $0x1;
	s10 =	sld [smem:$0x3FB7];
	_ =	sdelay $0x3  }
0x34: {  	[smem:$0x3FB7] =	sst s10  }
0x35: {  	s10 =	sld [smem:$0x3FB6];
	_ =	sdelay $0x3  }
0x36: {  	p1 =	seq.s32 s10, $0x1;
	s10 =	sld [smem:$0x3FB7];
	_ =	sdelay $0x3  }
0x37: {  	[smem:$0x3FB7] =	sst s10  }
0x38: {  	s10 =	sld [smem:$0x3FB8]  }
0x39: {  	_ = 	snop;
	(pc) =	sbr.ind lr, $3  }
0x3a: {  	_ = 	snop  }
0x3b: {  	_ = 	snop  }
0x3c: {  	p2 =	seq.s32 s10, $0x1;
	s10 =	sld [smem:$0x3FB7]  }
0x3d: {  	_ =	shalt  }
0x3e: {  	_ =	shalt  }
0x3f: {  	_ =	shalt  }
0x40: {  	_ =	shalt  }
0x41: {  	_ =	shalt  }
0x42: {  	_ =	shalt  }
0x43: {  	_ =	shalt  }
0x44: {  	_ =	shalt  }
0x45: {  	_ =	shalt  }
0x46: {  	_ =	shalt  }
0x47: {  	_ =	shalt  }
0x48: {  	_ =	shalt  }
0x49: {  	_ =	shalt  }
0x4a: {  	_ =	shalt  }
0x4b: {  	_ =	shalt  }
0x4c: {  	_ =	shalt  }
0x4d: {  	_ =	shalt  }
0x4e: {  	_ =	shalt  }
0x4f: {  	_ =	shalt  }
0x50: {  	_ =	shalt  }
0x51: {  	_ =	shalt  }
0x52: {  	_ =	shalt  }
0x53: {  	_ =	shalt  }
0x54: {  	_ =	shalt  }
0x55: {  	_ =	shalt  }
0x56: {  	_ =	shalt  }
0x57: {  	_ =	shalt  }
0x58: {  	_ =	shalt  }
0x59: {  	_ =	shalt  }
0x5a: {  	_ =	shalt  }
0x5b: {  	_ =	shalt  }
0x5c: {  	_ =	shalt  }
0x5d: {  	_ =	shalt  }
0x5e: {  	_ =	shalt  }
0x5f: {  	_ =	shalt  }
0x60: {  	_ =	shalt  }
0x61: {  	_ =	shalt  }
0x62: {  	_ =	shalt  }
0x63: {  	_ =	shalt  }
0x64: {  	_ =	shalt  }
0x65: {  	_ =	shalt  }
0x66: {  	_ =	shalt  }
0x67: {  	_ =	shalt  }
0x68: {  	_ =	shalt  }
0x69: {  	_ =	shalt  }
0x6a: {  	_ =	shalt  }
0x6b: {  	_ =	shalt  }
0x6c: {  	_ =	shalt  }
0x6d: {  	_ =	shalt  }
0x6e: {  	_ =	shalt  }
0x6f: {  	_ =	shalt  }
0x70: {  	_ =	shalt  }
0x71: {  	_ =	shalt  }
0x72: {  	_ =	shalt  }
0x73: {  	_ =	shalt  }
0x74: {  	_ =	shalt  }
0x75: {  	_ =	shalt  }
0x76: {  	_ =	shalt  }
0x77: {  	_ =	shalt  }
0x78: {  	_ =	shalt  }
0x79: {  	_ =	shalt  }
0x7a: {  	_ =	shalt  }
0x7b: {  	_ =	shalt  }
0x7c: {  	_ =	shalt  }
0x7d: {  	_ =	shalt  }
0x7e: {  	_ =	shalt  }
0x7f: {  	_ =	shalt  }
0x80: {  	_ =	shalt  }
0x81: {  	_ =	shalt  }
0x82: {  	_ =	shalt  }
0x83: {  	_ =	shalt  }
0x84: {  	_ =	shalt  }
0x85: {  	_ =	shalt  }
0x86: {  	_ =	shalt  }
0x87: {  	_ =	shalt  }
.Lfunc_end0:
.L_simem_size_0:
called_computation_lowered:
.L_overlay_start_0:
0x88: {  	s2 =	sld [smem:$0x3FD9]  }
0x89: {  	s3 =	sld [smem:$0x3FFE];
	_ =	sdelay $0x1  }
0x8a: {  	s1 =	srdreg.scid  }
0x8b: {  	s0 =	sand.u32 $0x1, s1  }
0x8c: {  	s17 =	sshll.u32 s0, $0xA;
	s2 =	sadd.s32 s3, s2  }
0x8d: {  	s2 =	sadd.s32 s2, s17  }
0x8e: {  	[smem:$0x3FC3] =	sst s2  }
0x8f: {  	_ = 	snop  }
0x90: {  	s2 =	sld [smem:$0x3FC9]  }
0x91: {  	s18 =	sld [smem:$0x3FD0];
	(tm) =	ssettm $0x1  }
0x92: {  	s4 =	sld [smem:$0x3FFB];
	_ =	sdelay $0x3  }
0x93: {  	_ =	strace s4  }
0x94: {  	s4 =	sld [smem:$0x3FFC];
	_ =	sdelay $0x3  }
0x95: {  	_ =	strace s4  }
0x96: {  	s4 =	sld [smem:$0x3FFD];
	_ =	sdelay $0x3  }
0x97: {  	_ =	strace s4  }
0x98: {  	_ =	strace $0x8FFFFFFF  }
0x99: {  	s19 =	sld [smem:$0x3FDB];
	_ =	sdelay $0x1  }
0x9a: {  	s5 =	simm.s32 $_scs_section_size  }
0x9b: {  	s6 =	simm.s32 $_size__tile_overlayer_lowered;
	s7 =	simm.s32 $_tile_overlayer_lowered  }
0x9c: {  	s22 =	simm.s32 $0x1BFF;
	s21 =	sshll.u32 s7, $0x1;
	s4 =	sadd.s32 s5, s19  }
0x9d: {  	s8 =	simm.s32 $0x0;
	s20 =	sshll.u32 s6, $0x1;
	s6 =	sadd.s32 s21, s4  }
0x9e: {  	[timem:s8], [sflag:s22] =	dma.local [hbm:s6], s20  }
0x9f: {  	_ =	swait.ge [sflag:s22], s20  }
0xa0: {  	s5 =	ssub.s32 $0x0, s20;
	[sflag:s22] =	ssyncset.done $0x0  }
0xa1: {  	[sflag:s22] =	ssyncadd.s32 s5;
	_ =	sdelay $0x1  }
0xa2: {  	s23 =	simm.s32 $0x1B8B  }
0xa3: {  	_ =	swait.ge [sflag:s23], $0x1  }
0xa4: {  	[sflag:s23] =	ssyncset.done $0x0  }
0xa5: {  	s25 =	simm.s32 $0x1B8E;
	s24 =	sld [smem:$0x3FFE];
	[sflag:s23] =	ssyncadd.s32 $0xFFFFFFFF  }
0xa6: {  	s26 =	simm.s32 $execute0_lowered;
	[smem:$0x3FD2] =	sst s25  }
0xa7: {  	s6 =	sshll.u32 s26, $0x1;
	_ =	strace $0x80000046;
	[dreg:$0x1] =	wrdreg $0xFFFFFFFF  }
0xa8: {  	s28 =	simm.s32 $_size_execute0_lowered;
	s4 =	sadd.s32 s4, s6;
	[dreg:$0x0] =	wrdreg $0x0  }
0xa9: {  	s6 =	sshll.u32 s28, $0x1;
	[dreg:$0x2] =	wrdreg s4  }
0xaa: {  	[dreg:$0x3] =	wrdreg s6  }
0xab: {  	[dreg:$0x4] =	wrdreg $0xC0  }
0xac: {  	_ =	task [dreg:s8], $0x5FFFF  }
0xad: {  	[dreg:$0x1] =	wrdreg $0xFFFFFFFF  }
0xae: {  	[dreg:$0x0] =	wrdreg $0x60  }
0xaf: {  	[dreg:$0x2] =	wrdreg s2  }
0xb0: {  	[dreg:$0x3] =	wrdreg s24  }
0xb1: {  	[dreg:$0x4] =	wrdreg s18  }
0xb2: {  	[dreg:$0x5] =	wrdreg $0x9  }
0xb3: {  	_ =	task.clear_ibuf [dreg:s8], $0x6FFFF;
	_ =	strace $0x90000046  }
0xb4: {  	s29 =	simm.s32 $0x9;
	_ =	strace $0x80000048  }
0xb5: {  	_ =	swait.ge [sflag:s29], $0x1  }
0xb6: {  	[sflag:s29] =	ssyncadd.s32 $0xFFFFFFFF  }
0xb7: {  	_ =	strace $0x90000048  }
0xb8: {  	_ =	sfence  }
0xb9: {  	s30 =	sld [smem:$0x0];
	_ =	sdelay $0x2  }
0xba: {  	s31 =	sshll.u32 s1, $0xD;
	s1 =	sshrl.u32 s1, $0x2  }
0xbb: {  	s3 =	sand.u32 $0x4000, s31;
	s1 =	sadd.s32 s1, s30  }
0xbc: {  	s0 =	sor.u32 s3, s0;
	s1 =	sshll.u32 s1, $0x11  }
0xbd: {  	s0 =	sor.u32 s1, s0  }
0xbe: {  	s0 =	sadd.s32 $0x8F2B, s0  }
0xbf: {  	[sflag:s0] =	ssyncadd.remote.s32 $0x1  }
0xc0: {  	_ =	sfence.sel $0xFFFF  }
0xc1: {  	[dreg:$0x0] =	wrdreg $0xFFFFFFFF;
	(pc) =	sbr.abs _section_cstart, $3  }
0xc2: {  	[dreg:$0x1] =	wrdreg $0xFFFFFFFF  }
0xc3: {  	_ =	task.clear_ibuf [dreg:s8], $0x2FFFF;
	_ =	strace $0x9FFFFFFF  }
0xc4: {  	(tm) =	ssettm $0x7FFFFFFF  }
0xc5: {  	_ =	shalt  }
tec
execute0_lowered:
.L_overlay_start_1:
0x0: {  	(tag) =	ssettag $0x1  }
0x1: {  	v0 =	vimm.s32 $0x7;
	v1 =	vimm.s32 $0x8  }
0x2: {  	v2 =	vimm.s32 $0x9;
	v4 =	vimm.f32 $-1.500000000e+01;
	vm0 =	vcmask $0x300  }
0x3: {  	v3 =	vimm.s32 $0xA;
	v4 =	vsel vm0, $0x80000000, v4;
	vm0 =	vcmask $0x704  }
0x4: {  	v5 =	vimm.s32 $0x65432100;
	v4 =	vsel vm0, $0xBF800000, v4;
	vm0 =	vcmask $0xB08  }
0x5: {  	s1 =	srdreg.scid;
	v6 =	vimm.s32 $0xEDCBA987;
	s2 =	rddreg [dreg:$0x0];
	v4 =	vsel vm0, $0xC0000000, v4;
	vm0 =	vcmask $0xF0C  }
0x6: {  	s0 =	stileid.u32;
	s6 =	rddreg [dreg:$0x1];
	v6 =	vunpack.c.l.s4.s8 v6;
	v4 =	vsel vm0, $0xC0400000, v4;
	vm0 =	vcmask $0x1310  }
0x7: {  	s10 =	simm.s32 $0x5;
	s3 =	sand.u32 $0x1, s1;
	s31 =	sshll.u32 s0, $0x1;
	v5 =	vunpack.c.l.s4.s8 v5;
	v4 =	vsel vm0, $0xC0800000, v4;
	vm0 =	vcmask $0x1714  }
0x8: {  	s11 =	simm.s32 $0x6280;
	s12 =	simm.s32 $0x1;
	s1 =	sor.u32 s3, s31;
	v6 =	vunpack.c.0.s8.s32 v6;
	v4 =	vsel vm0, $0xC0A00000, v4;
	vm0 =	vcmask $0x1B18  }
0x9: {  	s13 =	simm.s32 $0x80;
	s14 =	simm.s32 $0x100;
	s1 =	smul.u32 $0x6, s1;
	v5 =	vunpack.c.0.s8.s32 v5;
	v4 =	vsel vm0, $0xC0C00000, v4;
	vm0 =	vcmask $0x1F1C  }
0xa: {  	s15 =	simm.s32 $0xC280;
	s16 =	simm.s32 $0x2;
	s17 =	simm.s32 $0x12280;
	v6 =	vand.u32 $0xF, v6;
	v7 =	vsel vm0, $0xC0E00000, v4;
	vm0 =	vcmask $0x2320  }
0xb: {  	s18 =	simm.s32 $0x3;
	s4 =	sshrl.u32 s0, $0x3;
	s5 =	sadd.s32 $0xFFFFFFA0, s1;
	v4 =	vcombine.low v5, v6;
	v5 =	vsel vm0, $0xC1000000, v7;
	vm0 =	vcmask $0x2724  }
0xc: {  	s19 =	simm.s32 $0x4;
	s7 =	smul.u32 $0xD80000, s4;
	s5 =	smin.u32 s1, s5;
	v6 =	vimm.s32 $0x66543210;
	v5 =	vsel vm0, $0xC1100000, v5;
	vm0 =	vcmask $0x2B28  }
0xd: {  	vm1 =	vcmask $0x2F2C;
	s20 =	simm.s32 $0x0;
	s3 =	ssub.s32 $0x2, s3;
	s8 =	smul.u32 $0x24000, s5;
	v6 =	vunpack.c.l.s4.s8 v6;
	v5 =	vsel vm0, $0xC1200000, v5  }
0xe: {  	vm2 =	vcmask $0x1F00;
	s6 =	sadd.s32 $0x400, s6;
	s4 =	rddreg [dreg:$0x2];
	s9 =	sshrl.u32 s3, $0x1;
	v5 =	vsel vm1, $0xC1300000, v5;
	vm1 =	vcmask $0x3330  }
0xf: {  	s3 =	ssub.s32 s3, s9;
	s5 =	simm.s32 $0x0;
	s7 =	sadd.s32 s7, s8;
	v6 =	vunpack.c.0.s8.s32 v6;
	v5 =	vsel vm1, $0xC1400000, v5;
	vm1 =	vcmask $0x3734  }
0x10: {  	vm3 =	vcmask $0x3B38;
	s9 =	simm.s32 $0x280;
	[smem:$0x7FF] =	sst s5;
	s7 =	sshrl.u32 s7, $0x3;
	vm0 =	vmmov $0x1;
	v7 =	vsel vm1, $0xC1500000, v5  }
0x11: {  	_ =	strace $0x80000047;
	s8 =	smax.u32 s3, $0x1;
	s7 =	sadd.s32 s2, s7;
	v5 =	vnsel vm2, $0x6, v6;
	vm1 =	vcmask $0x1B04;
	v6 =	vsel vm3, $0xC1600000, v7  }
.LBB2_1:
0x12: {  	[tilespmem:s9], [sflag:$0x1] =	stream.linear.gather [hbm4b:s7+s5], $0x6000, $0x38;
	[tilespmem:$0x18280] =	vst v63  }
0x13: {  	s21 =	simm.s32 $0x0  }
.LBB2_2:
0x14: {  	s3 =	smul.u32 $0x156, s21;
	_ =	sdelay $0x1  }
0x15: {  	s3 =	sshrl.u32 s3, $0xA  }
0x16: {  	s3 =	sand.u32 $0x3F, s3  }
0x17: {  	s3 =	smul.u32 $0x6, s3  }
0x18: {  	s23 =	sshll.u32 s21, $0x1;
	s26 =	smul.u32 $0xAB, s21  }
0x19: {  	s3 =	ssub.s32 s23, s3  }
0x1a: {  	s24 =	sand.u32 $0xFE, s3;
	s3 =	sshrl.u32 s26, $0x9  }
0x1b: {  	s3 =	sand.u32 $0x7F, s3  }
0x1c: {  	s3 =	sadd.s32 s3, s1  }
0x1d: {  	s22 =	smulhi.u32 $0xAAAAAAAB, s3;
	_ =	sdelay $0x1  }
0x1e: {  	s22 =	sshrl.u32 s22, $0x6  }
0x1f: {  	s22 =	smul.u32 $0x60, s22;
	_ =	sdelay $0x1  }
0x20: {  	p0 =	seq.s32 s24, $0x0;
	s22 =	ssub.s32 s3, s22  }
0x21: {  	s25 =	sshll.u32 @p0 s22, $0x1  }
0x22: {  	s25 =	sadd.s32 @p0 s6, s25  }
0x23: {  	[tilespmem:s5], [sflag:$0x5] =	stream.linear.gather @p0 [hbm4b:s25+s5], $0x10, $0x38;
	[tilespmem:$0x18280] =	vst v63  }
0x24: {  	_ =	swait.ge @p0 [sflag:s10], $0x10  }
0x25: {  	[sflag:s10] =	ssyncset.done @p0 $0x0  }
0x26: {  	[sflag:s10] =	ssyncadd.s32 @p0 $0xFFFFFFF0  }
0x27: {  	v7 =	vld.idx.msk @p0 [tilespmem:v0+s5+$0x0], $0xffff  }
0x28: {  	v8 =	vld.idx.msk @p0 [tilespmem:v1+s5+$0x0], $0xffff;
	_ =	sdelay $0x4  }
0x29: {  	v8 =	vsub.f32 @p0 v8, v7;
	_ =	sdelay $0x1  }
0x2a: {  	(erf) = vrcp.f32 @p0 v8;
	_ =	sdelay $0x1  }
0x2b: {  	v9 =	vld.idx.msk @p0 [tilespmem:v4+s5+$0x0], $0xffff  }
0x2c: {  	v10 =	vld.idx.msk @p0 [tilespmem:v5+s5+$0x0], $0xffff  }
0x2d: {  	s0 =	sor.u32 $0x1, s23  }
0x2e: {  	s26 =	sand.u32 $0xFF, s0  }
0x2f: {  	s26 =	smul.u32 $0xAB, s26;
	v11 =	vld.idx.msk @p0 [tilespmem:v2+s5+$0x0], $0xffff  }
0x30: {  	v12 =	vld.idx.msk @p0 [tilespmem:v3+s5+$0x0], $0xffff  }
0x31: {  	s26 =	sshrl.u32 s26, $0xA;
	v13 =	vld.msk @p0 [tilespmem:s5+$0x0], $0xffff;
	v10 =	vsub.f32 @p0 v10, v9  }
0x32: {  	s26 =	smul.u32 $0x6, s26;
	v14 =	vpop @p0 (erf)  }
0x33: {  	s3 =	smulhi.u32 $0xAAAAAAAB, s3;
	v10 =	vmul.f32 @p0 v10, v14  }
0x34: {  	v15 =	vmul.f32 @p0 v8, v11  }
0x35: {  	s22 =	smul.u32 $0x24000, s22;
	s3 =	sshrl.u32 s3, $0x6;
	s25 =	ssub.s32 s0, s26;
	v7 =	vsub.f32 @p0 v7, v8;
	v10 =	vsel @p0 vm1, v10, v12  }
0x36: {  	s3 =	smul.u32 $0xD80000, s3;
	s25 =	sand.u32 $0xFF, s25;
	v12 =	vsub.f32 @p0 v13, v15;
	v10 =	vsel @p0 vm0, v11, v10  }
0x37: {  	s0 =	smul.u32 $0x6000, s25;
	v7 =	vmul.f32 @p0 v14, v7;
	v11 =	vmul.f32 @p0 v6, v10  }
0x38: {  	s25 =	sadd.s32 s22, s3;
	[tilespmem:$0x200] =	vst @p0 v14;
	v9 =	vsel @p0 vm0, v12, v9  }
0x39: {  	s3 =	sadd.s32 s0, s25;
	[tilespmem:$0x180] =	vst @p0 v7;
	v8 =	vadd.f32 @p0 v11, v9  }
0x3a: {  	s22 =	sshrl.u32 s3, $0x3;
	[tilespmem:$0x100] =	vst @p0 v10  }
0x3b: {  	s3 =	sadd.s32 s2, s22;
	[tilespmem:$0x80] =	vst @p0 v8  }
0x3c: {  	[tilespmem:s11], [sflag:$0x2] =	stream.linear.gather [hbm4b:s3+s5], $0x6000, $0x38;
	[tilespmem:$0x18280] =	vst v63  }
0x3d: {  	_ =	swait.ge [sflag:s12], $0x6000  }
0x3e: {  	p0 =	seq.s32 s21, $0x0;
	[sflag:s12] =	ssyncset.done $0x0  }
0x3f: {  	s3 =	simm.s32 @!p0 $0x3;
	[sflag:s12] =	ssyncadd.s32 $0xFFFFA000  }
0x40: {  	s0 =	simm.s32 $0x0;
	_ =	swait.ge @!p0 [sflag:s3], $0x6000  }
0x41: {  	s28 =	simm.s32 $0x0;
	s26 =	smul.u32 $0xC00, s0;
	[sflag:s3] =	ssyncset.done @!p0 $0x0  }
0x42: {  	s0 =	sand.u32 $0x380, s28;
	[sflag:s3] =	ssyncadd.s32 @!p0 $0xFFFFA000  }
0x43: {  	s26 =	sor.u32 s0, s26;
	v8 =	vld [tilespmem:$0x200]  }
0x44: {  	v9 =	vld [tilespmem:s26+$0x280];
	_ =	sdelay $0x1  }
0x45: {  	v7 =	vld [tilespmem:$0x180];
	_ =	sdelay $0x2  }
0x46: {  	v9 =	vmul.f32 v9, v8;
	_ =	sdelay $0x1  }
0x47: {  	v9 =	vsub.f32 v9, v7;
	_ =	sdelay $0x1  }
0x48: {  	v10 =	vmax.f32 v9, $0.0e+00  }
0x49: {  	v11 =	vld [tilespmem:s26+$0x290];
	v10 =	vmin.f32 v10, $7.006999970e+00  }
0x4a: {  	v10 =	vtrunc.f32 v10  }
0x4b: {  	v10 =	vcvt.f32.s32 v10;
	_ =	sdelay $0x2  }
0x4c: {  	v11 =	vmul.f32 v11, v8;
	_ =	sdelay $0x1  }
0x4d: {  	v11 =	vsub.f32 v11, v7  }
0x4e: {  	v12 =	vld.idx.msk [tilespmem:v10+s14+$0x0], $0xffff  }
0x4f: {  	v13 =	vld [tilespmem:s26+$0x2A0];
	v14 =	vmax.f32 v11, $0.0e+00  }
0x50: {  	v14 =	vmin.f32 v14, $7.006999970e+00;
	v10 =	vld.idx.msk [tilespmem:v10+s13+$0x0], $0xffff  }
0x51: {  	v14 =	vtrunc.f32 v14  }
0x52: {  	v14 =	vcvt.f32.s32 v14  }
0x53: {  	v9 =	vmul.f32 v12, v9;
	_ =	sdelay $0x1  }
0x54: {  	v12 =	vmul.f32 v13, v8;
	v9 =	vadd.f32 v9, v10;
	_ =	sdelay $0x1  }
0x55: {  	[tilespmem:s26+$0xC280] =	vst v9;
	v9 =	vsub.f32 v12, v7  }
0x56: {  	v12 =	vld.idx.msk [tilespmem:v14+s14+$0x0], $0xffff  }
0x57: {  	v10 =	vld [tilespmem:s26+$0x2B0];
	v13 =	vmax.f32 v9, $0.0e+00  }
0x58: {  	v14 =	vld.idx.msk [tilespmem:v14+s13+$0x0], $0xffff;
	v13 =	vmin.f32 v13, $7.006999970e+00  }
0x59: {  	v13 =	vtrunc.f32 v13  }
0x5a: {  	v13 =	vcvt.f32.s32 v13  }
0x5b: {  	v11 =	vmul.f32 v12, v11;
	_ =	sdelay $0x1  }
0x5c: {  	v10 =	vmul.f32 v10, v8;
	v11 =	vadd.f32 v11, v14;
	_ =	sdelay $0x1  }
0x5d: {  	v10 =	vsub.f32 v10, v7;
	[tilespmem:s26+$0xC290] =	vst v11  }
0x5e: {  	v11 =	vld.idx.msk [tilespmem:v13+s14+$0x0], $0xffff  }
0x5f: {  	v12 =	vld [tilespmem:s26+$0x2C0];
	v14 =	vmax.f32 v10, $0.0e+00  }
0x60: {  	v14 =	vmin.f32 v14, $7.006999970e+00;
	v13 =	vld.idx.msk [tilespmem:v13+s13+$0x0], $0xffff  }
0x61: {  	v14 =	vtrunc.f32 v14  }
0x62: {  	v14 =	vcvt.f32.s32 v14  }
0x63: {  	v9 =	vmul.f32 v11, v9;
	_ =	sdelay $0x1  }
0x64: {  	v11 =	vmul.f32 v12, v8;
	v9 =	vadd.f32 v9, v13;
	_ =	sdelay $0x1  }
0x65: {  	[tilespmem:s26+$0xC2A0] =	vst v9;
	v9 =	vsub.f32 v11, v7  }
0x66: {  	v11 =	vld.idx.msk [tilespmem:v14+s14+$0x0], $0xffff  }
0x67: {  	v12 =	vld.idx.msk [tilespmem:v14+s13+$0x0], $0xffff;
	v13 =	vmax.f32 v9, $0.0e+00  }
0x68: {  	v14 =	vld [tilespmem:s26+$0x2D0];
	v13 =	vmin.f32 v13, $7.006999970e+00  }
0x69: {  	v13 =	vtrunc.f32 v13  }
0x6a: {  	v13 =	vcvt.f32.s32 v13  }
0x6b: {  	v10 =	vmul.f32 v11, v10;
	_ =	sdelay $0x1  }
0x6c: {  	v11 =	vmul.f32 v14, v8;
	v10 =	vadd.f32 v10, v12;
	_ =	sdelay $0x1  }
0x6d: {  	[tilespmem:s26+$0xC2B0] =	vst v10;
	v10 =	vsub.f32 v11, v7  }
0x6e: {  	v11 =	vld.idx.msk [tilespmem:v13+s14+$0x0], $0xffff  }
0x6f: {  	v12 =	vld.idx.msk [tilespmem:v13+s13+$0x0], $0xffff;
	v13 =	vmax.f32 v10, $0.0e+00  }
0x70: {  	v14 =	vld [tilespmem:s26+$0x2E0];
	v13 =	vmin.f32 v13, $7.006999970e+00  }
0x71: {  	v13 =	vtrunc.f32 v13  }
0x72: {  	s0 =	simm.s32 $0x0;
	v13 =	vcvt.f32.s32 v13  }
0x73: {  	s28 =	simm.s32 $0x80;
	s3 =	smul.u32 $0xC00, s0;
	v9 =	vmul.f32 v11, v9  }
0x74: {  	s28 =	sand.u32 $0x380, s28  }
0x75: {  	s28 =	sor.u32 s28, s3;
	v11 =	vmul.f32 v14, v8;
	v9 =	vadd.f32 v9, v12  }
0x76: {  	v12 =	vld [tilespmem:s28+$0x280]  }
0x77: {  	[tilespmem:s26+$0xC2C0] =	vst v9;
	v9 =	vsub.f32 v11, v7  }
0x78: {  	v11 =	vld.idx.msk [tilespmem:v13+s14+$0x0], $0xffff  }
0x79: {  	v15 =	vld [tilespmem:s26+$0x2F0];
	v14 =	vmax.f32 v9, $0.0e+00  }
0x7a: {  	v13 =	vld.idx.msk [tilespmem:v13+s13+$0x0], $0xffff;
	v14 =	vmin.f32 v14, $7.006999970e+00  }
0x7b: {  	v12 =	vmul.f32 v12, v8;
	v14 =	vtrunc.f32 v14  }
0x7c: {  	v14 =	vcvt.f32.s32 v14  }
0x7d: {  	v12 =	vsub.f32 v12, v7;
	v10 =	vmul.f32 v11, v10;
	_ =	sdelay $0x1  }
0x7e: {  	v11 =	vmax.f32 v12, $0.0e+00;
	v10 =	vadd.f32 v10, v13;
	v13 =	vmul.f32 v15, v8  }
0x7f: {  	v11 =	vmin.f32 v11, $7.006999970e+00;
	v15 =	vld [tilespmem:s28+$0x290]  }
0x80: {  	v11 =	vtrunc.f32 v11;
	[tilespmem:s26+$0xC2D0] =	vst v10;
	v10 =	vsub.f32 v13, v7  }
0x81: {  	v11 =	vcvt.f32.s32 v11;
	v13 =	vld.idx.msk [tilespmem:v14+s14+$0x0], $0xffff  }
0x82: {  	v17 =	vld [tilespmem:s26+$0x680];
	v16 =	vmax.f32 v10, $0.0e+00  }
0x83: {  	v14 =	vld.idx.msk [tilespmem:v14+s13+$0x0], $0xffff;
	v16 =	vmin.f32 v16, $7.006999970e+00  }
0x84: {  	v15 =	vmul.f32 v15, v8;
	v16 =	vtrunc.f32 v16  }
0x85: {  	v16 =	vcvt.f32.s32 v16  }
0x86: {  	v15 =	vsub.f32 v15, v7;
	v9 =	vmul.f32 v13, v9  }
0x87: {  	v13 =	vld.idx.msk [tilespmem:v11+s14+$0x0], $0xffff  }
0x88: {  	v18 =	vld [tilespmem:s28+$0x2A0];
	v19 =	vmax.f32 v15, $0.0e+00;
	v9 =	vadd.f32 v9, v14;
	v14 =	vmul.f32 v17, v8  }
0x89: {  	v11 =	vld.idx.msk [tilespmem:v11+s13+$0x0], $0xffff;
	v17 =	vmin.f32 v19, $7.006999970e+00  }
0x8a: {  	v17 =	vtrunc.f32 v17;
	[tilespmem:s26+$0xC2E0] =	vst v9;
	v9 =	vsub.f32 v14, v7  }
0x8b: {  	v14 =	vcvt.f32.s32 v17;
	v17 =	vld.idx.msk [tilespmem:v16+s14+$0x0], $0xffff  }
0x8c: {  	v12 =	vmul.f32 v13, v12;
	v13 =	vld.idx.msk [tilespmem:v16+s13+$0x0], $0xffff;
	v16 =	vmax.f32 v9, $0.0e+00  }
0x8d: {  	v19 =	vld [tilespmem:s26+$0x690];
	v16 =	vmin.f32 v16, $7.006999970e+00  }
0x8e: {  	v18 =	vmul.f32 v18, v8;
	v11 =	vadd.f32 v12, v11;
	v12 =	vtrunc.f32 v16  }
0x8f: {  	v12 =	vcvt.f32.s32 v12  }
0x90: {  	[tilespmem:s28+$0xC280] =	vst v11;
	v11 =	vsub.f32 v18, v7;
	v10 =	vmul.f32 v17, v10  }
0x91: {  	v17 =	vld.idx.msk [tilespmem:v14+s14+$0x0], $0xffff  }
0x92: {  	v16 =	vld [tilespmem:s28+$0x2B0];
	v18 =	vmax.f32 v11, $0.0e+00;
	v10 =	vadd.f32 v10, v13;
	v13 =	vmul.f32 v19, v8  }
0x93: {  	v14 =	vld.idx.msk [tilespmem:v14+s13+$0x0], $0xffff;
	v18 =	vmin.f32 v18, $7.006999970e+00  }
0x94: {  	v18 =	vtrunc.f32 v18;
	[tilespmem:s26+$0xC2F0] =	vst v10;
	v10 =	vsub.f32 v13, v7  }
0x95: {  	v13 =	vcvt.f32.s32 v18;
	v18 =	vld.idx.msk [tilespmem:v12+s14+$0x0], $0xffff  }
0x96: {  	v19 =	vld [tilespmem:s26+$0x6A0];
	v15 =	vmul.f32 v17, v15;
	v17 =	vmax.f32 v10, $0.0e+00  }
0x97: {  	v12 =	vld.idx.msk [tilespmem:v12+s13+$0x0], $0xffff;
	v17 =	vmin.f32 v17, $7.006999970e+00  }
0x98: {  	v16 =	vmul.f32 v16, v8;
	v14 =	vadd.f32 v15, v14;
	v15 =	vtrunc.f32 v17  }
0x99: {  	v15 =	vcvt.f32.s32 v15  }
0x9a: {  	[tilespmem:s28+$0xC290] =	vst v14;
	v14 =	vsub.f32 v16, v7;
	v9 =	vmul.f32 v18, v9  }
0x9b: {  	v16 =	vld.idx.msk [tilespmem:v13+s14+$0x0], $0xffff  }
0x9c: {  	v17 =	vld [tilespmem:s28+$0x2C0];
	v18 =	vmax.f32 v14, $0.0e+00;
	v9 =	vadd.f32 v9, v12;
	v12 =	vmul.f32 v19, v8  }
0x9d: {  	v13 =	vld.idx.msk [tilespmem:v13+s13+$0x0], $0xffff;
	v18 =	vmin.f32 v18, $7.006999970e+00  }
0x9e: {  	v18 =	vtrunc.f32 v18;
	[tilespmem:s26+$0xC680] =	vst v9;
	v9 =	vsub.f32 v12, v7  }
0x9f: {  	v12 =	vcvt.f32.s32 v18;
	v18 =	vld.idx.msk [tilespmem:v15+s14+$0x0], $0xffff  }
0xa0: {  	v19 =	vld [tilespmem:s26+$0x6B0];
	v11 =	vmul.f32 v16, v11;
	v16 =	vmax.f32 v9, $0.0e+00  }
0xa1: {  	v15 =	vld.idx.msk [tilespmem:v15+s13+$0x0], $0xffff;
	v16 =	vmin.f32 v16, $7.006999970e+00  }
0xa2: {  	v17 =	vmul.f32 v17, v8;
	v11 =	vadd.f32 v11, v13;
	v13 =	vtrunc.f32 v16  }
0xa3: {  	v13 =	vcvt.f32.s32 v13  }
0xa4: {  	[tilespmem:s28+$0xC2A0] =	vst v11;
	v11 =	vsub.f32 v17, v7;
	v10 =	vmul.f32 v18, v10  }
0xa5: {  	v16 =	vld.idx.msk [tilespmem:v12+s14+$0x0], $0xffff  }
0xa6: {  	v12 =	vld.idx.msk [tilespmem:v12+s13+$0x0], $0xffff;
	v17 =	vmax.f32 v11, $0.0e+00;
	v10 =	vadd.f32 v10, v15;
	v15 =	vmul.f32 v19, v8  }
0xa7: {  	v18 =	vld [tilespmem:s28+$0x2D0];
	v17 =	vmin.f32 v17, $7.006999970e+00  }
0xa8: {  	v17 =	vtrunc.f32 v17;
	[tilespmem:s26+$0xC690] =	vst v10;
	v10 =	vsub.f32 v15, v7  }
0xa9: {  	v15 =	vcvt.f32.s32 v17;
	v17 =	vld.idx.msk [tilespmem:v13+s14+$0x0], $0xffff  }
0xaa: {  	v19 =	vld [tilespmem:s26+$0x6C0];
	v14 =	vmul.f32 v16, v14;
	v16 =	vmax.f32 v10, $0.0e+00  }
0xab: {  	v13 =	vld.idx.msk [tilespmem:v13+s13+$0x0], $0xffff;
	v16 =	vmin.f32 v16, $7.006999970e+00  }
0xac: {  	v12 =	vadd.f32 v14, v12;
	v14 =	vmul.f32 v18, v8;
	v16 =	vtrunc.f32 v16  }
0xad: {  	v16 =	vcvt.f32.s32 v16  }
0xae: {  	[tilespmem:s28+$0xC2B0] =	vst v12;
	v12 =	vsub.f32 v14, v7;
	v9 =	vmul.f32 v17, v9  }
0xaf: {  	v14 =	vld.idx.msk [tilespmem:v15+s14+$0x0], $0xffff  }
0xb0: {  	v18 =	vld [tilespmem:s28+$0x2E0];
	v17 =	vmax.f32 v12, $0.0e+00;
	v9 =	vadd.f32 v9, v13;
	v13 =	vmul.f32 v19, v8  }
0xb1: {  	v15 =	vld.idx.msk [tilespmem:v15+s13+$0x0], $0xffff;
	v17 =	vmin.f32 v17, $7.006999970e+00  }
0xb2: {  	s0 =	simm.s32 $0x0;
	v17 =	vtrunc.f32 v17;
	[tilespmem:s26+$0xC6A0] =	vst v9;
	v9 =	vsub.f32 v13, v7  }
0xb3: {  	s29 =	simm.s32 $0x100;
	s3 =	smul.u32 $0xC00, s0;
	v13 =	vcvt.f32.s32 v17;
	v17 =	vld.idx.msk [tilespmem:v16+s14+$0x0], $0xffff  }
0xb4: {  	s29 =	sand.u32 $0x380, s29;
	v11 =	vmul.f32 v14, v11;
	v14 =	vld [tilespmem:s26+$0x6D0];
	v19 =	vmax.f32 v9, $0.0e+00  }
0xb5: {  	s29 =	sor.u32 s29, s3;
	v16 =	vld.idx.msk [tilespmem:v16+s13+$0x0], $0xffff;
	v19 =	vmin.f32 v19, $7.006999970e+00  }
0xb6: {  	v18 =	vmul.f32 v18, v8;
	v11 =	vadd.f32 v11, v15;
	v15 =	vld [tilespmem:s29+$0x280];
	v19 =	vtrunc.f32 v19  }
0xb7: {  	v19 =	vcvt.f32.s32 v19  }
0xb8: {  	[tilespmem:s28+$0xC2C0] =	vst v11;
	v11 =	vsub.f32 v18, v7;
	v10 =	vmul.f32 v17, v10  }
0xb9: {  	v17 =	vld.idx.msk [tilespmem:v13+s14+$0x0], $0xffff  }
0xba: {  	v13 =	vld.idx.msk [tilespmem:v13+s13+$0x0], $0xffff;
	v18 =	vmax.f32 v11, $0.0e+00;
	v10 =	vadd.f32 v10, v16  }
0xbb: {  	v14 =	vmul.f32 v14, v8;
	v15 =	vmul.f32 v15, v8;
	v16 =	vmin.f32 v18, $7.006999970e+00;
	v18 =	vld [tilespmem:s28+$0x2F0]  }
0xbc: {  	v16 =	vtrunc.f32 v16;
	[tilespmem:s26+$0xC6B0] =	vst v10  }
0xbd: {  	v14 =	vsub.f32 v14, v7;
	v10 =	vcvt.f32.s32 v16;
	v15 =	vsub.f32 v15, v7;
	v16 =	vld.idx.msk [tilespmem:v19+s14+$0x0], $0xffff  }
0xbe: {  	v12 =	vmul.f32 v17, v12;
	v17 =	vld [tilespmem:s26+$0x6E0]  }
0xbf: {  	v20 =	vmax.f32 v14, $0.0e+00;
	v19 =	vld.idx.msk [tilespmem:v19+s13+$0x0], $0xffff;
	v21 =	vmax.f32 v15, $0.0e+00  }
0xc0: {  	v12 =	vadd.f32 v12, v13;
	v13 =	vmin.f32 v20, $7.006999970e+00;
	v20 =	vld [tilespmem:s29+$0x290];
	v18 =	vmul.f32 v18, v8  }
0xc1: {  	v21 =	vmin.f32 v21, $7.006999970e+00;
	v13 =	vtrunc.f32 v13  }
0xc2: {  	v21 =	vtrunc.f32 v21;
	[tilespmem:s28+$0xC2D0] =	vst v12;
	v12 =	vcvt.f32.s32 v13;
	v13 =	vsub.f32 v18, v7  }
0xc3: {  	v18 =	vcvt.f32.s32 v21;
	v21 =	vld.idx.msk [tilespmem:v10+s14+$0x0], $0xffff;
	v9 =	vmul.f32 v16, v9  }
0xc4: {  	v16 =	vmul.f32 v17, v8;
	v10 =	vld.idx.msk [tilespmem:v10+s13+$0x0], $0xffff;
	v17 =	vmax.f32 v13, $0.0e+00  }
0xc5: {  	v9 =	vadd.f32 v9, v19;
	v19 =	vmul.f32 v20, v8;
	v17 =	vmin.f32 v17, $7.006999970e+00;
	v20 =	vld [tilespmem:s28+$0x680]  }
0xc6: {  	v22 =	vld [tilespmem:s26+$0x6F0];
	v17 =	vtrunc.f32 v17  }
0xc7: {  	v23 =	vld [tilespmem:s29+$0x2A0];
	v16 =	vsub.f32 v16, v7;
	[tilespmem:s26+$0xC6C0] =	vst v9;
	v9 =	vcvt.f32.s32 v17;
	v17 =	vsub.f32 v19, v7  }
0xc8: {  	v19 =	vld.idx.msk [tilespmem:v12+s14+$0x0], $0xffff;
	v11 =	vmul.f32 v21, v11  }
0xc9: {  	v24 =	vmax.f32 v16, $0.0e+00;
	v21 =	vld.idx.msk [tilespmem:v18+s14+$0x0], $0xffff;
	v25 =	vmax.f32 v17, $0.0e+00  }
0xca: {  	v12 =	vld.idx.msk [tilespmem:v12+s13+$0x0], $0xffff;
	v10 =	vadd.f32 v11, v10;
	v11 =	vmin.f32 v24, $7.006999970e+00;
	v20 =	vmul.f32 v20, v8  }
0xcb: {  	v18 =	vld.idx.msk [tilespmem:v18+s13+$0x0], $0xffff;
	v24 =	vmin.f32 v25, $7.006999970e+00;
	v11 =	vtrunc.f32 v11  }
0xcc: {  	v24 =	vtrunc.f32 v24;
	[tilespmem:s28+$0xC2E0] =	vst v10;
	v10 =	vcvt.f32.s32 v11;
	v11 =	vsub.f32 v20, v7  }
0xcd: {  	v20 =	vcvt.f32.s32 v24;
	v24 =	vld.idx.msk [tilespmem:v9+s14+$0x0], $0xffff;
	v14 =	vmul.f32 v19, v14  }
0xce: {  	v19 =	vmul.f32 v22, v8;
	v15 =	vmul.f32 v21, v15;
	v9 =	vld.idx.msk [tilespmem:v9+s13+$0x0], $0xffff;
	v21 =	vmax.f32 v11, $0.0e+00  }
0xcf: {  	v22 =	vmul.f32 v23, v8;
	v12 =	vadd.f32 v14, v12;
	v14 =	vmin.f32 v21, $7.006999970e+00;
	v21 =	vld [tilespmem:s28+$0x690]  }
0xd0: {  	v23 =	vld [tilespmem:s26+$0xA80];
	v15 =	vadd.f32 v15, v18;
	v14 =	vtrunc.f32 v14  }
0xd1: {  	v18 =	vld [tilespmem:s29+$0x2B0];
	[tilespmem:s26+$0xC6D0] =	vst v12;
	v12 =	vcvt.f32.s32 v14;
	v14 =	vsub.f32 v19, v7;
	v19 =	vsub.f32 v22, v7  }
0xd2: {  	[tilespmem:s29+$0xC280] =	vst v15;
	v15 =	vld.idx.msk [tilespmem:v10+s14+$0x0], $0xffff;
	v13 =	vmul.f32 v24, v13  }
0xd3: {  	v22 =	vld.idx.msk [tilespmem:v20+s14+$0x0], $0xffff;
	v24 =	vmax.f32 v14, $0.0e+00;
	v25 =	vmax.f32 v19, $0.0e+00  }
0xd4: {  	v10 =	vld.idx.msk [tilespmem:v10+s13+$0x0], $0xffff;
	v9 =	vadd.f32 v13, v9;
	v13 =	vmin.f32 v24, $7.006999970e+00;
	v21 =	vmul.f32 v21, v8  }
0xd5: {  	v20 =	vld.idx.msk [tilespmem:v20+s13+$0x0], $0xffff;
	v24 =	vmin.f32 v25, $7.006999970e+00;
	v13 =	vtrunc.f32 v13  }
0xd6: {  	v24 =	vtrunc.f32 v24;
	[tilespmem:s28+$0xC2F0] =	vst v9;
	v9 =	vcvt.f32.s32 v13;
	v13 =	vsub.f32 v21, v7  }
0xd7: {  	v21 =	vcvt.f32.s32 v24;
	v24 =	vld.idx.msk [tilespmem:v12+s14+$0x0], $0xffff;
	v15 =	vmul.f32 v15, v16  }
0xd8: {  	v16 =	vld [tilespmem:s26+$0xA90];
	v17 =	vmul.f32 v22, v17;
	v22 =	vmax.f32 v13, $0.0e+00  }
0xd9: {  	v23 =	vmul.f32 v23, v8;
	v12 =	vld.idx.msk [tilespmem:v12+s13+$0x0], $0xffff;
	v10 =	vadd.f32 v15, v10;
	v15 =	vmin.f32 v22, $7.006999970e+00  }
0xda: {  	v18 =	vmul.f32 v18, v8;
	v17 =	vadd.f32 v17, v20;
	v20 =	vld [tilespmem:s28+$0x6A0];
	v15 =	vtrunc.f32 v15  }
0xdb: {  	v22 =	vld [tilespmem:s29+$0x2C0];
	[tilespmem:s26+$0xC6E0] =	vst v10;
	v10 =	vcvt.f32.s32 v15;
	v15 =	vsub.f32 v23, v7  }
0xdc: {  	v18 =	vsub.f32 v18, v7;
	[tilespmem:s29+$0xC290] =	vst v17;
	v17 =	vld.idx.msk [tilespmem:v9+s14+$0x0], $0xffff;
	v11 =	vmul.f32 v24, v11  }
0xdd: {  	v23 =	vld.idx.msk [tilespmem:v21+s14+$0x0], $0xffff;
	v24 =	vmax.f32 v15, $0.0e+00  }
0xde: {  	v25 =	vld.idx.msk [tilespmem:v9+s13+$0x0], $0xffff;
	v9 =	vmax.f32 v18, $0.0e+00;
	v11 =	vadd.f32 v11, v12;
	v12 =	vmin.f32 v24, $7.006999970e+00  }
0xdf: {  	v21 =	vld.idx.msk [tilespmem:v21+s13+$0x0], $0xffff;
	v24 =	vmin.f32 v9, $7.006999970e+00;
	v20 =	vmul.f32 v20, v8;
	v12 =	vtrunc.f32 v12  }
0xe0: {  	v24 =	vtrunc.f32 v24;
	[tilespmem:s28+$0xC680] =	vst v11;
	v11 =	vcvt.f32.s32 v12  }
0xe1: {  	v12 =	vcvt.f32.s32 v24;
	v20 =	vsub.f32 v20, v7;
	v24 =	vld.idx.msk [tilespmem:v10+s14+$0x0], $0xffff;
	v14 =	vmul.f32 v17, v14  }
0xe2: {  	v17 =	vmul.f32 v23, v19  }
0xe3: {  	v16 =	vmul.f32 v16, v8;
	v10 =	vld.idx.msk [tilespmem:v10+s13+$0x0], $0xffff;
	v19 =	vmax.f32 v20, $0.0e+00;
	v14 =	vadd.f32 v14, v25  }
0xe4: {  	v22 =	vmul.f32 v22, v8;
	v17 =	vadd.f32 v17, v21;
	v19 =	vmin.f32 v19, $7.006999970e+00;
	v21 =	vld [tilespmem:s28+$0x6B0]  }
0xe5: {  	v23 =	vld [tilespmem:s26+$0xAA0];
	v25 =	vsub.f32 v16, v7;
	v19 =	vtrunc.f32 v19;
	[tilespmem:s26+$0xC6F0] =	vst v14  }
0xe6: {  	[tilespmem:s29+$0xC2A0] =	vst v17;
	v14 =	vcvt.f32.s32 v19;
	v19 =	vsub.f32 v22, v7;
	v16 =	vld.idx.msk [tilespmem:v11+s14+$0x0], $0xffff;
	v13 =	vmul.f32 v24, v13  }
0xe7: {  	v22 =	vmax.f32 v25, $0.0e+00;
	v17 =	vld.idx.msk [tilespmem:v12+s14+$0x0], $0xffff  }
0xe8: {  	v11 =	vld.idx.msk [tilespmem:v11+s13+$0x0], $0xffff;
	v24 =	vmax.f32 v19, $0.0e+00;
	v10 =	vadd.f32 v13, v10;
	v13 =	vmin.f32 v22, $7.006999970e+00  }
0xe9: {  	v12 =	vld.idx.msk [tilespmem:v12+s13+$0x0], $0xffff;
	v22 =	vmin.f32 v24, $7.006999970e+00;
	v21 =	vmul.f32 v21, v8;
	v13 =	vtrunc.f32 v13  }
0xea: {  	v24 =	vld [tilespmem:s29+$0x2D0];
	v22 =	vtrunc.f32 v22;
	v26 =	vcvt.f32.s32 v13  }
0xeb: {  	v9 =	vld [tilespmem:s26+$0xAF0];
	[tilespmem:s28+$0xC690] =	vst v10;
	v22 =	vcvt.f32.s32 v22;
	v13 =	vsub.f32 v21, v7;
	v10 =	vmul.f32 v16, v15  }
0xec: {  	v15 =	vld.idx.msk [tilespmem:v14+s14+$0x0], $0xffff;
	v16 =	vmul.f32 v17, v18  }
0xed: {  	v14 =	vld.idx.msk [tilespmem:v14+s13+$0x0], $0xffff;
	v17 =	vmax.f32 v13, $0.0e+00;
	v11 =	vadd.f32 v10, v11  }
0xee: {  	v18 =	vmul.f32 v23, v8;
	v23 =	vld [tilespmem:s28+$0x6C0];
	v12 =	vadd.f32 v16, v12;
	v16 =	vmin.f32 v17, $7.006999970e+00  }
0xef: {  	v10 =	vld [tilespmem:s26+$0xAE0];
	v21 =	vmul.f32 v24, v8;
	v16 =	vtrunc.f32 v16;
	[tilespmem:s26+$0xCA80] =	vst v11  }
0xf0: {  	[tilespmem:s29+$0xC2B0] =	vst v12;
	v17 =	vcvt.f32.s32 v16;
	v11 =	vsub.f32 v18, v7;
	v27 =	vld.idx.msk [tilespmem:v26+s14+$0x0], $0xffff  }
0xf1: {  	v21 =	vsub.f32 v21, v7;
	v28 =	vld.idx.msk [tilespmem:v22+s14+$0x0], $0xffff;
	v12 =	vmul.f32 v15, v20  }
0xf2: {  	v15 =	vld.idx.msk [tilespmem:v26+s13+$0x0], $0xffff;
	v16 =	vmax.f32 v11, $0.0e+00  }
0xf3: {  	v22 =	vld.idx.msk [tilespmem:v22+s13+$0x0], $0xffff;
	v18 =	vmax.f32 v21, $0.0e+00;
	v12 =	vadd.f32 v12, v14;
	v14 =	vmin.f32 v16, $7.006999970e+00  }
0xf4: {  	v26 =	vmul.f32 v23, v8;
	v18 =	vmin.f32 v18, $7.006999970e+00;
	v16 =	vld [tilespmem:s26+$0xAB0];
	v14 =	vtrunc.f32 v14  }
0xf5: {  	v24 =	vld [tilespmem:s29+$0x2E0];
	v18 =	vtrunc.f32 v18;
	[tilespmem:s28+$0xC6A0] =	vst v12;
	v14 =	vcvt.f32.s32 v14  }
0xf6: {  	s0 =	simm.s32 $0x0;
	v23 =	vcvt.f32.s32 v18;
	v12 =	vsub.f32 v26, v7;
	v20 =	vld.idx.msk [tilespmem:v17+s14+$0x0], $0xffff;
	v18 =	vmul.f32 v27, v25  }
0xf7: {  	s30 =	simm.s32 $0x4;
	s31 =	simm.s32 $0x180;
	s3 =	smul.u32 $0xC00, s0;
	v25 =	vmul.f32 v28, v19;
	v19 =	vld [tilespmem:s28+$0x6D0]  }
.LBB2_3:
0xf8: {  	p0 =	sne.s32 s30, $0x3F;
	s0 =	sand.u32 $0x380, s31;
	v17 =	vld.idx.msk [tilespmem:v17+s13+$0x0], $0xffff;
	v26 =	vmax.f32 v12, $0.0e+00;
	v15 =	vadd.f32 v18, v15  }
0xf9: {  	s3 =	sor.u32 s0, s3;
	v18 =	vadd.f32 v25, v22;
	v22 =	vmin.f32 v26, $7.006999970e+00;
	v16 =	vmul.f32 v16, v8;
	v25 =	vld [tilespmem:s26+$0xAC0]  }
0xfa: {  	v26 =	vld [tilespmem:s3+$0x280];
	v24 =	vmul.f32 v24, v8;
	v22 =	vtrunc.f32 v22;
	[tilespmem:s26+$0xCA90] =	vst v15  }
0xfb: {  	[tilespmem:s29+$0xC2C0] =	vst v18;
	v15 =	vcvt.f32.s32 v22;
	v18 =	vld.idx.msk [tilespmem:v14+s14+$0x0], $0xffff;
	v16 =	vsub.f32 v16, v7  }
0xfc: {  	v13 =	vmul.f32 v20, v13;
	v22 =	vld.idx.msk [tilespmem:v23+s14+$0x0], $0xffff;
	v24 =	vsub.f32 v24, v7  }
0xfd: {  	v19 =	vmul.f32 v19, v8;
	v14 =	vld.idx.msk [tilespmem:v14+s13+$0x0], $0xffff;
	v20 =	vmax.f32 v16, $0.0e+00  }
0xfe: {  	v13 =	vadd.f32 v13, v17;
	v23 =	vld.idx.msk [tilespmem:v23+s13+$0x0], $0xffff;
	v27 =	vmax.f32 v24, $0.0e+00;
	v17 =	vmin.f32 v20, $7.006999970e+00  }
0xff: {  	v20 =	vmul.f32 v26, v8;
	v26 =	vmin.f32 v27, $7.006999970e+00;
	v17 =	vtrunc.f32 v17;
	v27 =	vld [tilespmem:s26+$0xAD0]  }
0x100: {  	v26 =	vtrunc.f32 v26;
	v28 =	vld [tilespmem:s29+$0x2F0];
	[tilespmem:s28+$0xC6B0] =	vst v13;
	v13 =	vcvt.f32.s32 v17  }
0x101: {  	v19 =	vsub.f32 v19, v7;
	v11 =	vmul.f32 v18, v11;
	v17 =	vcvt.f32.s32 v26;
	v26 =	vld.idx.msk [tilespmem:v15+s14+$0x0], $0xffff  }
0x102: {  	v18 =	vsub.f32 v20, v7;
	v20 =	vmul.f32 v22, v21;
	v21 =	vld [tilespmem:s28+$0x6E0]  }
0x103: {  	v22 =	vmax.f32 v19, $0.0e+00;
	v11 =	vadd.f32 v11, v14;
	v14 =	vmul.f32 v25, v8;
	v15 =	vld.idx.msk [tilespmem:v15+s13+$0x0], $0xffff  }
0x104: {  	v22 =	vmin.f32 v22, $7.006999970e+00;
	v25 =	vmax.f32 v18, $0.0e+00;
	v20 =	vadd.f32 v20, v23;
	v23 =	vld [tilespmem:s28+$0x6F0]  }
0x105: {  	v22 =	vtrunc.f32 v22;
	v25 =	vmin.f32 v25, $7.006999970e+00;
	v29 =	vld [tilespmem:s3+$0x290];
	v28 =	vmul.f32 v28, v8;
	[tilespmem:s26+$0xCAA0] =	vst v11  }
0x106: {  	v14 =	vsub.f32 v14, v7;
	v11 =	vtrunc.f32 v25;
	[tilespmem:s29+$0xC2D0] =	vst v20;
	v20 =	vcvt.f32.s32 v22;
	v22 =	vld.idx.msk [tilespmem:v13+s14+$0x0], $0xffff  }
0x107: {  	v11 =	vcvt.f32.s32 v11;
	v12 =	vmul.f32 v26, v12;
	v25 =	vld.idx.msk [tilespmem:v17+s14+$0x0], $0xffff;
	v28 =	vsub.f32 v28, v7  }
0x108: {  	v26 =	vmax.f32 v14, $0.0e+00;
	v21 =	vmul.f32 v21, v8;
	v13 =	vld.idx.msk [tilespmem:v13+s13+$0x0], $0xffff  }
0x109: {  	v12 =	vadd.f32 v12, v15;
	v15 =	vmin.f32 v26, $7.006999970e+00;
	v17 =	vld.idx.msk [tilespmem:v17+s13+$0x0], $0xffff;
	v30 =	vmax.f32 v28, $0.0e+00  }
0x10a: {  	v15 =	vtrunc.f32 v15;
	v26 =	vmul.f32 v29, v8;
	v29 =	vmin.f32 v30, $7.006999970e+00;
	v30 =	vld [tilespmem:s29+$0x680]  }
0x10b: {  	v31 =	vld [tilespmem:s3+$0x2A0];
	v29 =	vtrunc.f32 v29;
	[tilespmem:s28+$0xC6C0] =	vst v12;
	v12 =	vcvt.f32.s32 v15  }
0x10c: {  	v21 =	vsub.f32 v21, v7;
	v16 =	vmul.f32 v22, v16;
	v15 =	vcvt.f32.s32 v29;
	v29 =	vld.idx.msk [tilespmem:v20+s14+$0x0], $0xffff  }
0x10d: {  	v26 =	vsub.f32 v26, v7;
	v24 =	vmul.f32 v25, v24;
	v25 =	vmul.f32 v27, v8;
	v22 =	vld.idx.msk [tilespmem:v11+s14+$0x0], $0xffff  }
0x10e: {  	v23 =	vmul.f32 v23, v8;
	v27 =	vmax.f32 v21, $0.0e+00;
	v13 =	vadd.f32 v16, v13;
	v20 =	vld.idx.msk [tilespmem:v20+s13+$0x0], $0xffff  }
0x10f: {  	v16 =	vmax.f32 v26, $0.0e+00;
	v17 =	vadd.f32 v24, v17;
	v24 =	vmin.f32 v27, $7.006999970e+00;
	v11 =	vld.idx.msk [tilespmem:v11+s13+$0x0], $0xffff  }
0x110: {  	v16 =	vmin.f32 v16, $7.006999970e+00;
	v27 =	vmul.f32 v30, v8;
	v24 =	vtrunc.f32 v24;
	v30 =	vld [tilespmem:s28+$0xA80];
	[tilespmem:s26+$0xCAB0] =	vst v13  }
0x111: {  	v13 =	vtrunc.f32 v16;
	v16 =	vcvt.f32.s32 v24;
	v24 =	vsub.f32 v25, v7;
	[tilespmem:s29+$0xC2E0] =	vst v17;
	v17 =	vld.idx.msk [tilespmem:v12+s14+$0x0], $0xffff  }
0x112: {  	v13 =	vcvt.f32.s32 v13;
	v27 =	vsub.f32 v27, v7;
	v19 =	vmul.f32 v29, v19;
	v25 =	vld.idx.msk [tilespmem:v15+s14+$0x0], $0xffff  }
0x113: {  	v18 =	vmul.f32 v22, v18;
	v22 =	vmul.f32 v31, v8;
	v29 =	vmax.f32 v24, $0.0e+00;
	v12 =	vld.idx.msk [tilespmem:v12+s13+$0x0], $0xffff  }
0x114: {  	v31 =	vmax.f32 v27, $0.0e+00;
	v19 =	vadd.f32 v19, v20;
	v20 =	vmin.f32 v29, $7.006999970e+00;
	v15 =	vld.idx.msk [tilespmem:v15+s13+$0x0], $0xffff  }
0x115: {  	v11 =	vadd.f32 v18, v11;
	v18 =	vmin.f32 v31, $7.006999970e+00;
	v20 =	vtrunc.f32 v20;
	v29 =	vld [tilespmem:s29+$0x690]  }
0x116: {  	v18 =	vtrunc.f32 v18;
	v31 =	vld [tilespmem:s3+$0x2B0];
	[tilespmem:s28+$0xC6D0] =	vst v19;
	v19 =	vcvt.f32.s32 v20  }
0x117: {  	v20 =	vsub.f32 v23, v7;
	v14 =	vmul.f32 v17, v14;
	[tilespmem:s3+$0xC280] =	vst v11;
	v11 =	vcvt.f32.s32 v18;
	v18 =	vld.idx.msk [tilespmem:v16+s14+$0x0], $0xffff  }
0x118: {  	v10 =	vmul.f32 v10, v8;
	v22 =	vsub.f32 v22, v7;
	v23 =	vmul.f32 v25, v28;
	v17 =	vld.idx.msk [tilespmem:v13+s14+$0x0], $0xffff  }
0x119: {  	v28 =	vmul.f32 v30, v8;
	v25 =	vmax.f32 v20, $0.0e+00;
	v12 =	vadd.f32 v14, v12;
	v16 =	vld.idx.msk [tilespmem:v16+s13+$0x0], $0xffff  }
0x11a: {  	v14 =	vmax.f32 v22, $0.0e+00;
	v15 =	vadd.f32 v23, v15;
	v23 =	vmin.f32 v25, $7.006999970e+00;
	v13 =	vld.idx.msk [tilespmem:v13+s13+$0x0], $0xffff  }
0x11b: {  	v14 =	vmin.f32 v14, $7.006999970e+00;
	v25 =	vmul.f32 v29, v8;
	v23 =	vtrunc.f32 v23;
	v29 =	vld [tilespmem:s28+$0xA90];
	[tilespmem:s26+$0xCAC0] =	vst v12  }
0x11c: {  	v10 =	vsub.f32 v10, v7;
	v12 =	vtrunc.f32 v14;
	v14 =	vcvt.f32.s32 v23;
	[tilespmem:s29+$0xC2F0] =	vst v15;
	v15 =	vld.idx.msk [tilespmem:v19+s14+$0x0], $0xffff  }
0x11d: {  	v12 =	vcvt.f32.s32 v12;
	v25 =	vsub.f32 v25, v7;
	v18 =	vmul.f32 v18, v21;
	v23 =	vld.idx.msk [tilespmem:v11+s14+$0x0], $0xffff  }
0x11e: {  	v21 =	vmul.f32 v31, v8;
	v17 =	vmul.f32 v17, v26;
	v26 =	vmax.f32 v10, $0.0e+00;
	v19 =	vld.idx.msk [tilespmem:v19+s13+$0x0], $0xffff  }
0x11f: {  	v30 =	vmax.f32 v25, $0.0e+00;
	v16 =	vadd.f32 v18, v16;
	v18 =	vmin.f32 v26, $7.006999970e+00;
	v11 =	vld.idx.msk [tilespmem:v11+s13+$0x0], $0xffff  }
0x120: {  	v13 =	vadd.f32 v17, v13;
	v17 =	vmin.f32 v30, $7.006999970e+00;
	v18 =	vtrunc.f32 v18;
	v26 =	vld [tilespmem:s29+$0x6A0]  }
0x121: {  	v17 =	vtrunc.f32 v17;
	v30 =	vld [tilespmem:s3+$0x2C0];
	[tilespmem:s28+$0xC6E0] =	vst v16;
	v16 =	vcvt.f32.s32 v18  }
0x122: {  	v18 =	vsub.f32 v28, v7;
	v15 =	vmul.f32 v15, v24;
	[tilespmem:s3+$0xC290] =	vst v13;
	v13 =	vcvt.f32.s32 v17;
	v17 =	vld.idx.msk [tilespmem:v14+s14+$0x0], $0xffff  }
0x123: {  	v21 =	vsub.f32 v21, v7;
	v23 =	vmul.f32 v23, v27;
	v27 =	vmul.f32 v9, v8;
	v24 =	vld.idx.msk [tilespmem:v12+s14+$0x0], $0xffff  }
0x124: {  	v28 =	vmul.f32 v29, v8;
	v9 =	vmax.f32 v18, $0.0e+00;
	v15 =	vadd.f32 v15, v19;
	v14 =	vld.idx.msk [tilespmem:v14+s13+$0x0], $0xffff  }
0x125: {  	v19 =	vmax.f32 v21, $0.0e+00;
	v11 =	vadd.f32 v23, v11;
	v9 =	vmin.f32 v9, $7.006999970e+00;
	v12 =	vld.idx.msk [tilespmem:v12+s13+$0x0], $0xffff  }
0x126: {  	v19 =	vmin.f32 v19, $7.006999970e+00;
	v23 =	vmul.f32 v26, v8;
	v26 =	vtrunc.f32 v9;
	v9 =	vld [tilespmem:s28+$0xAF0];
	[tilespmem:s26+$0xCAD0] =	vst v15  }
0x127: {  	v15 =	vtrunc.f32 v19;
	[tilespmem:s29+$0xC680] =	vst v11;
	v11 =	vcvt.f32.s32 v26;
	v19 =	vld.idx.msk [tilespmem:v16+s14+$0x0], $0xffff;
	v26 =	vsub.f32 v27, v7  }
0x128: {  	v15 =	vcvt.f32.s32 v15;
	v23 =	vsub.f32 v23, v7;
	v17 =	vmul.f32 v17, v20;
	v27 =	vld.idx.msk [tilespmem:v13+s14+$0x0], $0xffff  }
0x129: {  	v20 =	vmul.f32 v24, v22;
	v22 =	vmul.f32 v30, v8;
	v16 =	vld.idx.msk [tilespmem:v16+s13+$0x0], $0xffff;
	v24 =	vmax.f32 v26, $0.0e+00  }
0x12a: {  	v29 =	vmax.f32 v23, $0.0e+00;
	v14 =	vadd.f32 v17, v14;
	v13 =	vld.idx.msk [tilespmem:v13+s13+$0x0], $0xffff;
	v17 =	vmin.f32 v24, $7.006999970e+00  }
0x12b: {  	v12 =	vadd.f32 v20, v12;
	v20 =	vmin.f32 v29, $7.006999970e+00;
	v24 =	vld [tilespmem:s28+$0xAA0];
	v17 =	vtrunc.f32 v17  }
0x12c: {  	v20 =	vtrunc.f32 v20;
	v29 =	vld [tilespmem:s29+$0x6B0];
	[tilespmem:s28+$0xC6F0] =	vst v14;
	v14 =	vcvt.f32.s32 v17  }
0x12d: {  	v28 =	vsub.f32 v28, v7;
	v10 =	vmul.f32 v19, v10;
	[tilespmem:s3+$0xC2A0] =	vst v12;
	v12 =	vcvt.f32.s32 v20;
	v17 =	vld.idx.msk [tilespmem:v11+s14+$0x0], $0xffff  }
0x12e: {  	v30 =	vsub.f32 v22, v7;
	v20 =	vmul.f32 v27, v25;
	v19 =	vld.idx.msk [tilespmem:v15+s14+$0x0], $0xffff  }
0x12f: {  	v22 =	vmax.f32 v28, $0.0e+00;
	v10 =	vadd.f32 v10, v16;
	v11 =	vld.idx.msk [tilespmem:v11+s13+$0x0], $0xffff  }
0x130: {  	v16 =	vmax.f32 v30, $0.0e+00;
	v13 =	vadd.f32 v20, v13;
	v20 =	vmin.f32 v22, $7.006999970e+00;
	v15 =	vld.idx.msk [tilespmem:v15+s13+$0x0], $0xffff  }
0x131: {  	v16 =	vmin.f32 v16, $7.006999970e+00;
	v20 =	vtrunc.f32 v20;
	v22 =	vld [tilespmem:s3+$0x2D0];
	v25 =	vmul.f32 v29, v8;
	[tilespmem:s26+$0xCAE0] =	vst v10  }
0x132: {  	v10 =	vtrunc.f32 v16;
	v16 =	vcvt.f32.s32 v20;
	[tilespmem:s29+$0xC690] =	vst v13;
	v20 =	vld.idx.msk [tilespmem:v14+s14+$0x0], $0xffff  }
0x133: {  	v27 =	vcvt.f32.s32 v10;
	v10 =	vmul.f32 v17, v18;
	v29 =	vld.idx.msk [tilespmem:v12+s14+$0x0], $0xffff;
	v13 =	vsub.f32 v25, v7  }
0x134: {  	v17 =	vmul.f32 v19, v21;
	v14 =	vld.idx.msk [tilespmem:v14+s13+$0x0], $0xffff  }
0x135: {  	v11 =	vadd.f32 v10, v11;
	v12 =	vld.idx.msk [tilespmem:v12+s13+$0x0], $0xffff;
	v18 =	vmax.f32 v13, $0.0e+00  }
0x136: {  	v15 =	vadd.f32 v17, v15;
	v17 =	vmin.f32 v18, $7.006999970e+00;
	v18 =	vmul.f32 v24, v8;
	v10 =	vld [tilespmem:s28+$0xAE0]  }
0x137: {  	v19 =	vmul.f32 v22, v8;
	v17 =	vtrunc.f32 v17;
	v24 =	vld [tilespmem:s29+$0x6C0];
	[tilespmem:s28+$0xCA80] =	vst v11  }
0x138: {  	[tilespmem:s3+$0xC2B0] =	vst v15;
	v17 =	vcvt.f32.s32 v17;
	v25 =	vld.idx.msk [tilespmem:v16+s14+$0x0], $0xffff;
	v11 =	vsub.f32 v18, v7;
	v18 =	vmul.f32 v20, v26  }
0x139: {  	v21 =	vsub.f32 v19, v7;
	v19 =	vmul.f32 v29, v23;
	v26 =	vld.idx.msk [tilespmem:v27+s14+$0x0], $0xffff  }
0x13a: {  	v15 =	vld.idx.msk [tilespmem:v16+s13+$0x0], $0xffff;
	v16 =	vmax.f32 v11, $0.0e+00;
	v14 =	vadd.f32 v18, v14  }
.Ltmp0:
0x13b: {  	v18 =	vmax.f32 v21, $0.0e+00;
	v12 =	vadd.f32 v19, v12;
	v22 =	vld.idx.msk [tilespmem:v27+s13+$0x0], $0xffff;
	v16 =	vmin.f32 v16, $7.006999970e+00;
	(pc) =	sbr.rel @p0 .LBB2_3-.Ltmp0, $4  }
0x13c: {  	v18 =	vmin.f32 v18, $7.006999970e+00;
	v19 =	vmul.f32 v24, v8;
	v20 =	vtrunc.f32 v16;
	v16 =	vld [tilespmem:s28+$0xAB0];
	[tilespmem:s26+$0xCAF0] =	vst v14;
	s26 =	smov.u32 s28;
	s28 =	smov.u32 s29;
	s29 =	smov.u32 s3  }
0x13d: {  	v18 =	vtrunc.f32 v18;
	v24 =	vld [tilespmem:s29+$0x2E0];
	[tilespmem:s28+$0xC6A0] =	vst v12;
	v14 =	vcvt.f32.s32 v20  }
0x13e: {  	s0 =	sshrl.u32 s30, $0x3;
	v23 =	vcvt.f32.s32 v18;
	v18 =	vmul.f32 v25, v28;
	v20 =	vld.idx.msk [tilespmem:v17+s14+$0x0], $0xffff;
	v12 =	vsub.f32 v19, v7  }
0x13f: {  	s31 =	sadd.s32 $0x80, s31;
	s30 =	sadd.s32 $0x1, s30;
	s3 =	smul.u32 $0xC00, s0;
	v25 =	vmul.f32 v26, v30;
	v19 =	vld [tilespmem:s28+$0x6D0]  }
0x140: {  	s0 =	sand.u32 $0x380, s31  }
0x141: {  	s30 =	sor.u32 s0, s3  }
0x142: {  	v26 =	vld [tilespmem:s30+$0x280];
	_ =	sdelay $0x4  }
0x143: {  	v26 =	vmul.f32 v26, v8;
	_ =	sdelay $0x1  }
0x144: {  	v26 =	vsub.f32 v26, v7;
	_ =	sdelay $0x1  }
0x145: {  	v27 =	vmax.f32 v26, $0.0e+00  }
0x146: {  	v28 =	vld [tilespmem:s30+$0x290];
	v27 =	vmin.f32 v27, $7.006999970e+00  }
0x147: {  	v27 =	vtrunc.f32 v27  }
0x148: {  	v27 =	vcvt.f32.s32 v27;
	_ =	sdelay $0x2  }
0x149: {  	v28 =	vmul.f32 v28, v8;
	_ =	sdelay $0x1  }
0x14a: {  	v28 =	vsub.f32 v28, v7  }
0x14b: {  	v29 =	vld.idx.msk [tilespmem:v27+s14+$0x0], $0xffff  }
0x14c: {  	v30 =	vld [tilespmem:s30+$0x2A0];
	v31 =	vmax.f32 v28, $0.0e+00  }
0x14d: {  	v31 =	vmin.f32 v31, $7.006999970e+00;
	v27 =	vld.idx.msk [tilespmem:v27+s13+$0x0], $0xffff  }
0x14e: {  	v31 =	vtrunc.f32 v31  }
0x14f: {  	v31 =	vcvt.f32.s32 v31  }
0x150: {  	v26 =	vmul.f32 v29, v26;
	_ =	sdelay $0x1  }
0x151: {  	v58 =	vmul.f32 v30, v8;
	v26 =	vadd.f32 v26, v27;
	_ =	sdelay $0x1  }
0x152: {  	[tilespmem:s30+$0xC280] =	vst v26;
	v26 =	vsub.f32 v58, v7  }
0x153: {  	v27 =	vld.idx.msk [tilespmem:v31+s14+$0x0], $0xffff  }
0x154: {  	v59 =	vld [tilespmem:s30+$0x2B0];
	v60 =	vmax.f32 v26, $0.0e+00  }
0x155: {  	v31 =	vld.idx.msk [tilespmem:v31+s13+$0x0], $0xffff;
	v30 =	vmin.f32 v60, $7.006999970e+00  }
0x156: {  	v30 =	vtrunc.f32 v30  }
0x157: {  	v30 =	vcvt.f32.s32 v30  }
0x158: {  	v27 =	vmul.f32 v27, v28;
	_ =	sdelay $0x1  }
0x159: {  	v61 =	vmul.f32 v59, v8;
	v27 =	vadd.f32 v27, v31;
	_ =	sdelay $0x1  }
0x15a: {  	[tilespmem:s30+$0xC290] =	vst v27;
	v27 =	vsub.f32 v61, v7  }
0x15b: {  	v62 =	vld.idx.msk [tilespmem:v30+s14+$0x0], $0xffff  }
0x15c: {  	v63 =	vld [tilespmem:s30+$0x2C0];
	v33 =	vmax.f32 v27, $0.0e+00  }
0x15d: {  	v30 =	vld.idx.msk [tilespmem:v30+s13+$0x0], $0xffff;
	v31 =	vmin.f32 v33, $7.006999970e+00  }
0x15e: {  	v31 =	vtrunc.f32 v31  }
0x15f: {  	v31 =	vcvt.f32.s32 v31  }
0x160: {  	v26 =	vmul.f32 v62, v26;
	_ =	sdelay $0x1  }
0x161: {  	v34 =	vmul.f32 v63, v8;
	v26 =	vadd.f32 v26, v30;
	_ =	sdelay $0x1  }
0x162: {  	[tilespmem:s30+$0xC2A0] =	vst v26;
	v26 =	vsub.f32 v34, v7  }
0x163: {  	v35 =	vld.idx.msk [tilespmem:v31+s14+$0x0], $0xffff  }
0x164: {  	v38 =	vld [tilespmem:s30+$0x2D0];
	v37 =	vmax.f32 v26, $0.0e+00  }
0x165: {  	v36 =	vld.idx.msk [tilespmem:v31+s13+$0x0], $0xffff;
	v30 =	vmin.f32 v37, $7.006999970e+00  }
0x166: {  	v30 =	vtrunc.f32 v30  }
0x167: {  	v30 =	vcvt.f32.s32 v30  }
0x168: {  	v27 =	vmul.f32 v35, v27;
	_ =	sdelay $0x1  }
0x169: {  	v39 =	vmul.f32 v38, v8;
	v27 =	vadd.f32 v27, v36;
	_ =	sdelay $0x1  }
0x16a: {  	[tilespmem:s30+$0xC2B0] =	vst v27;
	v27 =	vsub.f32 v39, v7  }
0x16b: {  	v40 =	vld.idx.msk [tilespmem:v30+s14+$0x0], $0xffff  }
0x16c: {  	v43 =	vld [tilespmem:s30+$0x2E0];
	v42 =	vmax.f32 v27, $0.0e+00  }
0x16d: {  	v22 =	vadd.f32 v25, v22;
	v24 =	vmul.f32 v24, v8;
	v41 =	vld.idx.msk [tilespmem:v30+s13+$0x0], $0xffff;
	v25 =	vmin.f32 v42, $7.006999970e+00  }
0x16e: {  	v25 =	vtrunc.f32 v25  }
0x16f: {  	[tilespmem:s29+$0xC2C0] =	vst v22;
	v22 =	vsub.f32 v24, v7;
	v24 =	vcvt.f32.s32 v25  }
0x170: {  	v25 =	vld.idx.msk [tilespmem:v23+s14+$0x0], $0xffff;
	v26 =	vmul.f32 v40, v26  }
0x171: {  	v45 =	vld [tilespmem:s29+$0x2F0];
	v44 =	vmax.f32 v22, $0.0e+00  }
0x172: {  	v46 =	vmul.f32 v43, v8;
	v28 =	vmin.f32 v44, $7.006999970e+00;
	v23 =	vld.idx.msk [tilespmem:v23+s13+$0x0], $0xffff;
	v26 =	vadd.f32 v26, v41  }
0x173: {  	v28 =	vtrunc.f32 v28  }
0x174: {  	v28 =	vcvt.f32.s32 v28;
	[tilespmem:s30+$0xC2C0] =	vst v26;
	v26 =	vsub.f32 v46, v7  }
0x175: {  	v21 =	vmul.f32 v25, v21;
	v25 =	vld.idx.msk [tilespmem:v24+s14+$0x0], $0xffff  }
0x176: {  	v47 =	vld [tilespmem:s30+$0x2F0];
	v29 =	vmax.f32 v26, $0.0e+00  }
0x177: {  	v24 =	vld.idx.msk [tilespmem:v24+s13+$0x0], $0xffff;
	v21 =	vadd.f32 v21, v23;
	v23 =	vmul.f32 v45, v8;
	v29 =	vmin.f32 v29, $7.006999970e+00  }
0x178: {  	v29 =	vtrunc.f32 v29  }
0x179: {  	[tilespmem:s29+$0xC2D0] =	vst v21;
	v21 =	vsub.f32 v23, v7;
	v23 =	vcvt.f32.s32 v29  }
0x17a: {  	v48 =	vld.idx.msk [tilespmem:v28+s14+$0x0], $0xffff;
	v25 =	vmul.f32 v25, v27  }
0x17b: {  	v50 =	vld [tilespmem:s29+$0x680];
	v49 =	vmax.f32 v21, $0.0e+00  }
0x17c: {  	v27 =	vld.idx.msk [tilespmem:v28+s13+$0x0], $0xffff;
	v28 =	vmin.f32 v49, $7.006999970e+00;
	v24 =	vadd.f32 v25, v24;
	v25 =	vmul.f32 v47, v8  }
0x17d: {  	v28 =	vtrunc.f32 v28  }
0x17e: {  	v28 =	vcvt.f32.s32 v28;
	[tilespmem:s30+$0xC2D0] =	vst v24;
	v24 =	vsub.f32 v25, v7  }
0x17f: {  	v22 =	vmul.f32 v48, v22;
	v25 =	vld.idx.msk [tilespmem:v23+s14+$0x0], $0xffff  }
0x180: {  	v52 =	vld [tilespmem:s30+$0x680];
	v51 =	vmax.f32 v24, $0.0e+00  }
0x181: {  	v23 =	vld.idx.msk [tilespmem:v23+s13+$0x0], $0xffff;
	v22 =	vadd.f32 v22, v27;
	v27 =	vmul.f32 v50, v8;
	v29 =	vmin.f32 v51, $7.006999970e+00  }
0x182: {  	v29 =	vtrunc.f32 v29  }
0x183: {  	[tilespmem:s29+$0xC2E0] =	vst v22;
	v22 =	vsub.f32 v27, v7;
	v27 =	vcvt.f32.s32 v29  }
0x184: {  	v53 =	vld.idx.msk [tilespmem:v28+s14+$0x0], $0xffff;
	v25 =	vmul.f32 v25, v26  }
0x185: {  	v55 =	vld [tilespmem:s29+$0x690];
	v54 =	vmax.f32 v22, $0.0e+00  }
0x186: {  	v26 =	vld.idx.msk [tilespmem:v28+s13+$0x0], $0xffff;
	v28 =	vmin.f32 v54, $7.006999970e+00;
	v23 =	vadd.f32 v25, v23;
	v25 =	vmul.f32 v52, v8  }
0x187: {  	v28 =	vtrunc.f32 v28  }
0x188: {  	v28 =	vcvt.f32.s32 v28;
	[tilespmem:s30+$0xC2E0] =	vst v23;
	v23 =	vsub.f32 v25, v7  }
0x189: {  	v21 =	vmul.f32 v53, v21;
	v25 =	vld.idx.msk [tilespmem:v27+s14+$0x0], $0xffff  }
0x18a: {  	v57 =	vld [tilespmem:s30+$0x690];
	v56 =	vmax.f32 v23, $0.0e+00  }
0x18b: {  	v27 =	vld.idx.msk [tilespmem:v27+s13+$0x0], $0xffff;
	v21 =	vadd.f32 v21, v26;
	v26 =	vmul.f32 v55, v8;
	v29 =	vmin.f32 v56, $7.006999970e+00  }
0x18c: {  	v29 =	vtrunc.f32 v29  }
0x18d: {  	[tilespmem:s29+$0xC2F0] =	vst v21;
	v21 =	vsub.f32 v26, v7;
	v26 =	vcvt.f32.s32 v29  }
0x18e: {  	v58 =	vld.idx.msk [tilespmem:v28+s14+$0x0], $0xffff;
	v24 =	vmul.f32 v25, v24  }
0x18f: {  	v60 =	vld [tilespmem:s29+$0x6A0];
	v59 =	vmax.f32 v21, $0.0e+00  }
0x190: {  	v25 =	vld.idx.msk [tilespmem:v28+s13+$0x0], $0xffff;
	v28 =	vmin.f32 v59, $7.006999970e+00;
	v24 =	vadd.f32 v24, v27;
	v27 =	vmul.f32 v57, v8  }
0x191: {  	v28 =	vtrunc.f32 v28  }
0x192: {  	v28 =	vcvt.f32.s32 v28;
	[tilespmem:s30+$0xC2F0] =	vst v24;
	v24 =	vsub.f32 v27, v7  }
0x193: {  	v22 =	vmul.f32 v58, v22;
	v27 =	vld.idx.msk [tilespmem:v26+s14+$0x0], $0xffff  }
0x194: {  	v62 =	vld [tilespmem:s30+$0x6A0];
	v61 =	vmax.f32 v24, $0.0e+00  }
0x195: {  	v26 =	vld.idx.msk [tilespmem:v26+s13+$0x0], $0xffff;
	v22 =	vadd.f32 v22, v25;
	v25 =	vmul.f32 v60, v8;
	v29 =	vmin.f32 v61, $7.006999970e+00  }
0x196: {  	v29 =	vtrunc.f32 v29  }
0x197: {  	[tilespmem:s29+$0xC680] =	vst v22;
	v22 =	vsub.f32 v25, v7;
	v25 =	vcvt.f32.s32 v29  }
0x198: {  	v63 =	vld.idx.msk [tilespmem:v28+s14+$0x0], $0xffff;
	v23 =	vmul.f32 v27, v23  }
0x199: {  	v34 =	vld [tilespmem:s29+$0x6B0];
	v33 =	vmax.f32 v22, $0.0e+00  }
0x19a: {  	v27 =	vld.idx.msk [tilespmem:v28+s13+$0x0], $0xffff;
	v28 =	vmin.f32 v33, $7.006999970e+00;
	v23 =	vadd.f32 v23, v26;
	v26 =	vmul.f32 v62, v8  }
0x19b: {  	v28 =	vtrunc.f32 v28  }
0x19c: {  	v17 =	vld.idx.msk [tilespmem:v17+s13+$0x0], $0xffff;
	v28 =	vcvt.f32.s32 v28;
	[tilespmem:s30+$0xC680] =	vst v23;
	v23 =	vsub.f32 v26, v7  }
0x19d: {  	v21 =	vmul.f32 v63, v21;
	v36 =	vld.idx.msk [tilespmem:v25+s14+$0x0], $0xffff  }
0x19e: {  	v38 =	vld [tilespmem:s30+$0x6B0];
	v37 =	vmax.f32 v23, $0.0e+00  }
0x19f: {  	v25 =	vld.idx.msk [tilespmem:v25+s13+$0x0], $0xffff;
	v21 =	vadd.f32 v21, v27;
	v27 =	vmul.f32 v34, v8;
	v30 =	vmin.f32 v37, $7.006999970e+00  }
0x1a0: {  	v13 =	vmul.f32 v20, v13;
	v35 =	vmax.f32 v12, $0.0e+00;
	v30 =	vtrunc.f32 v30  }
0x1a1: {  	v26 =	vmin.f32 v35, $7.006999970e+00;
	[tilespmem:s29+$0xC690] =	vst v21;
	v20 =	vsub.f32 v27, v7;
	v21 =	vcvt.f32.s32 v30  }
0x1a2: {  	v26 =	vtrunc.f32 v26;
	v27 =	vld.idx.msk [tilespmem:v28+s14+$0x0], $0xffff;
	v24 =	vmul.f32 v36, v24  }
0x1a3: {  	v17 =	vadd.f32 v13, v17;
	v40 =	vld [tilespmem:s29+$0x6C0];
	v26 =	vcvt.f32.s32 v26;
	v13 =	vmax.f32 v20, $0.0e+00  }
0x1a4: {  	v28 =	vld.idx.msk [tilespmem:v28+s13+$0x0], $0xffff;
	v39 =	vmin.f32 v13, $7.006999970e+00;
	v24 =	vadd.f32 v24, v25;
	v25 =	vmul.f32 v38, v8  }
0x1a5: {  	[tilespmem:s28+$0xC6B0] =	vst v17;
	v17 =	vtrunc.f32 v39  }
0x1a6: {  	v19 =	vmul.f32 v19, v8;
	v17 =	vcvt.f32.s32 v17;
	[tilespmem:s30+$0xC690] =	vst v24;
	v24 =	vsub.f32 v25, v7  }
0x1a7: {  	v22 =	vmul.f32 v27, v22;
	v25 =	vld.idx.msk [tilespmem:v21+s14+$0x0], $0xffff  }
0x1a8: {  	v19 =	vsub.f32 v19, v7;
	v43 =	vld [tilespmem:s30+$0x6C0];
	v27 =	vmax.f32 v24, $0.0e+00  }
0x1a9: {  	v42 =	vmul.f32 v40, v8;
	v21 =	vld.idx.msk [tilespmem:v21+s13+$0x0], $0xffff;
	v22 =	vadd.f32 v22, v28;
	v27 =	vmin.f32 v27, $7.006999970e+00  }
0x1aa: {  	v41 =	vld.idx.msk [tilespmem:v26+s14+$0x0], $0xffff;
	v27 =	vtrunc.f32 v27  }
0x1ab: {  	v32 =	vmax.f32 v19, $0.0e+00;
	v26 =	vld.idx.msk [tilespmem:v26+s13+$0x0], $0xffff;
	[tilespmem:s29+$0xC6A0] =	vst v22;
	v22 =	vsub.f32 v42, v7;
	v27 =	vcvt.f32.s32 v27  }
0x1ac: {  	v15 =	vadd.f32 v18, v15;
	v18 =	vmin.f32 v32, $7.006999970e+00;
	v45 =	vld.idx.msk [tilespmem:v17+s14+$0x0], $0xffff;
	v23 =	vmul.f32 v25, v23  }
0x1ad: {  	v16 =	vmul.f32 v16, v8;
	v18 =	vtrunc.f32 v18;
	v17 =	vld.idx.msk [tilespmem:v17+s13+$0x0], $0xffff;
	v46 =	vmax.f32 v22, $0.0e+00  }
0x1ae: {  	[tilespmem:s26+$0xCA90] =	vst v15;
	v25 =	vld [tilespmem:s29+$0x6D0];
	v15 =	vmin.f32 v46, $7.006999970e+00;
	v21 =	vadd.f32 v23, v21;
	v23 =	vmul.f32 v43, v8  }
0x1af: {  	v18 =	vcvt.f32.s32 v18;
	v44 =	vld [tilespmem:s28+$0x6E0];
	v15 =	vtrunc.f32 v15  }
0x1b0: {  	v47 =	vld.idx.msk [tilespmem:v14+s14+$0x0], $0xffff;
	v12 =	vmul.f32 v41, v12;
	v49 =	vcvt.f32.s32 v15;
	[tilespmem:s30+$0xC6A0] =	vst v21;
	v21 =	vsub.f32 v23, v7  }
0x1b1: {  	v15 =	vsub.f32 v16, v7;
	v16 =	vmul.f32 v45, v20;
	v20 =	vld.idx.msk [tilespmem:v27+s14+$0x0], $0xffff  }
0x1b2: {  	v12 =	vadd.f32 v12, v26;
	v26 =	vld [tilespmem:s30+$0x6D0];
	v50 =	vmax.f32 v21, $0.0e+00  }
0x1b3: {  	v25 =	vmul.f32 v25, v8;
	v16 =	vadd.f32 v16, v17;
	v17 =	vld.idx.msk [tilespmem:v27+s13+$0x0], $0xffff;
	v27 =	vmin.f32 v50, $7.006999970e+00  }
0x1b4: {  	v48 =	vld [tilespmem:s28+$0x6F0];
	[tilespmem:s28+$0xC6C0] =	vst v12;
	v23 =	vmul.f32 v44, v8;
	v12 =	vtrunc.f32 v27  }
0x1b5: {  	v25 =	vsub.f32 v25, v7;
	v27 =	vld.idx.msk [tilespmem:v18+s14+$0x0], $0xffff;
	[tilespmem:s29+$0xC6B0] =	vst v16;
	v12 =	vcvt.f32.s32 v12  }
0x1b6: {  	v23 =	vsub.f32 v23, v7;
	v52 =	vld.idx.msk [tilespmem:v49+s14+$0x0], $0xffff;
	v16 =	vmul.f32 v20, v24  }
0x1b7: {  	v26 =	vmul.f32 v26, v8;
	v33 =	vmax.f32 v25, $0.0e+00;
	v29 =	vld.idx.msk [tilespmem:v49+s13+$0x0], $0xffff  }
0x1b8: {  	v20 =	vmax.f32 v23, $0.0e+00;
	v24 =	vld [tilespmem:s29+$0x6E0];
	v33 =	vmin.f32 v33, $7.006999970e+00;
	v17 =	vadd.f32 v16, v17  }
0x1b9: {  	v18 =	vld.idx.msk [tilespmem:v18+s13+$0x0], $0xffff;
	v20 =	vmin.f32 v20, $7.006999970e+00;
	v33 =	vtrunc.f32 v33  }
0x1ba: {  	v51 =	vld.idx.msk [tilespmem:v14+s13+$0x0], $0xffff;
	v20 =	vtrunc.f32 v20;
	v33 =	vcvt.f32.s32 v33;
	[tilespmem:s30+$0xC6B0] =	vst v17;
	v17 =	vsub.f32 v26, v7  }
0x1bb: {  	v20 =	vcvt.f32.s32 v20;
	v22 =	vmul.f32 v52, v22;
	v26 =	vld.idx.msk [tilespmem:v12+s14+$0x0], $0xffff  }
0x1bc: {  	v19 =	vmul.f32 v27, v19;
	v27 =	vld [tilespmem:s30+$0x6E0];
	v54 =	vmax.f32 v17, $0.0e+00  }
0x1bd: {  	v24 =	vmul.f32 v24, v8;
	v12 =	vld.idx.msk [tilespmem:v12+s13+$0x0], $0xffff;
	v22 =	vadd.f32 v22, v29;
	v55 =	vmin.f32 v54, $7.006999970e+00  }
0x1be: {  	v53 =	vmul.f32 v48, v8;
	v56 =	vld [tilespmem:s28+$0xA80];
	v18 =	vadd.f32 v19, v18;
	v29 =	vtrunc.f32 v55  }
0x1bf: {  	v11 =	vmul.f32 v47, v11;
	v19 =	vld [tilespmem:s29+$0x6F0];
	[tilespmem:s29+$0xC6C0] =	vst v22;
	v22 =	vsub.f32 v24, v7;
	v24 =	vcvt.f32.s32 v29  }
0x1c0: {  	v31 =	vsub.f32 v53, v7;
	[tilespmem:s28+$0xC6D0] =	vst v18;
	v57 =	vld.idx.msk [tilespmem:v33+s14+$0x0], $0xffff;
	v18 =	vmul.f32 v26, v21  }
0x1c1: {  	v11 =	vadd.f32 v11, v51;
	v27 =	vmul.f32 v27, v8;
	v21 =	vld.idx.msk [tilespmem:v20+s14+$0x0], $0xffff;
	v58 =	vmax.f32 v22, $0.0e+00  }
0x1c2: {  	v59 =	vld.idx.msk [tilespmem:v33+s13+$0x0], $0xffff;
	v26 =	vmax.f32 v31, $0.0e+00;
	v28 =	vmin.f32 v58, $7.006999970e+00;
	v12 =	vadd.f32 v18, v12  }
0x1c3: {  	[tilespmem:s26+$0xCAA0] =	vst v11;
	v11 =	vld.idx.msk [tilespmem:v20+s13+$0x0], $0xffff;
	v20 =	vmin.f32 v26, $7.006999970e+00;
	v26 =	vtrunc.f32 v28  }
0x1c4: {  	v20 =	vtrunc.f32 v20;
	v26 =	vcvt.f32.s32 v26;
	[tilespmem:s30+$0xC6C0] =	vst v12;
	v12 =	vsub.f32 v27, v7  }
0x1c5: {  	v20 =	vcvt.f32.s32 v20;
	v25 =	vmul.f32 v57, v25;
	v27 =	vld.idx.msk [tilespmem:v24+s14+$0x0], $0xffff  }
0x1c6: {  	v19 =	vmul.f32 v19, v8;
	v21 =	vmul.f32 v21, v23;
	v23 =	vld [tilespmem:s30+$0x6F0];
	v61 =	vmax.f32 v12, $0.0e+00  }
0x1c7: {  	v60 =	vmul.f32 v56, v8;
	v24 =	vld.idx.msk [tilespmem:v24+s13+$0x0], $0xffff;
	v25 =	vadd.f32 v25, v59;
	v29 =	vmin.f32 v61, $7.006999970e+00  }
0x1c8: {  	v62 =	vld [tilespmem:s28+$0xA90];
	v19 =	vsub.f32 v19, v7;
	v11 =	vadd.f32 v21, v11;
	v29 =	vtrunc.f32 v29  }
0x1c9: {  	v21 =	vld [tilespmem:s29+$0xA80];
	[tilespmem:s29+$0xC6D0] =	vst v25;
	v25 =	vcvt.f32.s32 v29  }
0x1ca: {  	v28 =	vsub.f32 v60, v7;
	v36 =	vmax.f32 v19, $0.0e+00;
	[tilespmem:s28+$0xC6E0] =	vst v11;
	v63 =	vld.idx.msk [tilespmem:v26+s14+$0x0], $0xffff;
	v11 =	vmul.f32 v27, v17  }
0x1cb: {  	v32 =	vmin.f32 v36, $7.006999970e+00;
	v17 =	vld.idx.msk [tilespmem:v20+s14+$0x0], $0xffff  }
0x1cc: {  	v26 =	vld.idx.msk [tilespmem:v26+s13+$0x0], $0xffff;
	v27 =	vmax.f32 v28, $0.0e+00;
	v23 =	vmul.f32 v23, v8;
	v24 =	vadd.f32 v11, v24  }
0x1cd: {  	v20 =	vld.idx.msk [tilespmem:v20+s13+$0x0], $0xffff;
	v11 =	vmin.f32 v27, $7.006999970e+00;
	v27 =	vtrunc.f32 v32  }
0x1ce: {  	v23 =	vsub.f32 v23, v7;
	v37 =	vtrunc.f32 v11;
	v27 =	vcvt.f32.s32 v27;
	[tilespmem:s30+$0xC6D0] =	vst v24  }
0x1cf: {  	v24 =	vcvt.f32.s32 v37;
	v22 =	vmul.f32 v63, v22;
	v38 =	vld.idx.msk [tilespmem:v25+s14+$0x0], $0xffff  }
0x1d0: {  	v30 =	vmul.f32 v62, v8;
	v39 =	vld [tilespmem:s30+$0xA80];
	v40 =	vmax.f32 v23, $0.0e+00;
	v17 =	vmul.f32 v17, v31  }
0x1d1: {  	v21 =	vmul.f32 v21, v8;
	v25 =	vld.idx.msk [tilespmem:v25+s13+$0x0], $0xffff;
	v22 =	vadd.f32 v22, v26;
	v26 =	vmin.f32 v40, $7.006999970e+00  }
0x1d2: {  	v17 =	vadd.f32 v17, v20;
	v26 =	vtrunc.f32 v26  }
0x1d3: {  	v30 =	vsub.f32 v30, v7;
	v21 =	vsub.f32 v21, v7;
	v20 =	vld [tilespmem:s29+$0xA90];
	[tilespmem:s29+$0xC6E0] =	vst v22;
	v22 =	vcvt.f32.s32 v26  }
0x1d4: {  	[tilespmem:s28+$0xC6F0] =	vst v17;
	v17 =	vld.idx.msk [tilespmem:v27+s14+$0x0], $0xffff;
	v12 =	vmul.f32 v38, v12  }
0x1d5: {  	v42 =	vmax.f32 v30, $0.0e+00;
	v43 =	vmax.f32 v21, $0.0e+00;
	v26 =	vld.idx.msk [tilespmem:v24+s14+$0x0], $0xffff  }
0x1d6: {  	v31 =	vmul.f32 v39, v8;
	v33 =	vmin.f32 v43, $7.006999970e+00;
	v27 =	vld.idx.msk [tilespmem:v27+s13+$0x0], $0xffff;
	v25 =	vadd.f32 v12, v25  }
0x1d7: {  	v44 =	vtrunc.f32 v33;
	v24 =	vld.idx.msk [tilespmem:v24+s13+$0x0], $0xffff;
	v12 =	vmin.f32 v42, $7.006999970e+00  }
0x1d8: {  	v41 =	vld [tilespmem:s28+$0xAA0];
	v29 =	vcvt.f32.s32 v44;
	v45 =	vtrunc.f32 v12;
	[tilespmem:s30+$0xC6E0] =	vst v25;
	v25 =	vsub.f32 v31, v7  }
0x1d9: {  	v46 =	vcvt.f32.s32 v45;
	v17 =	vmul.f32 v17, v19;
	v19 =	vld.idx.msk [tilespmem:v22+s14+$0x0], $0xffff  }
0x1da: {  	v48 =	vld [tilespmem:s30+$0xA90];
	v26 =	vmul.f32 v26, v28;
	v49 =	vmax.f32 v25, $0.0e+00  }
0x1db: {  	v20 =	vmul.f32 v20, v8;
	v22 =	vld.idx.msk [tilespmem:v22+s13+$0x0], $0xffff;
	v27 =	vadd.f32 v17, v27;
	v17 =	vmin.f32 v49, $7.006999970e+00  }
0x1dc: {  	v24 =	vadd.f32 v26, v24;
	v33 =	vtrunc.f32 v17  }
0x1dd: {  	v14 =	vmax.f32 v15, $0.0e+00;
	v20 =	vsub.f32 v20, v7;
	v26 =	vld [tilespmem:s29+$0xAA0];
	[tilespmem:s29+$0xC6F0] =	vst v27;
	v27 =	vcvt.f32.s32 v33  }
0x1de: {  	v47 =	vmul.f32 v41, v8;
	v14 =	vmin.f32 v14, $7.006999970e+00;
	[tilespmem:s28+$0xCA80] =	vst v24;
	v24 =	vld.idx.msk [tilespmem:v29+s14+$0x0], $0xffff;
	v19 =	vmul.f32 v19, v23  }
0x1df: {  	v14 =	vtrunc.f32 v14;
	v32 =	vmul.f32 v48, v8;
	v34 =	vmax.f32 v20, $0.0e+00;
	v23 =	vld.idx.msk [tilespmem:v46+s14+$0x0], $0xffff  }
0x1e0: {  	v28 =	vsub.f32 v47, v7;
	v34 =	vmin.f32 v34, $7.006999970e+00;
	v29 =	vld.idx.msk [tilespmem:v29+s13+$0x0], $0xffff;
	v19 =	vadd.f32 v19, v22  }
0x1e1: {  	v16 =	vcvt.f32.s32 v14;
	v52 =	vtrunc.f32 v34;
	v22 =	vld.idx.msk [tilespmem:v46+s13+$0x0], $0xffff  }
0x1e2: {  	v13 =	vld [tilespmem:s26+$0xAC0];
	v32 =	vsub.f32 v32, v7;
	v50 =	vmax.f32 v28, $0.0e+00;
	v33 =	vcvt.f32.s32 v52;
	[tilespmem:s30+$0xC6F0] =	vst v19  }
0x1e3: {  	v51 =	vmin.f32 v50, $7.006999970e+00;
	v19 =	vmul.f32 v24, v21;
	v21 =	vld.idx.msk [tilespmem:v27+s14+$0x0], $0xffff  }
0x1e4: {  	v54 =	vmax.f32 v32, $0.0e+00;
	v31 =	vtrunc.f32 v51;
	v24 =	vld [tilespmem:s30+$0xAA0];
	v23 =	vmul.f32 v23, v30  }
0x1e5: {  	v31 =	vcvt.f32.s32 v31;
	v27 =	vld.idx.msk [tilespmem:v27+s13+$0x0], $0xffff;
	v30 =	vmin.f32 v54, $7.006999970e+00;
	v29 =	vadd.f32 v19, v29  }
0x1e6: {  	v53 =	vld [tilespmem:s28+$0xAB0];
	v22 =	vadd.f32 v23, v22;
	v23 =	vmul.f32 v26, v8;
	v26 =	vtrunc.f32 v30  }
0x1e7: {  	v18 =	vld.idx.msk [tilespmem:v16+s14+$0x0], $0xffff;
	[tilespmem:s29+$0xCA80] =	vst v29;
	v26 =	vcvt.f32.s32 v26  }
0x1e8: {  	[tilespmem:s28+$0xCA90] =	vst v22;
	v22 =	vld.idx.msk [tilespmem:v33+s14+$0x0], $0xffff;
	v23 =	vsub.f32 v23, v7;
	v21 =	vmul.f32 v21, v25  }
0x1e9: {  	v13 =	vmul.f32 v13, v8;
	v60 =	vld [tilespmem:s29+$0xAB0]  }
0x1ea: {  	v63 =	vld [tilespmem:s30+$0xAB0];
	v24 =	vmul.f32 v24, v8;
	v59 =	vmax.f32 v23, $0.0e+00;
	v21 =	vadd.f32 v21, v27  }
0x1eb: {  	v55 =	vmul.f32 v53, v8;
	v58 =	vld.idx.msk [tilespmem:v33+s13+$0x0], $0xffff;
	v27 =	vmin.f32 v59, $7.006999970e+00  }
0x1ec: {  	v13 =	vsub.f32 v13, v7;
	v25 =	vld.idx.msk [tilespmem:v31+s14+$0x0], $0xffff;
	v27 =	vtrunc.f32 v27;
	[tilespmem:s30+$0xCA80] =	vst v21;
	v21 =	vsub.f32 v24, v7  }
0x1ed: {  	v57 =	vsub.f32 v55, v7;
	v27 =	vcvt.f32.s32 v27;
	v20 =	vmul.f32 v22, v20;
	v22 =	vld.idx.msk [tilespmem:v26+s14+$0x0], $0xffff  }
0x1ee: {  	v36 =	vmax.f32 v13, $0.0e+00;
	v33 =	vmul.f32 v60, v8;
	v31 =	vld.idx.msk [tilespmem:v31+s13+$0x0], $0xffff;
	v61 =	vmax.f32 v21, $0.0e+00  }
0x1ef: {  	v35 =	vmax.f32 v57, $0.0e+00;
	v15 =	vmul.f32 v18, v15;
	v26 =	vld.idx.msk [tilespmem:v26+s13+$0x0], $0xffff;
	v62 =	vmin.f32 v61, $7.006999970e+00  }
0x1f0: {  	v14 =	vld [tilespmem:s26+$0xAD0];
	v33 =	vsub.f32 v33, v7;
	v20 =	vadd.f32 v20, v58;
	v30 =	vtrunc.f32 v62  }
0x1f1: {  	v56 =	vld [tilespmem:s28+$0xAC0];
	v24 =	vmin.f32 v35, $7.006999970e+00;
	v25 =	vmul.f32 v25, v28;
	v30 =	vcvt.f32.s32 v30  }
0x1f2: {  	v16 =	vld.idx.msk [tilespmem:v16+s13+$0x0], $0xffff;
	v36 =	vmin.f32 v36, $7.006999970e+00;
	v24 =	vtrunc.f32 v24;
	[tilespmem:s29+$0xCA90] =	vst v20;
	v22 =	vmul.f32 v22, v32  }
0x1f3: {  	v42 =	vmax.f32 v33, $0.0e+00;
	v24 =	vcvt.f32.s32 v24;
	v18 =	vadd.f32 v25, v31;
	v25 =	vld.idx.msk [tilespmem:v27+s14+$0x0], $0xffff  }
0x1f4: {  	v41 =	vld [tilespmem:s28+$0xAD0];
	v20 =	vtrunc.f32 v36;
	v22 =	vadd.f32 v22, v26;
	v26 =	vmul.f32 v63, v8  }
0x1f5: {  	v14 =	vmul.f32 v14, v8;
	v20 =	vcvt.f32.s32 v20;
	[tilespmem:s28+$0xCAA0] =	vst v18;
	v18 =	vld.idx.msk [tilespmem:v27+s13+$0x0], $0xffff;
	v27 =	vmin.f32 v42, $7.006999970e+00  }
0x1f6: {  	v40 =	vld [tilespmem:s29+$0xAC0];
	v27 =	vtrunc.f32 v27;
	[tilespmem:s30+$0xCA90] =	vst v22;
	v22 =	vsub.f32 v26, v7  }
0x1f7: {  	v14 =	vsub.f32 v14, v7;
	v27 =	vcvt.f32.s32 v27;
	v43 =	vld.idx.msk [tilespmem:v30+s14+$0x0], $0xffff  }
0x1f8: {  	v15 =	vadd.f32 v15, v16;
	v23 =	vmul.f32 v25, v23;
	v25 =	vld [tilespmem:s30+$0xAC0];
	v44 =	vmax.f32 v22, $0.0e+00  }
0x1f9: {  	v26 =	vmul.f32 v56, v8;
	v30 =	vld.idx.msk [tilespmem:v30+s13+$0x0], $0xffff;
	v34 =	vmin.f32 v44, $7.006999970e+00  }
0x1fa: {  	[tilespmem:s26+$0xCAB0] =	vst v15;
	v15 =	vmax.f32 v14, $0.0e+00;
	v16 =	vld.idx.msk [tilespmem:v24+s14+$0x0], $0xffff;
	v18 =	vadd.f32 v23, v18;
	v46 =	vtrunc.f32 v34  }
0x1fb: {  	v45 =	vld.idx.msk [tilespmem:v20+s14+$0x0], $0xffff;
	v26 =	vsub.f32 v26, v7;
	v23 =	vmul.f32 v40, v8;
	v28 =	vcvt.f32.s32 v46  }
0x1fc: {  	v15 =	vmin.f32 v15, $7.006999970e+00;
	[tilespmem:s29+$0xCAA0] =	vst v18;
	v18 =	vld.idx.msk [tilespmem:v24+s13+$0x0], $0xffff;
	v21 =	vmul.f32 v43, v21  }
0x1fd: {  	v15 =	vtrunc.f32 v15;
	v24 =	vmax.f32 v26, $0.0e+00;
	v23 =	vsub.f32 v23, v7;
	v48 =	vld.idx.msk [tilespmem:v27+s14+$0x0], $0xffff  }
0x1fe: {  	v20 =	vld.idx.msk [tilespmem:v20+s13+$0x0], $0xffff;
	v24 =	vmin.f32 v24, $7.006999970e+00;
	v25 =	vmul.f32 v25, v8;
	v21 =	vadd.f32 v21, v30  }
0x1ff: {  	v16 =	vmul.f32 v16, v57;
	v27 =	vld.idx.msk [tilespmem:v27+s13+$0x0], $0xffff;
	v49 =	vmax.f32 v23, $0.0e+00;
	v24 =	vtrunc.f32 v24  }
0x200: {  	v47 =	vld [tilespmem:s29+$0xAD0];
	v30 =	vmin.f32 v49, $7.006999970e+00;
	v25 =	vsub.f32 v25, v7;
	[tilespmem:s30+$0xCAA0] =	vst v21;
	v21 =	vcvt.f32.s32 v24  }
0x201: {  	v13 =	vmul.f32 v45, v13;
	v24 =	vtrunc.f32 v30;
	v50 =	vld.idx.msk [tilespmem:v28+s14+$0x0], $0xffff  }
0x202: {  	v51 =	vld [tilespmem:s30+$0xAD0];
	v16 =	vadd.f32 v16, v18;
	v52 =	vmax.f32 v25, $0.0e+00;
	v18 =	vmul.f32 v48, v33  }
0x203: {  	v31 =	vmul.f32 v41, v8;
	v24 =	vcvt.f32.s32 v24;
	v28 =	vld.idx.msk [tilespmem:v28+s13+$0x0], $0xffff;
	v32 =	vmin.f32 v52, $7.006999970e+00  }
0x204: {  	v17 =	vld [tilespmem:s28+$0xAE0];
	v13 =	vadd.f32 v13, v20;
	v20 =	vtrunc.f32 v32;
	v18 =	vadd.f32 v18, v27  }
0x205: {  	v53 =	vmul.f32 v47, v8;
	v19 =	vld [tilespmem:s29+$0xAE0];
	[tilespmem:s28+$0xCAB0] =	vst v16;
	v20 =	vcvt.f32.s32 v20  }
0x206: {  	v15 =	vcvt.f32.s32 v15;
	v16 =	vsub.f32 v31, v7;
	[tilespmem:s29+$0xCAB0] =	vst v18;
	v27 =	vld.idx.msk [tilespmem:v21+s14+$0x0], $0xffff;
	v18 =	vmul.f32 v50, v22  }
0x207: {  	v10 =	vmul.f32 v10, v8;
	v29 =	vmul.f32 v51, v8;
	v58 =	vld [tilespmem:s30+$0xAE0]  }
0x208: {  	v31 =	vsub.f32 v53, v7;
	v22 =	vmax.f32 v16, $0.0e+00;
	v21 =	vld.idx.msk [tilespmem:v21+s13+$0x0], $0xffff;
	v18 =	vadd.f32 v18, v28  }
0x209: {  	v10 =	vsub.f32 v10, v7;
	v17 =	vmul.f32 v17, v8;
	v54 =	vld.idx.msk [tilespmem:v24+s14+$0x0], $0xffff;
	v22 =	vmin.f32 v22, $7.006999970e+00  }
0x20a: {  	v56 =	vmax.f32 v31, $0.0e+00;
	v24 =	vld.idx.msk [tilespmem:v24+s13+$0x0], $0xffff;
	v22 =	vtrunc.f32 v22;
	[tilespmem:s30+$0xCAB0] =	vst v18;
	v18 =	vsub.f32 v29, v7  }
0x20b: {  	[tilespmem:s26+$0xCAC0] =	vst v13;
	v22 =	vcvt.f32.s32 v22;
	v26 =	vmul.f32 v27, v26;
	v27 =	vmin.f32 v56, $7.006999970e+00;
	v57 =	vld.idx.msk [tilespmem:v20+s14+$0x0], $0xffff  }
0x20c: {  	v17 =	vsub.f32 v17, v7;
	v55 =	vld.idx.msk [tilespmem:v15+s14+$0x0], $0xffff;
	v27 =	vtrunc.f32 v27;
	v59 =	vmax.f32 v18, $0.0e+00  }
0x20d: {  	v13 =	vmax.f32 v10, $0.0e+00;
	v20 =	vld.idx.msk [tilespmem:v20+s13+$0x0], $0xffff;
	v27 =	vcvt.f32.s32 v27;
	v30 =	vmin.f32 v59, $7.006999970e+00  }
0x20e: {  	v11 =	vld [tilespmem:s28+$0xAF0];
	v23 =	vmul.f32 v54, v23;
	v21 =	vadd.f32 v26, v21;
	v26 =	vtrunc.f32 v30  }
0x20f: {  	v19 =	vmul.f32 v19, v8;
	v13 =	vmin.f32 v13, $7.006999970e+00;
	v15 =	vld.idx.msk [tilespmem:v15+s13+$0x0], $0xffff;
	v26 =	vcvt.f32.s32 v26  }
0x210: {  	v12 =	vld [tilespmem:s29+$0xAF0];
	v13 =	vtrunc.f32 v13;
	[tilespmem:s28+$0xCAC0] =	vst v21;
	v21 =	vadd.f32 v23, v24;
	v23 =	vmul.f32 v57, v25  }
0x211: {  	v13 =	vcvt.f32.s32 v13;
	v14 =	vmul.f32 v55, v14;
	v24 =	vld.idx.msk [tilespmem:v22+s14+$0x0], $0xffff  }
0x212: {  	v22 =	vld.idx.msk [tilespmem:v22+s13+$0x0], $0xffff;
	v25 =	vmax.f32 v17, $0.0e+00;
	[tilespmem:s29+$0xCAC0] =	vst v21;
	v21 =	vmul.f32 v58, v8;
	v20 =	vadd.f32 v23, v20  }
0x213: {  	v9 =	vmul.f32 v9, v8;
	v19 =	vsub.f32 v19, v7;
	v23 =	vmin.f32 v25, $7.006999970e+00;
	v25 =	vld.idx.msk [tilespmem:v27+s14+$0x0], $0xffff  }
0x214: {  	v14 =	vadd.f32 v14, v15;
	v15 =	vtrunc.f32 v23;
	v23 =	vld.idx.msk [tilespmem:v27+s13+$0x0], $0xffff;
	[tilespmem:s30+$0xCAC0] =	vst v20;
	v20 =	vsub.f32 v21, v7  }
0x215: {  	v11 =	vmul.f32 v11, v8;
	v15 =	vcvt.f32.s32 v15;
	v21 =	vmax.f32 v19, $0.0e+00;
	v27 =	vld.idx.msk [tilespmem:v26+s14+$0x0], $0xffff  }
0x216: {  	v16 =	vmul.f32 v24, v16;
	v21 =	vmin.f32 v21, $7.006999970e+00;
	v24 =	vld [tilespmem:s30+$0xAF0];
	v60 =	vmax.f32 v20, $0.0e+00  }
0x217: {  	v12 =	vmul.f32 v12, v8;
	[tilespmem:s26+$0xCAD0] =	vst v14;
	v14 =	vtrunc.f32 v21;
	v21 =	vld.idx.msk [tilespmem:v26+s13+$0x0], $0xffff;
	v26 =	vmin.f32 v60, $7.006999970e+00  }
0x218: {  	v9 =	vsub.f32 v9, v7;
	v61 =	vld.idx.msk [tilespmem:v13+s14+$0x0], $0xffff;
	v14 =	vcvt.f32.s32 v14;
	v26 =	vtrunc.f32 v26  }
0x219: {  	v16 =	vadd.f32 v16, v22;
	v22 =	vmul.f32 v25, v31;
	v25 =	vcvt.f32.s32 v26  }
0x21a: {  	v11 =	vsub.f32 v11, v7;
	v13 =	vld.idx.msk [tilespmem:v13+s13+$0x0], $0xffff;
	v18 =	vmul.f32 v27, v18  }
0x21b: {  	v12 =	vsub.f32 v12, v7;
	v62 =	vmax.f32 v9, $0.0e+00;
	[tilespmem:s28+$0xCAD0] =	vst v16;
	v16 =	vadd.f32 v22, v23  }
0x21c: {  	v26 =	vmin.f32 v62, $7.006999970e+00;
	v23 =	vld.idx.msk [tilespmem:v15+s14+$0x0], $0xffff;
	v8 =	vmul.f32 v24, v8;
	v18 =	vadd.f32 v18, v21  }
0x21d: {  	v10 =	vmul.f32 v61, v10;
	v22 =	vtrunc.f32 v26;
	v15 =	vld.idx.msk [tilespmem:v15+s13+$0x0], $0xffff;
	v21 =	vmax.f32 v11, $0.0e+00;
	[tilespmem:s29+$0xCAD0] =	vst v16  }
0x21e: {  	v16 =	vcvt.f32.s32 v22;
	v7 =	vsub.f32 v8, v7;
	v21 =	vmin.f32 v21, $7.006999970e+00;
	v22 =	vld.idx.msk [tilespmem:v14+s14+$0x0], $0xffff;
	[tilespmem:s30+$0xCAD0] =	vst v18  }
0x21f: {  	v8 =	vadd.f32 v10, v13;
	v13 =	vmax.f32 v12, $0.0e+00;
	v10 =	vtrunc.f32 v21;
	v18 =	vld.idx.msk [tilespmem:v25+s14+$0x0], $0xffff  }
0x220: {  	v14 =	vld.idx.msk [tilespmem:v14+s13+$0x0], $0xffff;
	v13 =	vmin.f32 v13, $7.006999970e+00;
	v21 =	vmax.f32 v7, $0.0e+00;
	v10 =	vcvt.f32.s32 v10  }
0x221: {  	v13 =	vtrunc.f32 v13;
	v17 =	vmul.f32 v23, v17;
	v23 =	vld.idx.msk [tilespmem:v25+s13+$0x0], $0xffff;
	v21 =	vmin.f32 v21, $7.006999970e+00  }
0x222: {  	v13 =	vcvt.f32.s32 v13;
	v21 =	vtrunc.f32 v21  }
0x223: {  	[tilespmem:s26+$0xCAE0] =	vst v8;
	v8 =	vadd.f32 v17, v15;
	v17 =	vcvt.f32.s32 v21;
	v15 =	vmul.f32 v22, v19  }
0x224: {  	v19 =	vld.idx.msk [tilespmem:v16+s14+$0x0], $0xffff;
	v18 =	vmul.f32 v18, v20  }
0x225: {  	v16 =	vld.idx.msk [tilespmem:v16+s13+$0x0], $0xffff;
	[tilespmem:s28+$0xCAE0] =	vst v8;
	v8 =	vadd.f32 v15, v14  }
0x226: {  	v14 =	vld.idx.msk [tilespmem:v10+s14+$0x0], $0xffff;
	v15 =	vadd.f32 v18, v23  }
0x227: {  	v10 =	vld.idx.msk [tilespmem:v10+s13+$0x0], $0xffff;
	[tilespmem:s29+$0xCAE0] =	vst v8  }
0x228: {  	v8 =	vld.idx.msk [tilespmem:v13+s14+$0x0], $0xffff;
	[tilespmem:s30+$0xCAE0] =	vst v15  }
0x229: {  	v15 =	vld.idx.msk [tilespmem:v17+s14+$0x0], $0xffff  }
0x22a: {  	v13 =	vld.idx.msk [tilespmem:v13+s13+$0x0], $0xffff  }
0x22b: {  	v9 =	vmul.f32 v19, v9;
	v17 =	vld.idx.msk [tilespmem:v17+s13+$0x0], $0xffff  }
0x22c: {  	v11 =	vmul.f32 v14, v11  }
0x22d: {  	p0 =	seq.s32 s21, $0x11;
	v9 =	vadd.f32 v9, v16;
	v8 =	vmul.f32 v8, v12  }
0x22e: {  	s31 =	smul.u32 $0x6000, s24;
	s3 =	sadd.s32 @!p0 $0x2, s23;
	v10 =	vadd.f32 v11, v10;
	v7 =	vmul.f32 v15, v7  }
0x22f: {  	s23 =	smulhi.u32 @!p0 $0x2AAAAAAB, s3;
	[tilespmem:s26+$0xCAF0] =	vst v9;
	v8 =	vadd.f32 v8, v13  }
0x230: {  	s0 =	sadd.s32 s31, s25;
	[tilespmem:s28+$0xCAF0] =	vst v10;
	v7 =	vadd.f32 v7, v17  }
0x231: {  	s0 =	sshrl.u32 s0, $0x3;
	s24 =	sadd.s32 @!p0 s1, s23;
	[tilespmem:s29+$0xCAF0] =	vst v8  }
0x232: {  	s0 =	sadd.s32 s4, s0;
	s25 =	smulhi.u32 @!p0 $0xAAAAAAAB, s24;
	[tilespmem:s30+$0xCAF0] =	vst v7  }
0x233: {  	[hbm4b:s0+s5] =	stream.linear.scatter [tilespmem:s15], [sflag:$0x3], $0x6000, $0x38;
	[tilespmem:$0x18280] =	vst v63  }
0x234: {  	s23 =	smul.u32 @!p0 $0x6, s23;
	s0 =	sshrl.u32 @!p0 s25, $0x6  }
0x235: {  	s25 =	smul.u32 @!p0 $0x60, s0  }
0x236: {  	s3 =	ssub.s32 @!p0 s3, s23  }
0x237: {  	s3 =	smul.u32 @!p0 $0x6000, s3;
	s24 =	ssub.s32 @!p0 s24, s25  }
0x238: {  	s24 =	smul.u32 @!p0 $0x24000, s24  }
0x239: {  	s0 =	smul.u32 @!p0 $0xD80000, s0  }
0x23a: {  	s3 =	sadd.s32 @!p0 s3, s24  }
0x23b: {  	s0 =	sadd.s32 @!p0 s0, s3  }
0x23c: {  	p1 =	seq.s32 @!p0 s21, $0x0;
	s0 =	sshrl.u32 @!p0 s0, $0x3  }
0x23d: {  	s23 =	simm.s32 @!p0 $0x280;
	s3 =	simm.s32 @!p0 $0x0;
	s0 =	sadd.s32 @!p0 s2, s0  }
0x23e: {  	[tilespmem:s23], [sflag:$0x1] =	stream.linear.gather @!p0 [hbm4b:s0+s3], $0x6000, $0x38;
	[tilespmem:$0x18280] =	vst v63  }
0x23f: {  	p0 =	por p0, !p1  }
0x240: {  	_ =	swait.ge @p0 [sflag:s19], $0x6000  }
0x241: {  	[sflag:s19] =	ssyncset.done @p0 $0x0  }
0x242: {  	[sflag:s19] =	ssyncadd.s32 @p0 $0xFFFFA000  }
0x243: {  	s23 =	simm.s32 $0x0;
	_ =	swait.ge [sflag:s16], $0x6000  }
0x244: {  	s24 =	simm.s32 $0x0;
	s0 =	smul.u32 $0xC00, s23;
	[sflag:s16] =	ssyncset.done $0x0  }
0x245: {  	s3 =	sand.u32 $0x380, s24;
	[sflag:s16] =	ssyncadd.s32 $0xFFFFA000  }
0x246: {  	s23 =	sor.u32 s3, s0;
	v8 =	vld [tilespmem:$0x200]  }
0x247: {  	v9 =	vld [tilespmem:s23+$0x6280];
	_ =	sdelay $0x1  }
0x248: {  	v7 =	vld [tilespmem:$0x180];
	_ =	sdelay $0x2  }
0x249: {  	v9 =	vmul.f32 v9, v8;
	_ =	sdelay $0x1  }
0x24a: {  	v9 =	vsub.f32 v9, v7;
	_ =	sdelay $0x1  }
0x24b: {  	v10 =	vmax.f32 v9, $0.0e+00  }
0x24c: {  	v11 =	vld [tilespmem:s23+$0x6290];
	v10 =	vmin.f32 v10, $7.006999970e+00  }
0x24d: {  	v10 =	vtrunc.f32 v10  }
0x24e: {  	v10 =	vcvt.f32.s32 v10;
	_ =	sdelay $0x2  }
0x24f: {  	v11 =	vmul.f32 v11, v8;
	_ =	sdelay $0x1  }
0x250: {  	v11 =	vsub.f32 v11, v7  }
0x251: {  	v12 =	vld.idx.msk [tilespmem:v10+s14+$0x0], $0xffff  }
0x252: {  	v13 =	vld [tilespmem:s23+$0x62A0];
	v14 =	vmax.f32 v11, $0.0e+00  }
0x253: {  	v14 =	vmin.f32 v14, $7.006999970e+00;
	v10 =	vld.idx.msk [tilespmem:v10+s13+$0x0], $0xffff  }
0x254: {  	v14 =	vtrunc.f32 v14  }
0x255: {  	v14 =	vcvt.f32.s32 v14  }
0x256: {  	v9 =	vmul.f32 v12, v9;
	_ =	sdelay $0x1  }
0x257: {  	v12 =	vmul.f32 v13, v8;
	v9 =	vadd.f32 v9, v10;
	_ =	sdelay $0x1  }
0x258: {  	[tilespmem:s23+$0x12280] =	vst v9;
	v9 =	vsub.f32 v12, v7  }
0x259: {  	v12 =	vld.idx.msk [tilespmem:v14+s14+$0x0], $0xffff  }
0x25a: {  	v10 =	vld [tilespmem:s23+$0x62B0];
	v13 =	vmax.f32 v9, $0.0e+00  }
0x25b: {  	v14 =	vld.idx.msk [tilespmem:v14+s13+$0x0], $0xffff;
	v13 =	vmin.f32 v13, $7.006999970e+00  }
0x25c: {  	v13 =	vtrunc.f32 v13  }
0x25d: {  	v13 =	vcvt.f32.s32 v13  }
0x25e: {  	v11 =	vmul.f32 v12, v11;
	_ =	sdelay $0x1  }
0x25f: {  	v10 =	vmul.f32 v10, v8;
	v11 =	vadd.f32 v11, v14;
	_ =	sdelay $0x1  }
0x260: {  	v10 =	vsub.f32 v10, v7;
	[tilespmem:s23+$0x12290] =	vst v11  }
0x261: {  	v11 =	vld.idx.msk [tilespmem:v13+s14+$0x0], $0xffff  }
0x262: {  	v12 =	vld [tilespmem:s23+$0x62C0];
	v14 =	vmax.f32 v10, $0.0e+00  }
0x263: {  	v14 =	vmin.f32 v14, $7.006999970e+00;
	v13 =	vld.idx.msk [tilespmem:v13+s13+$0x0], $0xffff  }
0x264: {  	v14 =	vtrunc.f32 v14  }
0x265: {  	v14 =	vcvt.f32.s32 v14  }
0x266: {  	v9 =	vmul.f32 v11, v9;
	_ =	sdelay $0x1  }
0x267: {  	v11 =	vmul.f32 v12, v8;
	v9 =	vadd.f32 v9, v13;
	_ =	sdelay $0x1  }
0x268: {  	[tilespmem:s23+$0x122A0] =	vst v9;
	v9 =	vsub.f32 v11, v7  }
0x269: {  	v11 =	vld.idx.msk [tilespmem:v14+s14+$0x0], $0xffff  }
0x26a: {  	v12 =	vld.idx.msk [tilespmem:v14+s13+$0x0], $0xffff;
	v13 =	vmax.f32 v9, $0.0e+00  }
0x26b: {  	v14 =	vld [tilespmem:s23+$0x62D0];
	v13 =	vmin.f32 v13, $7.006999970e+00  }
0x26c: {  	v13 =	vtrunc.f32 v13  }
0x26d: {  	v13 =	vcvt.f32.s32 v13  }
0x26e: {  	v10 =	vmul.f32 v11, v10;
	_ =	sdelay $0x1  }
0x26f: {  	v11 =	vmul.f32 v14, v8;
	v10 =	vadd.f32 v10, v12;
	_ =	sdelay $0x1  }
0x270: {  	[tilespmem:s23+$0x122B0] =	vst v10;
	v10 =	vsub.f32 v11, v7  }
0x271: {  	v11 =	vld.idx.msk [tilespmem:v13+s14+$0x0], $0xffff  }
0x272: {  	v12 =	vld.idx.msk [tilespmem:v13+s13+$0x0], $0xffff;
	v13 =	vmax.f32 v10, $0.0e+00  }
0x273: {  	v14 =	vld [tilespmem:s23+$0x62E0];
	v13 =	vmin.f32 v13, $7.006999970e+00  }
0x274: {  	v13 =	vtrunc.f32 v13  }
0x275: {  	s25 =	simm.s32 $0x0;
	v13 =	vcvt.f32.s32 v13  }
0x276: {  	s26 =	simm.s32 $0x80;
	s0 =	smul.u32 $0xC00, s25;
	v9 =	vmul.f32 v11, v9  }
0x277: {  	s3 =	sand.u32 $0x380, s26  }
0x278: {  	s24 =	sor.u32 s3, s0;
	v11 =	vmul.f32 v14, v8;
	v9 =	vadd.f32 v9, v12  }
0x279: {  	v12 =	vld [tilespmem:s24+$0x6280]  }
0x27a: {  	[tilespmem:s23+$0x122C0] =	vst v9;
	v9 =	vsub.f32 v11, v7  }
0x27b: {  	v11 =	vld.idx.msk [tilespmem:v13+s14+$0x0], $0xffff  }
0x27c: {  	v15 =	vld [tilespmem:s23+$0x62F0];
	v14 =	vmax.f32 v9, $0.0e+00  }
0x27d: {  	v13 =	vld.idx.msk [tilespmem:v13+s13+$0x0], $0xffff;
	v14 =	vmin.f32 v14, $7.006999970e+00  }
0x27e: {  	v12 =	vmul.f32 v12, v8;
	v14 =	vtrunc.f32 v14  }
0x27f: {  	v14 =	vcvt.f32.s32 v14  }
0x280: {  	v12 =	vsub.f32 v12, v7;
	v10 =	vmul.f32 v11, v10;
	_ =	sdelay $0x1  }
0x281: {  	v11 =	vmax.f32 v12, $0.0e+00;
	v10 =	vadd.f32 v10, v13;
	v13 =	vmul.f32 v15, v8  }
0x282: {  	v11 =	vmin.f32 v11, $7.006999970e+00;
	v15 =	vld [tilespmem:s24+$0x6290]  }
0x283: {  	v11 =	vtrunc.f32 v11;
	[tilespmem:s23+$0x122D0] =	vst v10;
	v10 =	vsub.f32 v13, v7  }
0x284: {  	v11 =	vcvt.f32.s32 v11;
	v13 =	vld.idx.msk [tilespmem:v14+s14+$0x0], $0xffff  }
0x285: {  	v17 =	vld [tilespmem:s23+$0x6680];
	v16 =	vmax.f32 v10, $0.0e+00  }
0x286: {  	v14 =	vld.idx.msk [tilespmem:v14+s13+$0x0], $0xffff;
	v16 =	vmin.f32 v16, $7.006999970e+00  }
0x287: {  	v15 =	vmul.f32 v15, v8;
	v16 =	vtrunc.f32 v16  }
0x288: {  	v16 =	vcvt.f32.s32 v16  }
0x289: {  	v15 =	vsub.f32 v15, v7;
	v9 =	vmul.f32 v13, v9  }
0x28a: {  	v13 =	vld.idx.msk [tilespmem:v11+s14+$0x0], $0xffff  }
0x28b: {  	v18 =	vld [tilespmem:s24+$0x62A0];
	v19 =	vmax.f32 v15, $0.0e+00;
	v9 =	vadd.f32 v9, v14;
	v14 =	vmul.f32 v17, v8  }
0x28c: {  	v11 =	vld.idx.msk [tilespmem:v11+s13+$0x0], $0xffff;
	v17 =	vmin.f32 v19, $7.006999970e+00  }
0x28d: {  	v17 =	vtrunc.f32 v17;
	[tilespmem:s23+$0x122E0] =	vst v9;
	v9 =	vsub.f32 v14, v7  }
0x28e: {  	v14 =	vcvt.f32.s32 v17;
	v17 =	vld.idx.msk [tilespmem:v16+s14+$0x0], $0xffff  }
0x28f: {  	v12 =	vmul.f32 v13, v12;
	v13 =	vld.idx.msk [tilespmem:v16+s13+$0x0], $0xffff;
	v16 =	vmax.f32 v9, $0.0e+00  }
0x290: {  	v19 =	vld [tilespmem:s23+$0x6690];
	v16 =	vmin.f32 v16, $7.006999970e+00  }
0x291: {  	v18 =	vmul.f32 v18, v8;
	v11 =	vadd.f32 v12, v11;
	v12 =	vtrunc.f32 v16  }
0x292: {  	v12 =	vcvt.f32.s32 v12  }
0x293: {  	[tilespmem:s24+$0x12280] =	vst v11;
	v11 =	vsub.f32 v18, v7;
	v10 =	vmul.f32 v17, v10  }
0x294: {  	v17 =	vld.idx.msk [tilespmem:v14+s14+$0x0], $0xffff  }
0x295: {  	v16 =	vld [tilespmem:s24+$0x62B0];
	v18 =	vmax.f32 v11, $0.0e+00;
	v10 =	vadd.f32 v10, v13;
	v13 =	vmul.f32 v19, v8  }
0x296: {  	v14 =	vld.idx.msk [tilespmem:v14+s13+$0x0], $0xffff;
	v18 =	vmin.f32 v18, $7.006999970e+00  }
0x297: {  	v18 =	vtrunc.f32 v18;
	[tilespmem:s23+$0x122F0] =	vst v10;
	v10 =	vsub.f32 v13, v7  }
0x298: {  	v13 =	vcvt.f32.s32 v18;
	v18 =	vld.idx.msk [tilespmem:v12+s14+$0x0], $0xffff  }
0x299: {  	v19 =	vld [tilespmem:s23+$0x66A0];
	v15 =	vmul.f32 v17, v15;
	v17 =	vmax.f32 v10, $0.0e+00  }
0x29a: {  	v12 =	vld.idx.msk [tilespmem:v12+s13+$0x0], $0xffff;
	v17 =	vmin.f32 v17, $7.006999970e+00  }
0x29b: {  	v16 =	vmul.f32 v16, v8;
	v14 =	vadd.f32 v15, v14;
	v15 =	vtrunc.f32 v17  }
0x29c: {  	v15 =	vcvt.f32.s32 v15  }
0x29d: {  	[tilespmem:s24+$0x12290] =	vst v14;
	v14 =	vsub.f32 v16, v7;
	v9 =	vmul.f32 v18, v9  }
0x29e: {  	v16 =	vld.idx.msk [tilespmem:v13+s14+$0x0], $0xffff  }
0x29f: {  	v17 =	vld [tilespmem:s24+$0x62C0];
	v18 =	vmax.f32 v14, $0.0e+00;
	v9 =	vadd.f32 v9, v12;
	v12 =	vmul.f32 v19, v8  }
0x2a0: {  	v13 =	vld.idx.msk [tilespmem:v13+s13+$0x0], $0xffff;
	v18 =	vmin.f32 v18, $7.006999970e+00  }
0x2a1: {  	v18 =	vtrunc.f32 v18;
	[tilespmem:s23+$0x12680] =	vst v9;
	v9 =	vsub.f32 v12, v7  }
0x2a2: {  	v12 =	vcvt.f32.s32 v18;
	v18 =	vld.idx.msk [tilespmem:v15+s14+$0x0], $0xffff  }
0x2a3: {  	v19 =	vld [tilespmem:s23+$0x66B0];
	v11 =	vmul.f32 v16, v11;
	v16 =	vmax.f32 v9, $0.0e+00  }
0x2a4: {  	v15 =	vld.idx.msk [tilespmem:v15+s13+$0x0], $0xffff;
	v16 =	vmin.f32 v16, $7.006999970e+00  }
0x2a5: {  	v17 =	vmul.f32 v17, v8;
	v11 =	vadd.f32 v11, v13;
	v13 =	vtrunc.f32 v16  }
0x2a6: {  	v13 =	vcvt.f32.s32 v13  }
0x2a7: {  	[tilespmem:s24+$0x122A0] =	vst v11;
	v11 =	vsub.f32 v17, v7;
	v10 =	vmul.f32 v18, v10  }
0x2a8: {  	v16 =	vld.idx.msk [tilespmem:v12+s14+$0x0], $0xffff  }
0x2a9: {  	v12 =	vld.idx.msk [tilespmem:v12+s13+$0x0], $0xffff;
	v17 =	vmax.f32 v11, $0.0e+00;
	v10 =	vadd.f32 v10, v15;
	v15 =	vmul.f32 v19, v8  }
0x2aa: {  	v18 =	vld [tilespmem:s24+$0x62D0];
	v17 =	vmin.f32 v17, $7.006999970e+00  }
0x2ab: {  	v17 =	vtrunc.f32 v17;
	[tilespmem:s23+$0x12690] =	vst v10;
	v10 =	vsub.f32 v15, v7  }
0x2ac: {  	v15 =	vcvt.f32.s32 v17;
	v17 =	vld.idx.msk [tilespmem:v13+s14+$0x0], $0xffff  }
0x2ad: {  	v19 =	vld [tilespmem:s23+$0x66C0];
	v14 =	vmul.f32 v16, v14;
	v16 =	vmax.f32 v10, $0.0e+00  }
0x2ae: {  	v13 =	vld.idx.msk [tilespmem:v13+s13+$0x0], $0xffff;
	v16 =	vmin.f32 v16, $7.006999970e+00  }
0x2af: {  	v12 =	vadd.f32 v14, v12;
	v14 =	vmul.f32 v18, v8;
	v16 =	vtrunc.f32 v16  }
0x2b0: {  	v16 =	vcvt.f32.s32 v16  }
0x2b1: {  	[tilespmem:s24+$0x122B0] =	vst v12;
	v12 =	vsub.f32 v14, v7;
	v9 =	vmul.f32 v17, v9  }
0x2b2: {  	v14 =	vld.idx.msk [tilespmem:v15+s14+$0x0], $0xffff  }
0x2b3: {  	v18 =	vld [tilespmem:s24+$0x62E0];
	v17 =	vmax.f32 v12, $0.0e+00;
	v9 =	vadd.f32 v9, v13;
	v13 =	vmul.f32 v19, v8  }
0x2b4: {  	v15 =	vld.idx.msk [tilespmem:v15+s13+$0x0], $0xffff;
	v17 =	vmin.f32 v17, $7.006999970e+00  }
0x2b5: {  	s29 =	simm.s32 $0x0;
	v17 =	vtrunc.f32 v17;
	[tilespmem:s23+$0x126A0] =	vst v9;
	v9 =	vsub.f32 v13, v7  }
0x2b6: {  	s30 =	simm.s32 $0x100;
	s0 =	smul.u32 $0xC00, s29;
	v13 =	vcvt.f32.s32 v17;
	v17 =	vld.idx.msk [tilespmem:v16+s14+$0x0], $0xffff  }
0x2b7: {  	s3 =	sand.u32 $0x380, s30;
	v11 =	vmul.f32 v14, v11;
	v14 =	vld [tilespmem:s23+$0x66D0];
	v19 =	vmax.f32 v9, $0.0e+00  }
0x2b8: {  	s25 =	sor.u32 s3, s0;
	v16 =	vld.idx.msk [tilespmem:v16+s13+$0x0], $0xffff;
	v19 =	vmin.f32 v19, $7.006999970e+00  }
0x2b9: {  	v18 =	vmul.f32 v18, v8;
	v11 =	vadd.f32 v11, v15;
	v15 =	vld [tilespmem:s25+$0x6280];
	v19 =	vtrunc.f32 v19  }
0x2ba: {  	v19 =	vcvt.f32.s32 v19  }
0x2bb: {  	[tilespmem:s24+$0x122C0] =	vst v11;
	v11 =	vsub.f32 v18, v7;
	v10 =	vmul.f32 v17, v10  }
0x2bc: {  	v17 =	vld.idx.msk [tilespmem:v13+s14+$0x0], $0xffff  }
0x2bd: {  	v13 =	vld.idx.msk [tilespmem:v13+s13+$0x0], $0xffff;
	v18 =	vmax.f32 v11, $0.0e+00;
	v10 =	vadd.f32 v10, v16  }
0x2be: {  	v14 =	vmul.f32 v14, v8;
	v15 =	vmul.f32 v15, v8;
	v16 =	vmin.f32 v18, $7.006999970e+00;
	v18 =	vld [tilespmem:s24+$0x62F0]  }
0x2bf: {  	v16 =	vtrunc.f32 v16;
	[tilespmem:s23+$0x126B0] =	vst v10  }
0x2c0: {  	v14 =	vsub.f32 v14, v7;
	v10 =	vcvt.f32.s32 v16;
	v15 =	vsub.f32 v15, v7;
	v16 =	vld.idx.msk [tilespmem:v19+s14+$0x0], $0xffff  }
0x2c1: {  	v12 =	vmul.f32 v17, v12;
	v17 =	vld [tilespmem:s23+$0x66E0]  }
0x2c2: {  	v20 =	vmax.f32 v14, $0.0e+00;
	v19 =	vld.idx.msk [tilespmem:v19+s13+$0x0], $0xffff;
	v21 =	vmax.f32 v15, $0.0e+00  }
0x2c3: {  	v12 =	vadd.f32 v12, v13;
	v13 =	vmin.f32 v20, $7.006999970e+00;
	v20 =	vld [tilespmem:s25+$0x6290];
	v18 =	vmul.f32 v18, v8  }
0x2c4: {  	v21 =	vmin.f32 v21, $7.006999970e+00;
	v13 =	vtrunc.f32 v13  }
0x2c5: {  	v21 =	vtrunc.f32 v21;
	[tilespmem:s24+$0x122D0] =	vst v12;
	v12 =	vcvt.f32.s32 v13;
	v13 =	vsub.f32 v18, v7  }
0x2c6: {  	v18 =	vcvt.f32.s32 v21;
	v21 =	vld.idx.msk [tilespmem:v10+s14+$0x0], $0xffff;
	v9 =	vmul.f32 v16, v9  }
0x2c7: {  	v16 =	vmul.f32 v17, v8;
	v10 =	vld.idx.msk [tilespmem:v10+s13+$0x0], $0xffff;
	v17 =	vmax.f32 v13, $0.0e+00  }
0x2c8: {  	v9 =	vadd.f32 v9, v19;
	v19 =	vmul.f32 v20, v8;
	v17 =	vmin.f32 v17, $7.006999970e+00;
	v20 =	vld [tilespmem:s24+$0x6680]  }
0x2c9: {  	v22 =	vld [tilespmem:s23+$0x66F0];
	v17 =	vtrunc.f32 v17  }
0x2ca: {  	v23 =	vld [tilespmem:s25+$0x62A0];
	v16 =	vsub.f32 v16, v7;
	[tilespmem:s23+$0x126C0] =	vst v9;
	v9 =	vcvt.f32.s32 v17;
	v17 =	vsub.f32 v19, v7  }
0x2cb: {  	v19 =	vld.idx.msk [tilespmem:v12+s14+$0x0], $0xffff;
	v11 =	vmul.f32 v21, v11  }
0x2cc: {  	v24 =	vmax.f32 v16, $0.0e+00;
	v21 =	vld.idx.msk [tilespmem:v18+s14+$0x0], $0xffff;
	v25 =	vmax.f32 v17, $0.0e+00  }
0x2cd: {  	v12 =	vld.idx.msk [tilespmem:v12+s13+$0x0], $0xffff;
	v10 =	vadd.f32 v11, v10;
	v11 =	vmin.f32 v24, $7.006999970e+00;
	v20 =	vmul.f32 v20, v8  }
0x2ce: {  	v18 =	vld.idx.msk [tilespmem:v18+s13+$0x0], $0xffff;
	v24 =	vmin.f32 v25, $7.006999970e+00;
	v11 =	vtrunc.f32 v11  }
0x2cf: {  	v24 =	vtrunc.f32 v24;
	[tilespmem:s24+$0x122E0] =	vst v10;
	v10 =	vcvt.f32.s32 v11;
	v11 =	vsub.f32 v20, v7  }
0x2d0: {  	v20 =	vcvt.f32.s32 v24;
	v24 =	vld.idx.msk [tilespmem:v9+s14+$0x0], $0xffff;
	v14 =	vmul.f32 v19, v14  }
0x2d1: {  	v19 =	vmul.f32 v22, v8;
	v15 =	vmul.f32 v21, v15;
	v9 =	vld.idx.msk [tilespmem:v9+s13+$0x0], $0xffff;
	v21 =	vmax.f32 v11, $0.0e+00  }
0x2d2: {  	v22 =	vmul.f32 v23, v8;
	v12 =	vadd.f32 v14, v12;
	v14 =	vmin.f32 v21, $7.006999970e+00;
	v21 =	vld [tilespmem:s24+$0x6690]  }
0x2d3: {  	v23 =	vld [tilespmem:s23+$0x6A80];
	v15 =	vadd.f32 v15, v18;
	v14 =	vtrunc.f32 v14  }
0x2d4: {  	v18 =	vld [tilespmem:s25+$0x62B0];
	[tilespmem:s23+$0x126D0] =	vst v12;
	v12 =	vcvt.f32.s32 v14;
	v14 =	vsub.f32 v19, v7;
	v19 =	vsub.f32 v22, v7  }
0x2d5: {  	[tilespmem:s25+$0x12280] =	vst v15;
	v15 =	vld.idx.msk [tilespmem:v10+s14+$0x0], $0xffff;
	v13 =	vmul.f32 v24, v13  }
0x2d6: {  	v22 =	vld.idx.msk [tilespmem:v20+s14+$0x0], $0xffff;
	v24 =	vmax.f32 v14, $0.0e+00;
	v25 =	vmax.f32 v19, $0.0e+00  }
0x2d7: {  	v10 =	vld.idx.msk [tilespmem:v10+s13+$0x0], $0xffff;
	v9 =	vadd.f32 v13, v9;
	v13 =	vmin.f32 v24, $7.006999970e+00;
	v21 =	vmul.f32 v21, v8  }
0x2d8: {  	v20 =	vld.idx.msk [tilespmem:v20+s13+$0x0], $0xffff;
	v24 =	vmin.f32 v25, $7.006999970e+00;
	v13 =	vtrunc.f32 v13  }
0x2d9: {  	v24 =	vtrunc.f32 v24;
	[tilespmem:s24+$0x122F0] =	vst v9;
	v9 =	vcvt.f32.s32 v13;
	v13 =	vsub.f32 v21, v7  }
0x2da: {  	v21 =	vcvt.f32.s32 v24;
	v24 =	vld.idx.msk [tilespmem:v12+s14+$0x0], $0xffff;
	v15 =	vmul.f32 v15, v16  }
0x2db: {  	v16 =	vld [tilespmem:s23+$0x6A90];
	v17 =	vmul.f32 v22, v17;
	v22 =	vmax.f32 v13, $0.0e+00  }
0x2dc: {  	v23 =	vmul.f32 v23, v8;
	v12 =	vld.idx.msk [tilespmem:v12+s13+$0x0], $0xffff;
	v10 =	vadd.f32 v15, v10;
	v15 =	vmin.f32 v22, $7.006999970e+00  }
0x2dd: {  	v18 =	vmul.f32 v18, v8;
	v17 =	vadd.f32 v17, v20;
	v20 =	vld [tilespmem:s24+$0x66A0];
	v15 =	vtrunc.f32 v15  }
0x2de: {  	v22 =	vld [tilespmem:s25+$0x62C0];
	[tilespmem:s23+$0x126E0] =	vst v10;
	v10 =	vcvt.f32.s32 v15;
	v15 =	vsub.f32 v23, v7  }
0x2df: {  	v18 =	vsub.f32 v18, v7;
	[tilespmem:s25+$0x12290] =	vst v17;
	v17 =	vld.idx.msk [tilespmem:v9+s14+$0x0], $0xffff;
	v11 =	vmul.f32 v24, v11  }
0x2e0: {  	v23 =	vld.idx.msk [tilespmem:v21+s14+$0x0], $0xffff;
	v24 =	vmax.f32 v15, $0.0e+00  }
0x2e1: {  	v25 =	vld.idx.msk [tilespmem:v9+s13+$0x0], $0xffff;
	v9 =	vmax.f32 v18, $0.0e+00;
	v11 =	vadd.f32 v11, v12;
	v12 =	vmin.f32 v24, $7.006999970e+00  }
0x2e2: {  	v21 =	vld.idx.msk [tilespmem:v21+s13+$0x0], $0xffff;
	v24 =	vmin.f32 v9, $7.006999970e+00;
	v20 =	vmul.f32 v20, v8;
	v12 =	vtrunc.f32 v12  }
0x2e3: {  	v24 =	vtrunc.f32 v24;
	[tilespmem:s24+$0x12680] =	vst v11;
	v11 =	vcvt.f32.s32 v12  }
0x2e4: {  	v12 =	vcvt.f32.s32 v24;
	v20 =	vsub.f32 v20, v7;
	v24 =	vld.idx.msk [tilespmem:v10+s14+$0x0], $0xffff;
	v14 =	vmul.f32 v17, v14  }
0x2e5: {  	v17 =	vmul.f32 v23, v19  }
0x2e6: {  	v16 =	vmul.f32 v16, v8;
	v10 =	vld.idx.msk [tilespmem:v10+s13+$0x0], $0xffff;
	v19 =	vmax.f32 v20, $0.0e+00;
	v14 =	vadd.f32 v14, v25  }
0x2e7: {  	v22 =	vmul.f32 v22, v8;
	v17 =	vadd.f32 v17, v21;
	v19 =	vmin.f32 v19, $7.006999970e+00;
	v21 =	vld [tilespmem:s24+$0x66B0]  }
0x2e8: {  	v23 =	vld [tilespmem:s23+$0x6AA0];
	v25 =	vsub.f32 v16, v7;
	v19 =	vtrunc.f32 v19;
	[tilespmem:s23+$0x126F0] =	vst v14  }
0x2e9: {  	[tilespmem:s25+$0x122A0] =	vst v17;
	v14 =	vcvt.f32.s32 v19;
	v19 =	vsub.f32 v22, v7;
	v16 =	vld.idx.msk [tilespmem:v11+s14+$0x0], $0xffff;
	v13 =	vmul.f32 v24, v13  }
0x2ea: {  	v22 =	vmax.f32 v25, $0.0e+00;
	v17 =	vld.idx.msk [tilespmem:v12+s14+$0x0], $0xffff  }
0x2eb: {  	v11 =	vld.idx.msk [tilespmem:v11+s13+$0x0], $0xffff;
	v24 =	vmax.f32 v19, $0.0e+00;
	v10 =	vadd.f32 v13, v10;
	v13 =	vmin.f32 v22, $7.006999970e+00  }
0x2ec: {  	v12 =	vld.idx.msk [tilespmem:v12+s13+$0x0], $0xffff;
	v22 =	vmin.f32 v24, $7.006999970e+00;
	v21 =	vmul.f32 v21, v8;
	v13 =	vtrunc.f32 v13  }
0x2ed: {  	v24 =	vld [tilespmem:s25+$0x62D0];
	v22 =	vtrunc.f32 v22;
	v26 =	vcvt.f32.s32 v13  }
0x2ee: {  	v9 =	vld [tilespmem:s23+$0x6AF0];
	[tilespmem:s24+$0x12690] =	vst v10;
	v22 =	vcvt.f32.s32 v22;
	v13 =	vsub.f32 v21, v7;
	v10 =	vmul.f32 v16, v15  }
0x2ef: {  	v15 =	vld.idx.msk [tilespmem:v14+s14+$0x0], $0xffff;
	v16 =	vmul.f32 v17, v18  }
0x2f0: {  	v14 =	vld.idx.msk [tilespmem:v14+s13+$0x0], $0xffff;
	v17 =	vmax.f32 v13, $0.0e+00;
	v11 =	vadd.f32 v10, v11  }
0x2f1: {  	v18 =	vmul.f32 v23, v8;
	v23 =	vld [tilespmem:s24+$0x66C0];
	v12 =	vadd.f32 v16, v12;
	v16 =	vmin.f32 v17, $7.006999970e+00  }
0x2f2: {  	v10 =	vld [tilespmem:s23+$0x6AE0];
	v21 =	vmul.f32 v24, v8;
	v16 =	vtrunc.f32 v16;
	[tilespmem:s23+$0x12A80] =	vst v11  }
0x2f3: {  	[tilespmem:s25+$0x122B0] =	vst v12;
	v17 =	vcvt.f32.s32 v16;
	v11 =	vsub.f32 v18, v7;
	v27 =	vld.idx.msk [tilespmem:v26+s14+$0x0], $0xffff  }
0x2f4: {  	v21 =	vsub.f32 v21, v7;
	v63 =	vld.idx.msk [tilespmem:v22+s14+$0x0], $0xffff;
	v12 =	vmul.f32 v15, v20  }
0x2f5: {  	v15 =	vld.idx.msk [tilespmem:v26+s13+$0x0], $0xffff;
	v16 =	vmax.f32 v11, $0.0e+00  }
0x2f6: {  	v22 =	vld.idx.msk [tilespmem:v22+s13+$0x0], $0xffff;
	v18 =	vmax.f32 v21, $0.0e+00;
	v12 =	vadd.f32 v12, v14;
	v14 =	vmin.f32 v16, $7.006999970e+00  }
0x2f7: {  	v26 =	vmul.f32 v23, v8;
	v18 =	vmin.f32 v18, $7.006999970e+00;
	v16 =	vld [tilespmem:s23+$0x6AB0];
	v14 =	vtrunc.f32 v14  }
0x2f8: {  	v24 =	vld [tilespmem:s25+$0x62E0];
	v18 =	vtrunc.f32 v18;
	[tilespmem:s24+$0x126A0] =	vst v12;
	v14 =	vcvt.f32.s32 v14  }
0x2f9: {  	s31 =	simm.s32 $0x0;
	v23 =	vcvt.f32.s32 v18;
	v12 =	vsub.f32 v26, v7;
	v20 =	vld.idx.msk [tilespmem:v17+s14+$0x0], $0xffff;
	v18 =	vmul.f32 v27, v25  }
0x2fa: {  	s28 =	simm.s32 $0x180;
	s26 =	simm.s32 $0x4;
	s3 =	smul.u32 $0xC00, s31;
	v25 =	vmul.f32 v63, v19;
	v19 =	vld [tilespmem:s24+$0x66D0]  }
.LBB2_5:
0x2fb: {  	p0 =	sne.s32 s26, $0x3F;
	s0 =	sand.u32 $0x380, s28;
	v17 =	vld.idx.msk [tilespmem:v17+s13+$0x0], $0xffff;
	v26 =	vmax.f32 v12, $0.0e+00;
	v15 =	vadd.f32 v18, v15  }
0x2fc: {  	s3 =	sor.u32 s0, s3;
	v18 =	vadd.f32 v25, v22;
	v22 =	vmin.f32 v26, $7.006999970e+00;
	v16 =	vmul.f32 v16, v8;
	v25 =	vld [tilespmem:s23+$0x6AC0]  }
0x2fd: {  	v26 =	vld [tilespmem:s3+$0x6280];
	v24 =	vmul.f32 v24, v8;
	v22 =	vtrunc.f32 v22;
	[tilespmem:s23+$0x12A90] =	vst v15  }
0x2fe: {  	[tilespmem:s25+$0x122C0] =	vst v18;
	v15 =	vcvt.f32.s32 v22;
	v18 =	vld.idx.msk [tilespmem:v14+s14+$0x0], $0xffff;
	v16 =	vsub.f32 v16, v7  }
0x2ff: {  	v13 =	vmul.f32 v20, v13;
	v22 =	vld.idx.msk [tilespmem:v23+s14+$0x0], $0xffff;
	v24 =	vsub.f32 v24, v7  }
0x300: {  	v19 =	vmul.f32 v19, v8;
	v14 =	vld.idx.msk [tilespmem:v14+s13+$0x0], $0xffff;
	v20 =	vmax.f32 v16, $0.0e+00  }
0x301: {  	v13 =	vadd.f32 v13, v17;
	v23 =	vld.idx.msk [tilespmem:v23+s13+$0x0], $0xffff;
	v27 =	vmax.f32 v24, $0.0e+00;
	v17 =	vmin.f32 v20, $7.006999970e+00  }
0x302: {  	v20 =	vmul.f32 v26, v8;
	v26 =	vmin.f32 v27, $7.006999970e+00;
	v17 =	vtrunc.f32 v17;
	v27 =	vld [tilespmem:s23+$0x6AD0]  }
0x303: {  	v26 =	vtrunc.f32 v26;
	v28 =	vld [tilespmem:s25+$0x62F0];
	[tilespmem:s24+$0x126B0] =	vst v13;
	v13 =	vcvt.f32.s32 v17  }
0x304: {  	v19 =	vsub.f32 v19, v7;
	v11 =	vmul.f32 v18, v11;
	v17 =	vcvt.f32.s32 v26;
	v26 =	vld.idx.msk [tilespmem:v15+s14+$0x0], $0xffff  }
0x305: {  	v18 =	vsub.f32 v20, v7;
	v20 =	vmul.f32 v22, v21;
	v21 =	vld [tilespmem:s24+$0x66E0]  }
0x306: {  	v22 =	vmax.f32 v19, $0.0e+00;
	v11 =	vadd.f32 v11, v14;
	v14 =	vmul.f32 v25, v8;
	v15 =	vld.idx.msk [tilespmem:v15+s13+$0x0], $0xffff  }
0x307: {  	v22 =	vmin.f32 v22, $7.006999970e+00;
	v25 =	vmax.f32 v18, $0.0e+00;
	v20 =	vadd.f32 v20, v23;
	v23 =	vld [tilespmem:s24+$0x66F0]  }
0x308: {  	v22 =	vtrunc.f32 v22;
	v25 =	vmin.f32 v25, $7.006999970e+00;
	v29 =	vld [tilespmem:s3+$0x6290];
	v28 =	vmul.f32 v28, v8;
	[tilespmem:s23+$0x12AA0] =	vst v11  }
0x309: {  	v14 =	vsub.f32 v14, v7;
	v11 =	vtrunc.f32 v25;
	[tilespmem:s25+$0x122D0] =	vst v20;
	v20 =	vcvt.f32.s32 v22;
	v22 =	vld.idx.msk [tilespmem:v13+s14+$0x0], $0xffff  }
0x30a: {  	v11 =	vcvt.f32.s32 v11;
	v12 =	vmul.f32 v26, v12;
	v25 =	vld.idx.msk [tilespmem:v17+s14+$0x0], $0xffff;
	v28 =	vsub.f32 v28, v7  }
0x30b: {  	v26 =	vmax.f32 v14, $0.0e+00;
	v21 =	vmul.f32 v21, v8;
	v13 =	vld.idx.msk [tilespmem:v13+s13+$0x0], $0xffff  }
0x30c: {  	v12 =	vadd.f32 v12, v15;
	v15 =	vmin.f32 v26, $7.006999970e+00;
	v17 =	vld.idx.msk [tilespmem:v17+s13+$0x0], $0xffff;
	v30 =	vmax.f32 v28, $0.0e+00  }
0x30d: {  	v15 =	vtrunc.f32 v15;
	v26 =	vmul.f32 v29, v8;
	v29 =	vmin.f32 v30, $7.006999970e+00;
	v30 =	vld [tilespmem:s25+$0x6680]  }
0x30e: {  	v31 =	vld [tilespmem:s3+$0x62A0];
	v29 =	vtrunc.f32 v29;
	[tilespmem:s24+$0x126C0] =	vst v12;
	v12 =	vcvt.f32.s32 v15  }
0x30f: {  	v21 =	vsub.f32 v21, v7;
	v16 =	vmul.f32 v22, v16;
	v15 =	vcvt.f32.s32 v29;
	v29 =	vld.idx.msk [tilespmem:v20+s14+$0x0], $0xffff  }
0x310: {  	v26 =	vsub.f32 v26, v7;
	v24 =	vmul.f32 v25, v24;
	v25 =	vmul.f32 v27, v8;
	v22 =	vld.idx.msk [tilespmem:v11+s14+$0x0], $0xffff  }
0x311: {  	v23 =	vmul.f32 v23, v8;
	v27 =	vmax.f32 v21, $0.0e+00;
	v13 =	vadd.f32 v16, v13;
	v20 =	vld.idx.msk [tilespmem:v20+s13+$0x0], $0xffff  }
0x312: {  	v16 =	vmax.f32 v26, $0.0e+00;
	v17 =	vadd.f32 v24, v17;
	v24 =	vmin.f32 v27, $7.006999970e+00;
	v11 =	vld.idx.msk [tilespmem:v11+s13+$0x0], $0xffff  }
0x313: {  	v16 =	vmin.f32 v16, $7.006999970e+00;
	v27 =	vmul.f32 v30, v8;
	v24 =	vtrunc.f32 v24;
	v30 =	vld [tilespmem:s24+$0x6A80];
	[tilespmem:s23+$0x12AB0] =	vst v13  }
0x314: {  	v13 =	vtrunc.f32 v16;
	v16 =	vcvt.f32.s32 v24;
	v24 =	vsub.f32 v25, v7;
	[tilespmem:s25+$0x122E0] =	vst v17;
	v17 =	vld.idx.msk [tilespmem:v12+s14+$0x0], $0xffff  }
0x315: {  	v13 =	vcvt.f32.s32 v13;
	v27 =	vsub.f32 v27, v7;
	v19 =	vmul.f32 v29, v19;
	v25 =	vld.idx.msk [tilespmem:v15+s14+$0x0], $0xffff  }
0x316: {  	v18 =	vmul.f32 v22, v18;
	v22 =	vmul.f32 v31, v8;
	v29 =	vmax.f32 v24, $0.0e+00;
	v12 =	vld.idx.msk [tilespmem:v12+s13+$0x0], $0xffff  }
0x317: {  	v31 =	vmax.f32 v27, $0.0e+00;
	v19 =	vadd.f32 v19, v20;
	v20 =	vmin.f32 v29, $7.006999970e+00;
	v15 =	vld.idx.msk [tilespmem:v15+s13+$0x0], $0xffff  }
0x318: {  	v11 =	vadd.f32 v18, v11;
	v18 =	vmin.f32 v31, $7.006999970e+00;
	v20 =	vtrunc.f32 v20;
	v29 =	vld [tilespmem:s25+$0x6690]  }
0x319: {  	v18 =	vtrunc.f32 v18;
	v31 =	vld [tilespmem:s3+$0x62B0];
	[tilespmem:s24+$0x126D0] =	vst v19;
	v19 =	vcvt.f32.s32 v20  }
0x31a: {  	v20 =	vsub.f32 v23, v7;
	v14 =	vmul.f32 v17, v14;
	[tilespmem:s3+$0x12280] =	vst v11;
	v11 =	vcvt.f32.s32 v18;
	v18 =	vld.idx.msk [tilespmem:v16+s14+$0x0], $0xffff  }
0x31b: {  	v10 =	vmul.f32 v10, v8;
	v22 =	vsub.f32 v22, v7;
	v23 =	vmul.f32 v25, v28;
	v17 =	vld.idx.msk [tilespmem:v13+s14+$0x0], $0xffff  }
0x31c: {  	v28 =	vmul.f32 v30, v8;
	v25 =	vmax.f32 v20, $0.0e+00;
	v12 =	vadd.f32 v14, v12;
	v16 =	vld.idx.msk [tilespmem:v16+s13+$0x0], $0xffff  }
0x31d: {  	v14 =	vmax.f32 v22, $0.0e+00;
	v15 =	vadd.f32 v23, v15;
	v23 =	vmin.f32 v25, $7.006999970e+00;
	v13 =	vld.idx.msk [tilespmem:v13+s13+$0x0], $0xffff  }
0x31e: {  	v14 =	vmin.f32 v14, $7.006999970e+00;
	v25 =	vmul.f32 v29, v8;
	v23 =	vtrunc.f32 v23;
	v29 =	vld [tilespmem:s24+$0x6A90];
	[tilespmem:s23+$0x12AC0] =	vst v12  }
0x31f: {  	v10 =	vsub.f32 v10, v7;
	v12 =	vtrunc.f32 v14;
	v14 =	vcvt.f32.s32 v23;
	[tilespmem:s25+$0x122F0] =	vst v15;
	v15 =	vld.idx.msk [tilespmem:v19+s14+$0x0], $0xffff  }
0x320: {  	v12 =	vcvt.f32.s32 v12;
	v25 =	vsub.f32 v25, v7;
	v18 =	vmul.f32 v18, v21;
	v23 =	vld.idx.msk [tilespmem:v11+s14+$0x0], $0xffff  }
0x321: {  	v21 =	vmul.f32 v31, v8;
	v17 =	vmul.f32 v17, v26;
	v26 =	vmax.f32 v10, $0.0e+00;
	v19 =	vld.idx.msk [tilespmem:v19+s13+$0x0], $0xffff  }
0x322: {  	v30 =	vmax.f32 v25, $0.0e+00;
	v16 =	vadd.f32 v18, v16;
	v18 =	vmin.f32 v26, $7.006999970e+00;
	v11 =	vld.idx.msk [tilespmem:v11+s13+$0x0], $0xffff  }
0x323: {  	v13 =	vadd.f32 v17, v13;
	v17 =	vmin.f32 v30, $7.006999970e+00;
	v18 =	vtrunc.f32 v18;
	v26 =	vld [tilespmem:s25+$0x66A0]  }
0x324: {  	v17 =	vtrunc.f32 v17;
	v30 =	vld [tilespmem:s3+$0x62C0];
	[tilespmem:s24+$0x126E0] =	vst v16;
	v16 =	vcvt.f32.s32 v18  }
0x325: {  	v18 =	vsub.f32 v28, v7;
	v15 =	vmul.f32 v15, v24;
	[tilespmem:s3+$0x12290] =	vst v13;
	v13 =	vcvt.f32.s32 v17;
	v17 =	vld.idx.msk [tilespmem:v14+s14+$0x0], $0xffff  }
0x326: {  	v21 =	vsub.f32 v21, v7;
	v23 =	vmul.f32 v23, v27;
	v27 =	vmul.f32 v9, v8;
	v24 =	vld.idx.msk [tilespmem:v12+s14+$0x0], $0xffff  }
0x327: {  	v28 =	vmul.f32 v29, v8;
	v9 =	vmax.f32 v18, $0.0e+00;
	v15 =	vadd.f32 v15, v19;
	v14 =	vld.idx.msk [tilespmem:v14+s13+$0x0], $0xffff  }
0x328: {  	v19 =	vmax.f32 v21, $0.0e+00;
	v11 =	vadd.f32 v23, v11;
	v9 =	vmin.f32 v9, $7.006999970e+00;
	v12 =	vld.idx.msk [tilespmem:v12+s13+$0x0], $0xffff  }
0x329: {  	v19 =	vmin.f32 v19, $7.006999970e+00;
	v23 =	vmul.f32 v26, v8;
	v26 =	vtrunc.f32 v9;
	v9 =	vld [tilespmem:s24+$0x6AF0];
	[tilespmem:s23+$0x12AD0] =	vst v15  }
0x32a: {  	v15 =	vtrunc.f32 v19;
	[tilespmem:s25+$0x12680] =	vst v11;
	v11 =	vcvt.f32.s32 v26;
	v19 =	vld.idx.msk [tilespmem:v16+s14+$0x0], $0xffff;
	v26 =	vsub.f32 v27, v7  }
0x32b: {  	v15 =	vcvt.f32.s32 v15;
	v23 =	vsub.f32 v23, v7;
	v17 =	vmul.f32 v17, v20;
	v27 =	vld.idx.msk [tilespmem:v13+s14+$0x0], $0xffff  }
0x32c: {  	v20 =	vmul.f32 v24, v22;
	v22 =	vmul.f32 v30, v8;
	v16 =	vld.idx.msk [tilespmem:v16+s13+$0x0], $0xffff;
	v24 =	vmax.f32 v26, $0.0e+00  }
0x32d: {  	v29 =	vmax.f32 v23, $0.0e+00;
	v14 =	vadd.f32 v17, v14;
	v13 =	vld.idx.msk [tilespmem:v13+s13+$0x0], $0xffff;
	v17 =	vmin.f32 v24, $7.006999970e+00  }
0x32e: {  	v12 =	vadd.f32 v20, v12;
	v20 =	vmin.f32 v29, $7.006999970e+00;
	v24 =	vld [tilespmem:s24+$0x6AA0];
	v17 =	vtrunc.f32 v17  }
0x32f: {  	v20 =	vtrunc.f32 v20;
	v29 =	vld [tilespmem:s25+$0x66B0];
	[tilespmem:s24+$0x126F0] =	vst v14;
	v14 =	vcvt.f32.s32 v17  }
0x330: {  	v28 =	vsub.f32 v28, v7;
	v10 =	vmul.f32 v19, v10;
	[tilespmem:s3+$0x122A0] =	vst v12;
	v12 =	vcvt.f32.s32 v20;
	v17 =	vld.idx.msk [tilespmem:v11+s14+$0x0], $0xffff  }
0x331: {  	v30 =	vsub.f32 v22, v7;
	v20 =	vmul.f32 v27, v25;
	v19 =	vld.idx.msk [tilespmem:v15+s14+$0x0], $0xffff  }
0x332: {  	v22 =	vmax.f32 v28, $0.0e+00;
	v10 =	vadd.f32 v10, v16;
	v11 =	vld.idx.msk [tilespmem:v11+s13+$0x0], $0xffff  }
0x333: {  	v16 =	vmax.f32 v30, $0.0e+00;
	v13 =	vadd.f32 v20, v13;
	v20 =	vmin.f32 v22, $7.006999970e+00;
	v15 =	vld.idx.msk [tilespmem:v15+s13+$0x0], $0xffff  }
0x334: {  	v16 =	vmin.f32 v16, $7.006999970e+00;
	v20 =	vtrunc.f32 v20;
	v22 =	vld [tilespmem:s3+$0x62D0];
	v25 =	vmul.f32 v29, v8;
	[tilespmem:s23+$0x12AE0] =	vst v10  }
0x335: {  	v10 =	vtrunc.f32 v16;
	v16 =	vcvt.f32.s32 v20;
	[tilespmem:s25+$0x12690] =	vst v13;
	v20 =	vld.idx.msk [tilespmem:v14+s14+$0x0], $0xffff  }
0x336: {  	v27 =	vcvt.f32.s32 v10;
	v10 =	vmul.f32 v17, v18;
	v29 =	vld.idx.msk [tilespmem:v12+s14+$0x0], $0xffff;
	v13 =	vsub.f32 v25, v7  }
0x337: {  	v17 =	vmul.f32 v19, v21;
	v14 =	vld.idx.msk [tilespmem:v14+s13+$0x0], $0xffff  }
0x338: {  	v11 =	vadd.f32 v10, v11;
	v12 =	vld.idx.msk [tilespmem:v12+s13+$0x0], $0xffff;
	v18 =	vmax.f32 v13, $0.0e+00  }
0x339: {  	v15 =	vadd.f32 v17, v15;
	v17 =	vmin.f32 v18, $7.006999970e+00;
	v18 =	vmul.f32 v24, v8;
	v10 =	vld [tilespmem:s24+$0x6AE0]  }
0x33a: {  	v19 =	vmul.f32 v22, v8;
	v17 =	vtrunc.f32 v17;
	v24 =	vld [tilespmem:s25+$0x66C0];
	[tilespmem:s24+$0x12A80] =	vst v11  }
0x33b: {  	[tilespmem:s3+$0x122B0] =	vst v15;
	v17 =	vcvt.f32.s32 v17;
	v25 =	vld.idx.msk [tilespmem:v16+s14+$0x0], $0xffff;
	v11 =	vsub.f32 v18, v7;
	v18 =	vmul.f32 v20, v26  }
0x33c: {  	v21 =	vsub.f32 v19, v7;
	v19 =	vmul.f32 v29, v23;
	v26 =	vld.idx.msk [tilespmem:v27+s14+$0x0], $0xffff  }
0x33d: {  	v15 =	vld.idx.msk [tilespmem:v16+s13+$0x0], $0xffff;
	v16 =	vmax.f32 v11, $0.0e+00;
	v14 =	vadd.f32 v18, v14  }
.Ltmp1:
0x33e: {  	v18 =	vmax.f32 v21, $0.0e+00;
	v12 =	vadd.f32 v19, v12;
	v22 =	vld.idx.msk [tilespmem:v27+s13+$0x0], $0xffff;
	v16 =	vmin.f32 v16, $7.006999970e+00;
	(pc) =	sbr.rel @p0 .LBB2_5-.Ltmp1, $4  }
0x33f: {  	v18 =	vmin.f32 v18, $7.006999970e+00;
	v19 =	vmul.f32 v24, v8;
	v20 =	vtrunc.f32 v16;
	v16 =	vld [tilespmem:s24+$0x6AB0];
	[tilespmem:s23+$0x12AF0] =	vst v14;
	s23 =	smov.u32 s24;
	s24 =	smov.u32 s25;
	s25 =	smov.u32 s3  }
0x340: {  	v18 =	vtrunc.f32 v18;
	v24 =	vld [tilespmem:s25+$0x62E0];
	[tilespmem:s24+$0x126A0] =	vst v12;
	v14 =	vcvt.f32.s32 v20  }
0x341: {  	s0 =	sshrl.u32 s26, $0x3;
	v23 =	vcvt.f32.s32 v18;
	v18 =	vmul.f32 v25, v28;
	v20 =	vld.idx.msk [tilespmem:v17+s14+$0x0], $0xffff;
	v12 =	vsub.f32 v19, v7  }
0x342: {  	s28 =	sadd.s32 $0x80, s28;
	s26 =	sadd.s32 $0x1, s26;
	s3 =	smul.u32 $0xC00, s0;
	v25 =	vmul.f32 v26, v30;
	v19 =	vld [tilespmem:s24+$0x66D0]  }
0x343: {  	s0 =	sand.u32 $0x380, s28  }
0x344: {  	s26 =	sor.u32 s0, s3  }
0x345: {  	v26 =	vld [tilespmem:s26+$0x6280];
	_ =	sdelay $0x4  }
0x346: {  	v26 =	vmul.f32 v26, v8;
	_ =	sdelay $0x1  }
0x347: {  	v26 =	vsub.f32 v26, v7;
	_ =	sdelay $0x1  }
0x348: {  	v27 =	vmax.f32 v26, $0.0e+00  }
0x349: {  	v28 =	vld [tilespmem:s26+$0x6290];
	v27 =	vmin.f32 v27, $7.006999970e+00  }
0x34a: {  	v27 =	vtrunc.f32 v27  }
0x34b: {  	v27 =	vcvt.f32.s32 v27;
	_ =	sdelay $0x2  }
0x34c: {  	v28 =	vmul.f32 v28, v8;
	_ =	sdelay $0x1  }
0x34d: {  	v28 =	vsub.f32 v28, v7  }
0x34e: {  	v29 =	vld.idx.msk [tilespmem:v27+s14+$0x0], $0xffff  }
0x34f: {  	v30 =	vld [tilespmem:s26+$0x62A0];
	v31 =	vmax.f32 v28, $0.0e+00  }
0x350: {  	v31 =	vmin.f32 v31, $7.006999970e+00;
	v27 =	vld.idx.msk [tilespmem:v27+s13+$0x0], $0xffff  }
0x351: {  	v31 =	vtrunc.f32 v31  }
0x352: {  	v31 =	vcvt.f32.s32 v31  }
0x353: {  	v26 =	vmul.f32 v29, v26;
	_ =	sdelay $0x1  }
0x354: {  	v33 =	vmul.f32 v30, v8;
	v26 =	vadd.f32 v26, v27;
	_ =	sdelay $0x1  }
0x355: {  	v34 =	vsub.f32 v33, v7;
	[tilespmem:s26+$0x12280] =	vst v26  }
0x356: {  	v35 =	vld.idx.msk [tilespmem:v31+s14+$0x0], $0xffff  }
0x357: {  	v36 =	vld [tilespmem:s26+$0x62B0];
	v37 =	vmax.f32 v34, $0.0e+00  }
0x358: {  	v30 =	vmin.f32 v37, $7.006999970e+00;
	v31 =	vld.idx.msk [tilespmem:v31+s13+$0x0], $0xffff  }
0x359: {  	v30 =	vtrunc.f32 v30  }
0x35a: {  	v30 =	vcvt.f32.s32 v30  }
0x35b: {  	v27 =	vmul.f32 v35, v28;
	_ =	sdelay $0x1  }
0x35c: {  	v38 =	vmul.f32 v36, v8;
	v27 =	vadd.f32 v27, v31;
	_ =	sdelay $0x1  }
0x35d: {  	v39 =	vsub.f32 v38, v7;
	[tilespmem:s26+$0x12290] =	vst v27  }
0x35e: {  	v40 =	vld.idx.msk [tilespmem:v30+s14+$0x0], $0xffff  }
0x35f: {  	v41 =	vld [tilespmem:s26+$0x62C0];
	v42 =	vmax.f32 v39, $0.0e+00  }
0x360: {  	v31 =	vmin.f32 v42, $7.006999970e+00;
	v30 =	vld.idx.msk [tilespmem:v30+s13+$0x0], $0xffff  }
0x361: {  	v31 =	vtrunc.f32 v31  }
0x362: {  	v31 =	vcvt.f32.s32 v31  }
0x363: {  	v26 =	vmul.f32 v40, v34;
	_ =	sdelay $0x1  }
0x364: {  	v43 =	vmul.f32 v41, v8;
	v26 =	vadd.f32 v26, v30;
	_ =	sdelay $0x1  }
0x365: {  	v44 =	vsub.f32 v43, v7;
	[tilespmem:s26+$0x122A0] =	vst v26  }
0x366: {  	v45 =	vld.idx.msk [tilespmem:v31+s14+$0x0], $0xffff  }
0x367: {  	v48 =	vld [tilespmem:s26+$0x62D0];
	v47 =	vmax.f32 v44, $0.0e+00  }
0x368: {  	v30 =	vmin.f32 v47, $7.006999970e+00;
	v46 =	vld.idx.msk [tilespmem:v31+s13+$0x0], $0xffff  }
0x369: {  	v30 =	vtrunc.f32 v30  }
0x36a: {  	v30 =	vcvt.f32.s32 v30  }
0x36b: {  	v27 =	vmul.f32 v45, v39;
	_ =	sdelay $0x1  }
0x36c: {  	v49 =	vmul.f32 v48, v8;
	v27 =	vadd.f32 v27, v46;
	_ =	sdelay $0x1  }
0x36d: {  	v50 =	vsub.f32 v49, v7;
	[tilespmem:s26+$0x122B0] =	vst v27  }
0x36e: {  	v51 =	vld.idx.msk [tilespmem:v30+s14+$0x0], $0xffff  }
0x36f: {  	v22 =	vadd.f32 v25, v22;
	v24 =	vmul.f32 v24, v8;
	v55 =	vld [tilespmem:s26+$0x62E0];
	v53 =	vmax.f32 v50, $0.0e+00  }
0x370: {  	v54 =	vmin.f32 v53, $7.006999970e+00;
	v52 =	vld.idx.msk [tilespmem:v30+s13+$0x0], $0xffff  }
0x371: {  	[tilespmem:s25+$0x122C0] =	vst v22;
	v56 =	vsub.f32 v24, v7;
	v25 =	vtrunc.f32 v54  }
0x372: {  	v58 =	vld.idx.msk [tilespmem:v23+s14+$0x0], $0xffff;
	v57 =	vcvt.f32.s32 v25  }
0x373: {  	v61 =	vld [tilespmem:s25+$0x62F0];
	v60 =	vmax.f32 v56, $0.0e+00;
	v26 =	vmul.f32 v51, v44  }
0x374: {  	v59 =	vld.idx.msk [tilespmem:v23+s13+$0x0], $0xffff;
	v28 =	vmin.f32 v60, $7.006999970e+00  }
0x375: {  	v62 =	vmul.f32 v55, v8;
	v28 =	vtrunc.f32 v28;
	v26 =	vadd.f32 v26, v52  }
0x376: {  	v28 =	vcvt.f32.s32 v28  }
0x377: {  	v63 =	vsub.f32 v62, v7;
	v21 =	vmul.f32 v58, v21;
	[tilespmem:s26+$0x122C0] =	vst v26  }
0x378: {  	v33 =	vld.idx.msk [tilespmem:v57+s14+$0x0], $0xffff  }
0x379: {  	v21 =	vadd.f32 v21, v59;
	v29 =	vmax.f32 v63, $0.0e+00;
	v35 =	vld [tilespmem:s26+$0x62F0];
	v34 =	vmul.f32 v61, v8  }
0x37a: {  	v29 =	vmin.f32 v29, $7.006999970e+00;
	v24 =	vld.idx.msk [tilespmem:v57+s13+$0x0], $0xffff  }
0x37b: {  	[tilespmem:s25+$0x122D0] =	vst v21;
	v29 =	vtrunc.f32 v29;
	v36 =	vsub.f32 v34, v7  }
0x37c: {  	v37 =	vcvt.f32.s32 v29;
	v38 =	vld.idx.msk [tilespmem:v28+s14+$0x0], $0xffff  }
0x37d: {  	v41 =	vld [tilespmem:s25+$0x6680];
	v40 =	vmax.f32 v36, $0.0e+00;
	v25 =	vmul.f32 v33, v50  }
0x37e: {  	v39 =	vld.idx.msk [tilespmem:v28+s13+$0x0], $0xffff;
	v28 =	vmin.f32 v40, $7.006999970e+00  }
0x37f: {  	v42 =	vmul.f32 v35, v8;
	v28 =	vtrunc.f32 v28;
	v24 =	vadd.f32 v25, v24  }
0x380: {  	v28 =	vcvt.f32.s32 v28  }
0x381: {  	v43 =	vsub.f32 v42, v7;
	v22 =	vmul.f32 v38, v56;
	[tilespmem:s26+$0x122D0] =	vst v24  }
0x382: {  	v44 =	vld.idx.msk [tilespmem:v37+s14+$0x0], $0xffff  }
0x383: {  	v47 =	vld [tilespmem:s26+$0x6680];
	v45 =	vmax.f32 v43, $0.0e+00;
	v46 =	vmul.f32 v41, v8;
	v22 =	vadd.f32 v22, v39  }
0x384: {  	v29 =	vmin.f32 v45, $7.006999970e+00;
	v23 =	vld.idx.msk [tilespmem:v37+s13+$0x0], $0xffff  }
0x385: {  	v29 =	vtrunc.f32 v29;
	v48 =	vsub.f32 v46, v7;
	[tilespmem:s25+$0x122E0] =	vst v22  }
0x386: {  	v49 =	vcvt.f32.s32 v29;
	v50 =	vld.idx.msk [tilespmem:v28+s14+$0x0], $0xffff  }
0x387: {  	v53 =	vld [tilespmem:s25+$0x6690];
	v52 =	vmax.f32 v48, $0.0e+00;
	v25 =	vmul.f32 v44, v63  }
0x388: {  	v51 =	vld.idx.msk [tilespmem:v28+s13+$0x0], $0xffff;
	v28 =	vmin.f32 v52, $7.006999970e+00  }
0x389: {  	v54 =	vmul.f32 v47, v8;
	v28 =	vtrunc.f32 v28;
	v23 =	vadd.f32 v25, v23  }
0x38a: {  	v28 =	vcvt.f32.s32 v28  }
0x38b: {  	v55 =	vsub.f32 v54, v7;
	v21 =	vmul.f32 v50, v36;
	[tilespmem:s26+$0x122E0] =	vst v23  }
0x38c: {  	v56 =	vld.idx.msk [tilespmem:v49+s14+$0x0], $0xffff  }
0x38d: {  	v59 =	vld [tilespmem:s26+$0x6690];
	v58 =	vmul.f32 v53, v8;
	v57 =	vmax.f32 v55, $0.0e+00;
	v21 =	vadd.f32 v21, v51  }
0x38e: {  	v29 =	vmin.f32 v57, $7.006999970e+00;
	v27 =	vld.idx.msk [tilespmem:v49+s13+$0x0], $0xffff  }
0x38f: {  	v60 =	vsub.f32 v58, v7;
	v29 =	vtrunc.f32 v29;
	[tilespmem:s25+$0x122F0] =	vst v21  }
0x390: {  	v61 =	vcvt.f32.s32 v29;
	v62 =	vld.idx.msk [tilespmem:v28+s14+$0x0], $0xffff  }
0x391: {  	v32 =	vmax.f32 v60, $0.0e+00;
	v33 =	vld [tilespmem:s25+$0x66A0];
	v24 =	vmul.f32 v56, v43  }
0x392: {  	v63 =	vld.idx.msk [tilespmem:v28+s13+$0x0], $0xffff;
	v28 =	vmin.f32 v32, $7.006999970e+00  }
0x393: {  	v34 =	vmul.f32 v59, v8;
	v28 =	vtrunc.f32 v28;
	v24 =	vadd.f32 v24, v27  }
0x394: {  	v28 =	vcvt.f32.s32 v28  }
0x395: {  	v35 =	vsub.f32 v34, v7;
	v22 =	vmul.f32 v62, v48;
	[tilespmem:s26+$0x122F0] =	vst v24  }
0x396: {  	v36 =	vld.idx.msk [tilespmem:v61+s14+$0x0], $0xffff  }
0x397: {  	v39 =	vld [tilespmem:s26+$0x66A0];
	v37 =	vmax.f32 v35, $0.0e+00;
	v38 =	vmul.f32 v33, v8;
	v22 =	vadd.f32 v22, v63  }
0x398: {  	v29 =	vmin.f32 v37, $7.006999970e+00;
	v26 =	vld.idx.msk [tilespmem:v61+s13+$0x0], $0xffff  }
0x399: {  	v29 =	vtrunc.f32 v29;
	v40 =	vsub.f32 v38, v7;
	[tilespmem:s25+$0x12680] =	vst v22  }
0x39a: {  	v41 =	vcvt.f32.s32 v29;
	v42 =	vld.idx.msk [tilespmem:v28+s14+$0x0], $0xffff  }
0x39b: {  	v45 =	vld [tilespmem:s25+$0x66B0];
	v44 =	vmax.f32 v40, $0.0e+00;
	v23 =	vmul.f32 v36, v55  }
0x39c: {  	v43 =	vld.idx.msk [tilespmem:v28+s13+$0x0], $0xffff;
	v28 =	vmin.f32 v44, $7.006999970e+00  }
0x39d: {  	v46 =	vmul.f32 v39, v8;
	v28 =	vtrunc.f32 v28;
	v23 =	vadd.f32 v23, v26  }
0x39e: {  	v28 =	vcvt.f32.s32 v28  }
0x39f: {  	v17 =	vld.idx.msk [tilespmem:v17+s13+$0x0], $0xffff;
	v48 =	vsub.f32 v46, v7;
	v21 =	vmul.f32 v42, v60;
	[tilespmem:s26+$0x12680] =	vst v23  }
0x3a0: {  	v50 =	vld.idx.msk [tilespmem:v41+s14+$0x0], $0xffff  }
0x3a1: {  	v53 =	vld [tilespmem:s26+$0x66B0];
	v52 =	vmul.f32 v45, v8;
	v51 =	vmax.f32 v48, $0.0e+00;
	v21 =	vadd.f32 v21, v43  }
0x3a2: {  	v30 =	vmin.f32 v51, $7.006999970e+00;
	v25 =	vld.idx.msk [tilespmem:v41+s13+$0x0], $0xffff  }
0x3a3: {  	v54 =	vsub.f32 v52, v7;
	v30 =	vtrunc.f32 v30;
	[tilespmem:s25+$0x12690] =	vst v21  }
0x3a4: {  	v13 =	vmul.f32 v20, v13;
	v55 =	vcvt.f32.s32 v30;
	v56 =	vld.idx.msk [tilespmem:v28+s14+$0x0], $0xffff  }
0x3a5: {  	v59 =	vld [tilespmem:s25+$0x66C0];
	v47 =	vmax.f32 v12, $0.0e+00;
	v57 =	vmax.f32 v54, $0.0e+00;
	v24 =	vmul.f32 v50, v35  }
0x3a6: {  	v17 =	vadd.f32 v13, v17;
	v58 =	vmin.f32 v57, $7.006999970e+00;
	v49 =	vmin.f32 v47, $7.006999970e+00;
	v28 =	vld.idx.msk [tilespmem:v28+s13+$0x0], $0xffff  }
0x3a7: {  	v60 =	vmul.f32 v53, v8;
	v61 =	vtrunc.f32 v58;
	v24 =	vadd.f32 v24, v25  }
0x3a8: {  	[tilespmem:s24+$0x126B0] =	vst v17;
	v17 =	vcvt.f32.s32 v61;
	v26 =	vtrunc.f32 v49  }
0x3a9: {  	v26 =	vcvt.f32.s32 v26;
	v22 =	vmul.f32 v56, v40;
	[tilespmem:s26+$0x12690] =	vst v24;
	v24 =	vsub.f32 v60, v7  }
0x3aa: {  	v63 =	vld.idx.msk [tilespmem:v55+s14+$0x0], $0xffff  }
0x3ab: {  	v37 =	vld [tilespmem:s26+$0x66C0];
	v36 =	vmul.f32 v59, v8;
	v22 =	vadd.f32 v22, v28;
	v35 =	vmax.f32 v24, $0.0e+00  }
0x3ac: {  	v19 =	vmul.f32 v19, v8;
	v21 =	vld.idx.msk [tilespmem:v55+s13+$0x0], $0xffff;
	v27 =	vmin.f32 v35, $7.006999970e+00  }
0x3ad: {  	v42 =	vld [tilespmem:s25+$0x66D0];
	v39 =	vsub.f32 v36, v7;
	[tilespmem:s25+$0x126A0] =	vst v22;
	v27 =	vtrunc.f32 v27  }
0x3ae: {  	v19 =	vsub.f32 v19, v7;
	v41 =	vld.idx.msk [tilespmem:v17+s14+$0x0], $0xffff;
	v27 =	vcvt.f32.s32 v27  }
0x3af: {  	v15 =	vadd.f32 v18, v15;
	v43 =	vmax.f32 v39, $0.0e+00;
	v62 =	vld.idx.msk [tilespmem:v26+s14+$0x0], $0xffff;
	v23 =	vmul.f32 v63, v48  }
0x3b0: {  	v32 =	vmax.f32 v19, $0.0e+00;
	v44 =	vmin.f32 v43, $7.006999970e+00;
	v17 =	vld.idx.msk [tilespmem:v17+s13+$0x0], $0xffff  }
0x3b1: {  	[tilespmem:s23+$0x12A90] =	vst v15;
	v45 =	vmul.f32 v37, v8;
	v15 =	vtrunc.f32 v44;
	v26 =	vld.idx.msk [tilespmem:v26+s13+$0x0], $0xffff;
	v21 =	vadd.f32 v23, v21  }
0x3b2: {  	v16 =	vmul.f32 v16, v8;
	v40 =	vmin.f32 v32, $7.006999970e+00;
	v49 =	vcvt.f32.s32 v15  }
0x3b3: {  	v38 =	vld [tilespmem:s24+$0x66E0];
	v18 =	vtrunc.f32 v40;
	v50 =	vsub.f32 v45, v7;
	v51 =	vmul.f32 v41, v54;
	[tilespmem:s26+$0x126A0] =	vst v21  }
0x3b4: {  	v18 =	vcvt.f32.s32 v18;
	v15 =	vsub.f32 v16, v7;
	v48 =	vmul.f32 v62, v12;
	v52 =	vld.idx.msk [tilespmem:v27+s14+$0x0], $0xffff  }
0x3b5: {  	v25 =	vmul.f32 v42, v8;
	v54 =	vld [tilespmem:s26+$0x66D0];
	v55 =	vmax.f32 v50, $0.0e+00;
	v16 =	vadd.f32 v51, v17  }
0x3b6: {  	v57 =	vmin.f32 v55, $7.006999970e+00;
	v12 =	vadd.f32 v48, v26;
	v56 =	vld.idx.msk [tilespmem:v27+s13+$0x0], $0xffff  }
0x3b7: {  	v37 =	vld [tilespmem:s25+$0x66E0];
	v25 =	vsub.f32 v25, v7;
	v60 =	vtrunc.f32 v57;
	[tilespmem:s25+$0x126B0] =	vst v16  }
0x3b8: {  	v53 =	vmul.f32 v38, v8;
	v62 =	vld.idx.msk [tilespmem:v49+s14+$0x0], $0xffff;
	[tilespmem:s24+$0x126C0] =	vst v12;
	v12 =	vcvt.f32.s32 v60  }
0x3b9: {  	v46 =	vld.idx.msk [tilespmem:v14+s14+$0x0], $0xffff;
	v33 =	vmax.f32 v25, $0.0e+00;
	v63 =	vmul.f32 v52, v24  }
0x3ba: {  	v33 =	vmin.f32 v33, $7.006999970e+00;
	v29 =	vld.idx.msk [tilespmem:v49+s13+$0x0], $0xffff;
	v23 =	vsub.f32 v53, v7  }
0x3bb: {  	v33 =	vtrunc.f32 v33;
	v26 =	vmul.f32 v54, v8;
	v61 =	vld.idx.msk [tilespmem:v18+s14+$0x0], $0xffff;
	v17 =	vadd.f32 v63, v56  }
0x3bc: {  	v47 =	vld [tilespmem:s24+$0x66F0];
	v33 =	vcvt.f32.s32 v33;
	v36 =	vmax.f32 v23, $0.0e+00  }
0x3bd: {  	v38 =	vsub.f32 v26, v7;
	v18 =	vld.idx.msk [tilespmem:v18+s13+$0x0], $0xffff;
	v20 =	vmin.f32 v36, $7.006999970e+00;
	v22 =	vmul.f32 v62, v39;
	[tilespmem:s26+$0x126B0] =	vst v17  }
0x3be: {  	v11 =	vmul.f32 v46, v11;
	v20 =	vtrunc.f32 v20;
	v39 =	vld.idx.msk [tilespmem:v12+s14+$0x0], $0xffff  }
0x3bf: {  	v41 =	vld [tilespmem:s26+$0x66E0];
	v42 =	vmax.f32 v38, $0.0e+00;
	v20 =	vcvt.f32.s32 v20;
	v22 =	vadd.f32 v22, v29  }
0x3c0: {  	v43 =	vmin.f32 v42, $7.006999970e+00;
	v19 =	vmul.f32 v61, v19;
	v24 =	vmul.f32 v37, v8;
	v12 =	vld.idx.msk [tilespmem:v12+s13+$0x0], $0xffff  }
0x3c1: {  	v58 =	vld.idx.msk [tilespmem:v14+s13+$0x0], $0xffff;
	v40 =	vmul.f32 v47, v8;
	v29 =	vtrunc.f32 v43  }
0x3c2: {  	v44 =	vld [tilespmem:s25+$0x66F0];
	[tilespmem:s25+$0x126C0] =	vst v22;
	v47 =	vcvt.f32.s32 v29;
	v18 =	vadd.f32 v19, v18;
	v46 =	vsub.f32 v24, v7  }
0x3c3: {  	v48 =	vld.idx.msk [tilespmem:v33+s14+$0x0], $0xffff;
	v49 =	vmul.f32 v39, v50  }
0x3c4: {  	v31 =	vsub.f32 v40, v7;
	v27 =	vmul.f32 v41, v8;
	v53 =	vld.idx.msk [tilespmem:v33+s13+$0x0], $0xffff;
	[tilespmem:s24+$0x126D0] =	vst v18;
	v52 =	vmax.f32 v46, $0.0e+00  }
0x3c5: {  	v28 =	vmin.f32 v52, $7.006999970e+00;
	v50 =	vld.idx.msk [tilespmem:v20+s14+$0x0], $0xffff;
	v12 =	vadd.f32 v49, v12  }
0x3c6: {  	v45 =	vld [tilespmem:s24+$0x6A80];
	v51 =	vmax.f32 v31, $0.0e+00;
	v57 =	vsub.f32 v27, v7;
	v56 =	vtrunc.f32 v28  }
0x3c7: {  	v11 =	vadd.f32 v11, v58;
	v55 =	vmin.f32 v51, $7.006999970e+00;
	v54 =	vld.idx.msk [tilespmem:v20+s13+$0x0], $0xffff;
	v26 =	vcvt.f32.s32 v56;
	[tilespmem:s26+$0x126C0] =	vst v12  }
0x3c8: {  	v61 =	vmax.f32 v57, $0.0e+00;
	v25 =	vmul.f32 v48, v25;
	v20 =	vtrunc.f32 v55;
	v58 =	vld.idx.msk [tilespmem:v47+s14+$0x0], $0xffff  }
0x3c9: {  	v59 =	vmax.f32 v15, $0.0e+00;
	v60 =	vld [tilespmem:s26+$0x66F0];
	v29 =	vmin.f32 v61, $7.006999970e+00;
	v20 =	vcvt.f32.s32 v20  }
0x3ca: {  	v19 =	vmul.f32 v44, v8;
	v25 =	vadd.f32 v25, v53;
	v21 =	vmul.f32 v50, v23;
	v24 =	vld.idx.msk [tilespmem:v47+s13+$0x0], $0xffff  }
0x3cb: {  	[tilespmem:s23+$0x12AA0] =	vst v11;
	v14 =	vmin.f32 v59, $7.006999970e+00;
	v59 =	vmul.f32 v45, v8;
	v29 =	vtrunc.f32 v29  }
0x3cc: {  	v62 =	vld [tilespmem:s25+$0x6A80];
	v36 =	vcvt.f32.s32 v29;
	v19 =	vsub.f32 v19, v7;
	[tilespmem:s25+$0x126D0] =	vst v25;
	v11 =	vadd.f32 v21, v54  }
0x3cd: {  	v37 =	vld.idx.msk [tilespmem:v26+s14+$0x0], $0xffff;
	v38 =	vmul.f32 v58, v38  }
0x3ce: {  	v63 =	vld [tilespmem:s24+$0x6A90];
	v28 =	vsub.f32 v59, v7;
	v41 =	vmax.f32 v19, $0.0e+00;
	[tilespmem:s24+$0x126E0] =	vst v11  }
0x3cf: {  	v32 =	vmin.f32 v41, $7.006999970e+00;
	v23 =	vmul.f32 v60, v8;
	v39 =	vld.idx.msk [tilespmem:v20+s14+$0x0], $0xffff;
	v24 =	vadd.f32 v38, v24  }
0x3d0: {  	v40 =	vmax.f32 v28, $0.0e+00;
	v43 =	vtrunc.f32 v32;
	v26 =	vld.idx.msk [tilespmem:v26+s13+$0x0], $0xffff  }
0x3d1: {  	v42 =	vmin.f32 v40, $7.006999970e+00;
	v27 =	vcvt.f32.s32 v43;
	v23 =	vsub.f32 v23, v7;
	v20 =	vld.idx.msk [tilespmem:v20+s13+$0x0], $0xffff;
	[tilespmem:s26+$0x126D0] =	vst v24  }
0x3d2: {  	v44 =	vtrunc.f32 v42;
	v22 =	vmul.f32 v37, v46;
	v46 =	vld.idx.msk [tilespmem:v36+s14+$0x0], $0xffff  }
0x3d3: {  	v45 =	vcvt.f32.s32 v44;
	v47 =	vld [tilespmem:s26+$0x6A80];
	v48 =	vmax.f32 v23, $0.0e+00  }
0x3d4: {  	v49 =	vmin.f32 v48, $7.006999970e+00;
	v17 =	vmul.f32 v39, v31;
	v25 =	vld.idx.msk [tilespmem:v36+s13+$0x0], $0xffff  }
0x3d5: {  	v22 =	vadd.f32 v22, v26;
	v26 =	vtrunc.f32 v49  }
0x3d6: {  	v30 =	vmul.f32 v63, v8;
	v52 =	vcvt.f32.s32 v26;
	v17 =	vadd.f32 v17, v20  }
0x3d7: {  	v50 =	vld [tilespmem:s25+$0x6A90];
	v21 =	vmul.f32 v62, v8;
	[tilespmem:s25+$0x126E0] =	vst v22;
	v12 =	vmul.f32 v46, v57  }
0x3d8: {  	v30 =	vsub.f32 v30, v7;
	v53 =	vld.idx.msk [tilespmem:v27+s14+$0x0], $0xffff;
	[tilespmem:s24+$0x126F0] =	vst v17  }
0x3d9: {  	v21 =	vsub.f32 v21, v7;
	v31 =	vmul.f32 v47, v8;
	v54 =	vld.idx.msk [tilespmem:v45+s14+$0x0], $0xffff;
	v25 =	vadd.f32 v12, v25  }
0x3da: {  	v55 =	vmax.f32 v30, $0.0e+00;
	v27 =	vld.idx.msk [tilespmem:v27+s13+$0x0], $0xffff  }
0x3db: {  	v56 =	vmax.f32 v21, $0.0e+00;
	v60 =	vsub.f32 v31, v7;
	v24 =	vld.idx.msk [tilespmem:v45+s13+$0x0], $0xffff;
	v57 =	vmin.f32 v55, $7.006999970e+00;
	[tilespmem:s26+$0x126E0] =	vst v25  }
0x3dc: {  	v33 =	vmin.f32 v56, $7.006999970e+00;
	v59 =	vtrunc.f32 v57;
	v62 =	vld.idx.msk [tilespmem:v52+s14+$0x0], $0xffff  }
0x3dd: {  	v58 =	vtrunc.f32 v33;
	v36 =	vld [tilespmem:s26+$0x6A90];
	v37 =	vmax.f32 v60, $0.0e+00;
	v61 =	vcvt.f32.s32 v59  }
0x3de: {  	v29 =	vcvt.f32.s32 v58;
	v38 =	vmin.f32 v37, $7.006999970e+00;
	v26 =	vmul.f32 v54, v28;
	v22 =	vld.idx.msk [tilespmem:v52+s13+$0x0], $0xffff  }
0x3df: {  	v13 =	vld [tilespmem:s23+$0x6AC0];
	v17 =	vmul.f32 v53, v19;
	v33 =	vtrunc.f32 v38  }
0x3e0: {  	v51 =	vld [tilespmem:s24+$0x6AA0];
	v20 =	vmul.f32 v50, v8;
	v40 =	vcvt.f32.s32 v33;
	v24 =	vadd.f32 v26, v24  }
0x3e1: {  	v39 =	vld [tilespmem:s25+$0x6AA0];
	v27 =	vadd.f32 v17, v27;
	v19 =	vmul.f32 v62, v23  }
0x3e2: {  	v50 =	vld [tilespmem:s26+$0x6AA0];
	v20 =	vsub.f32 v20, v7;
	[tilespmem:s24+$0x12A80] =	vst v24  }
0x3e3: {  	v14 =	vtrunc.f32 v14;
	v32 =	vmul.f32 v36, v8;
	[tilespmem:s25+$0x126F0] =	vst v27;
	v42 =	vld.idx.msk [tilespmem:v61+s14+$0x0], $0xffff;
	v19 =	vadd.f32 v19, v22  }
0x3e4: {  	v16 =	vcvt.f32.s32 v14;
	v41 =	vld.idx.msk [tilespmem:v29+s14+$0x0], $0xffff  }
0x3e5: {  	v34 =	vmax.f32 v20, $0.0e+00;
	v32 =	vsub.f32 v32, v7;
	v29 =	vld.idx.msk [tilespmem:v29+s13+$0x0], $0xffff;
	[tilespmem:s26+$0x126F0] =	vst v19  }
0x3e6: {  	v34 =	vmin.f32 v34, $7.006999970e+00;
	v49 =	vld.idx.msk [tilespmem:v40+s14+$0x0], $0xffff  }
0x3e7: {  	v63 =	vmul.f32 v51, v8;
	v46 =	vtrunc.f32 v34;
	v51 =	vmax.f32 v32, $0.0e+00;
	v44 =	vld.idx.msk [tilespmem:v61+s13+$0x0], $0xffff  }
0x3e8: {  	v33 =	vcvt.f32.s32 v46;
	v23 =	vmul.f32 v42, v30;
	v27 =	vld.idx.msk [tilespmem:v40+s13+$0x0], $0xffff;
	v30 =	vmin.f32 v51, $7.006999970e+00  }
0x3e9: {  	v14 =	vld [tilespmem:s23+$0x6AD0];
	v48 =	vmul.f32 v41, v21;
	v53 =	vtrunc.f32 v30  }
0x3ea: {  	v18 =	vld.idx.msk [tilespmem:v16+s14+$0x0], $0xffff;
	v28 =	vsub.f32 v63, v7;
	v26 =	vcvt.f32.s32 v53  }
0x3eb: {  	v16 =	vld.idx.msk [tilespmem:v16+s13+$0x0], $0xffff;
	v52 =	vmul.f32 v39, v8;
	v29 =	vadd.f32 v48, v29;
	v21 =	vmul.f32 v49, v60  }
0x3ec: {  	v47 =	vld [tilespmem:s24+$0x6AB0];
	v43 =	vmax.f32 v28, $0.0e+00;
	v22 =	vadd.f32 v23, v44  }
0x3ed: {  	v24 =	vmul.f32 v50, v8;
	v61 =	vld [tilespmem:s25+$0x6AB0];
	[tilespmem:s25+$0x12A80] =	vst v29;
	v23 =	vsub.f32 v52, v7;
	v21 =	vadd.f32 v21, v27  }
0x3ee: {  	v10 =	vmul.f32 v10, v8;
	v45 =	vmin.f32 v43, $7.006999970e+00;
	v56 =	vld.idx.msk [tilespmem:v33+s14+$0x0], $0xffff  }
0x3ef: {  	v31 =	vtrunc.f32 v45;
	v58 =	vld.idx.msk [tilespmem:v33+s13+$0x0], $0xffff;
	v59 =	vmax.f32 v23, $0.0e+00;
	[tilespmem:s26+$0x12A80] =	vst v21;
	v21 =	vsub.f32 v24, v7  }
0x3f0: {  	v13 =	vmul.f32 v13, v8;
	v31 =	vcvt.f32.s32 v31;
	v60 =	vmin.f32 v59, $7.006999970e+00;
	v63 =	vld.idx.msk [tilespmem:v26+s14+$0x0], $0xffff  }
0x3f1: {  	v15 =	vmul.f32 v18, v15;
	v42 =	vld [tilespmem:s26+$0x6AB0];
	v27 =	vtrunc.f32 v60;
	v40 =	vmax.f32 v21, $0.0e+00  }
0x3f2: {  	v54 =	vmul.f32 v47, v8;
	v27 =	vcvt.f32.s32 v27;
	v26 =	vld.idx.msk [tilespmem:v26+s13+$0x0], $0xffff;
	v41 =	vmin.f32 v40, $7.006999970e+00  }
0x3f3: {  	v13 =	vsub.f32 v13, v7;
	v55 =	vld [tilespmem:s24+$0x6AC0];
	v20 =	vmul.f32 v56, v20;
	v30 =	vtrunc.f32 v41  }
0x3f4: {  	v43 =	vld [tilespmem:s25+$0x6AC0];
	v29 =	vsub.f32 v54, v7;
	v33 =	vmul.f32 v61, v8;
	v30 =	vcvt.f32.s32 v30  }
0x3f5: {  	v36 =	vmax.f32 v13, $0.0e+00;
	[tilespmem:s24+$0x12A90] =	vst v22;
	v56 =	vld [tilespmem:s26+$0x6AC0];
	v20 =	vadd.f32 v20, v58;
	v22 =	vmul.f32 v63, v32  }
0x3f6: {  	v36 =	vmin.f32 v36, $7.006999970e+00;
	v35 =	vmax.f32 v29, $0.0e+00;
	v33 =	vsub.f32 v33, v7;
	v57 =	vld.idx.msk [tilespmem:v31+s14+$0x0], $0xffff  }
0x3f7: {  	v44 =	vtrunc.f32 v36;
	v31 =	vld.idx.msk [tilespmem:v31+s13+$0x0], $0xffff;
	v49 =	vmul.f32 v42, v8;
	[tilespmem:s25+$0x12A90] =	vst v20;
	v22 =	vadd.f32 v22, v26  }
0x3f8: {  	v15 =	vadd.f32 v15, v16;
	v62 =	vmin.f32 v35, $7.006999970e+00;
	v20 =	vcvt.f32.s32 v44;
	v46 =	vld.idx.msk [tilespmem:v27+s14+$0x0], $0xffff  }
0x3f9: {  	v48 =	vmax.f32 v33, $0.0e+00;
	v53 =	vsub.f32 v49, v7;
	v24 =	vtrunc.f32 v62;
	v50 =	vld.idx.msk [tilespmem:v27+s13+$0x0], $0xffff;
	[tilespmem:s26+$0x12A90] =	vst v22  }
0x3fa: {  	v54 =	vmul.f32 v55, v8;
	v51 =	vmin.f32 v48, $7.006999970e+00;
	v24 =	vcvt.f32.s32 v24;
	v55 =	vld.idx.msk [tilespmem:v30+s14+$0x0], $0xffff  }
0x3fb: {  	v47 =	vld [tilespmem:s24+$0x6AD0];
	v25 =	vmul.f32 v57, v28;
	v57 =	vmax.f32 v53, $0.0e+00;
	v27 =	vtrunc.f32 v51  }
0x3fc: {  	v60 =	vmul.f32 v43, v8;
	v34 =	vmin.f32 v57, $7.006999970e+00;
	v27 =	vcvt.f32.s32 v27;
	v30 =	vld.idx.msk [tilespmem:v30+s13+$0x0], $0xffff  }
0x3fd: {  	[tilespmem:s23+$0x12AB0] =	vst v15;
	v43 =	vld [tilespmem:s26+$0x6AD0];
	v45 =	vadd.f32 v25, v31;
	v61 =	vtrunc.f32 v34;
	v23 =	vmul.f32 v46, v23  }
0x3fe: {  	v25 =	vmul.f32 v56, v8;
	v28 =	vcvt.f32.s32 v61;
	v59 =	vld.idx.msk [tilespmem:v20+s14+$0x0], $0xffff  }
0x3ff: {  	[tilespmem:s24+$0x12AA0] =	vst v45;
	v20 =	vld.idx.msk [tilespmem:v20+s13+$0x0], $0xffff;
	v18 =	vadd.f32 v23, v50;
	v21 =	vmul.f32 v55, v21  }
0x400: {  	v9 =	vmul.f32 v9, v8;
	v25 =	vsub.f32 v25, v7;
	v52 =	vld.idx.msk [tilespmem:v24+s14+$0x0], $0xffff;
	v26 =	vsub.f32 v54, v7  }
0x401: {  	v14 =	vmul.f32 v14, v8;
	v63 =	vld.idx.msk [tilespmem:v24+s13+$0x0], $0xffff;
	[tilespmem:s25+$0x12AA0] =	vst v18;
	v21 =	vadd.f32 v21, v30  }
0x402: {  	v44 =	vmax.f32 v25, $0.0e+00;
	v36 =	vmax.f32 v26, $0.0e+00;
	v23 =	vsub.f32 v60, v7;
	v37 =	vld.idx.msk [tilespmem:v27+s14+$0x0], $0xffff  }
0x403: {  	v31 =	vmul.f32 v47, v8;
	v32 =	vmin.f32 v44, $7.006999970e+00;
	v24 =	vmin.f32 v36, $7.006999970e+00;
	v27 =	vld.idx.msk [tilespmem:v27+s13+$0x0], $0xffff;
	[tilespmem:s26+$0x12AA0] =	vst v21  }
0x404: {  	v45 =	vtrunc.f32 v32;
	v24 =	vtrunc.f32 v24;
	v38 =	vmax.f32 v23, $0.0e+00;
	v41 =	vld.idx.msk [tilespmem:v28+s14+$0x0], $0xffff  }
0x405: {  	v62 =	vld [tilespmem:s25+$0x6AD0];
	v13 =	vmul.f32 v59, v13;
	v39 =	vcvt.f32.s32 v24;
	v30 =	vmin.f32 v38, $7.006999970e+00  }
0x406: {  	v16 =	vmul.f32 v52, v29;
	v40 =	vtrunc.f32 v30;
	v28 =	vld.idx.msk [tilespmem:v28+s13+$0x0], $0xffff  }
0x407: {  	v14 =	vsub.f32 v14, v7;
	v11 =	vld [tilespmem:s24+$0x6AF0];
	v24 =	vcvt.f32.s32 v40;
	v42 =	vmul.f32 v37, v33  }
0x408: {  	v17 =	vld [tilespmem:s24+$0x6AE0];
	v13 =	vadd.f32 v13, v20;
	v20 =	vcvt.f32.s32 v45;
	v16 =	vadd.f32 v16, v63  }
0x409: {  	v19 =	vld [tilespmem:s25+$0x6AE0];
	v58 =	vmax.f32 v14, $0.0e+00;
	v18 =	vadd.f32 v42, v27;
	v49 =	vmul.f32 v41, v53  }
0x40a: {  	v15 =	vmin.f32 v58, $7.006999970e+00;
	v58 =	vld [tilespmem:s26+$0x6AE0];
	v48 =	vmul.f32 v62, v8;
	v46 =	vsub.f32 v31, v7;
	[tilespmem:s24+$0x12AB0] =	vst v16  }
0x40b: {  	v15 =	vtrunc.f32 v15;
	v29 =	vmul.f32 v43, v8;
	v47 =	vld.idx.msk [tilespmem:v39+s14+$0x0], $0xffff;
	[tilespmem:s25+$0x12AB0] =	vst v18;
	v18 =	vadd.f32 v49, v28  }
0x40c: {  	v15 =	vcvt.f32.s32 v15;
	v31 =	vsub.f32 v48, v7;
	v51 =	vmax.f32 v46, $0.0e+00;
	v21 =	vld.idx.msk [tilespmem:v39+s13+$0x0], $0xffff  }
0x40d: {  	v10 =	vsub.f32 v10, v7;
	v22 =	vmin.f32 v51, $7.006999970e+00;
	v55 =	vsub.f32 v29, v7;
	v52 =	vld.idx.msk [tilespmem:v24+s14+$0x0], $0xffff;
	[tilespmem:s26+$0x12AB0] =	vst v18  }
0x40e: {  	v17 =	vmul.f32 v17, v8;
	v54 =	vmax.f32 v31, $0.0e+00;
	v22 =	vtrunc.f32 v22;
	v57 =	vld.idx.msk [tilespmem:v20+s14+$0x0], $0xffff  }
0x40f: {  	v56 =	vmin.f32 v54, $7.006999970e+00;
	v22 =	vcvt.f32.s32 v22;
	v59 =	vmax.f32 v55, $0.0e+00;
	v24 =	vld.idx.msk [tilespmem:v24+s13+$0x0], $0xffff  }
0x410: {  	v30 =	vmin.f32 v59, $7.006999970e+00;
	v27 =	vtrunc.f32 v56;
	v26 =	vmul.f32 v47, v26;
	v20 =	vld.idx.msk [tilespmem:v20+s13+$0x0], $0xffff  }
0x411: {  	v12 =	vld [tilespmem:s25+$0x6AF0];
	v17 =	vsub.f32 v17, v7;
	[tilespmem:s23+$0x12AC0] =	vst v13;
	v60 =	vtrunc.f32 v30;
	v27 =	vcvt.f32.s32 v27  }
0x412: {  	v53 =	vld.idx.msk [tilespmem:v15+s14+$0x0], $0xffff;
	v21 =	vadd.f32 v26, v21;
	v26 =	vcvt.f32.s32 v60;
	v23 =	vmul.f32 v52, v23  }
0x413: {  	v19 =	vmul.f32 v19, v8;
	v50 =	vmax.f32 v10, $0.0e+00;
	v39 =	vld [tilespmem:s26+$0x6AF0];
	v62 =	vmul.f32 v57, v25  }
0x414: {  	v13 =	vmin.f32 v50, $7.006999970e+00;
	v30 =	vmul.f32 v58, v8;
	v15 =	vld.idx.msk [tilespmem:v15+s13+$0x0], $0xffff;
	[tilespmem:s24+$0x12AC0] =	vst v21;
	v61 =	vadd.f32 v23, v24  }
0x415: {  	v19 =	vsub.f32 v19, v7;
	v13 =	vtrunc.f32 v13;
	v63 =	vld.idx.msk [tilespmem:v22+s14+$0x0], $0xffff;
	v20 =	vadd.f32 v62, v20  }
0x416: {  	v13 =	vcvt.f32.s32 v13;
	v36 =	vsub.f32 v30, v7;
	v28 =	vmax.f32 v17, $0.0e+00;
	v22 =	vld.idx.msk [tilespmem:v22+s13+$0x0], $0xffff;
	[tilespmem:s25+$0x12AC0] =	vst v61  }
0x417: {  	v11 =	vmul.f32 v11, v8;
	v32 =	vmin.f32 v28, $7.006999970e+00;
	v14 =	vmul.f32 v53, v14;
	v33 =	vld.idx.msk [tilespmem:v27+s14+$0x0], $0xffff;
	[tilespmem:s26+$0x12AC0] =	vst v20  }
0x418: {  	v37 =	vmax.f32 v19, $0.0e+00;
	v40 =	vmax.f32 v36, $0.0e+00;
	v34 =	vtrunc.f32 v32;
	v38 =	vld.idx.msk [tilespmem:v26+s14+$0x0], $0xffff  }
0x419: {  	v21 =	vmin.f32 v37, $7.006999970e+00;
	v14 =	vadd.f32 v14, v15;
	v15 =	vcvt.f32.s32 v34;
	v35 =	vld.idx.msk [tilespmem:v27+s13+$0x0], $0xffff  }
0x41a: {  	v43 =	vmin.f32 v40, $7.006999970e+00;
	v41 =	vtrunc.f32 v21;
	v16 =	vmul.f32 v63, v46;
	v42 =	vld.idx.msk [tilespmem:v26+s13+$0x0], $0xffff  }
0x41b: {  	v9 =	vsub.f32 v9, v7;
	[tilespmem:s23+$0x12AD0] =	vst v14;
	v14 =	vcvt.f32.s32 v41;
	v26 =	vtrunc.f32 v43  }
0x41c: {  	v44 =	vld.idx.msk [tilespmem:v13+s14+$0x0], $0xffff;
	v16 =	vadd.f32 v16, v22;
	v46 =	vmul.f32 v33, v31;
	v47 =	vcvt.f32.s32 v26  }
0x41d: {  	v11 =	vsub.f32 v11, v7;
	v12 =	vmul.f32 v12, v8;
	v18 =	vmul.f32 v38, v55  }
0x41e: {  	v45 =	vmax.f32 v9, $0.0e+00;
	v8 =	vmul.f32 v39, v8;
	v13 =	vld.idx.msk [tilespmem:v13+s13+$0x0], $0xffff;
	[tilespmem:s24+$0x12AD0] =	vst v16;
	v49 =	vadd.f32 v46, v35  }
0x41f: {  	v12 =	vsub.f32 v12, v7;
	v48 =	vmin.f32 v45, $7.006999970e+00;
	v51 =	vld.idx.msk [tilespmem:v15+s14+$0x0], $0xffff;
	v18 =	vadd.f32 v18, v42  }
0x420: {  	v50 =	vtrunc.f32 v48;
	v7 =	vsub.f32 v8, v7;
	v52 =	vmax.f32 v11, $0.0e+00;
	v15 =	vld.idx.msk [tilespmem:v15+s13+$0x0], $0xffff;
	[tilespmem:s25+$0x12AD0] =	vst v49  }
0x421: {  	v53 =	vcvt.f32.s32 v50;
	v21 =	vmin.f32 v52, $7.006999970e+00;
	v10 =	vmul.f32 v44, v10;
	v54 =	vld.idx.msk [tilespmem:v14+s14+$0x0], $0xffff;
	[tilespmem:s26+$0x12AD0] =	vst v18  }
0x422: {  	v56 =	vmax.f32 v12, $0.0e+00;
	v57 =	vmax.f32 v7, $0.0e+00;
	v55 =	vtrunc.f32 v21;
	v18 =	vld.idx.msk [tilespmem:v47+s14+$0x0], $0xffff  }
0x423: {  	v8 =	vadd.f32 v10, v13;
	v13 =	vmin.f32 v56, $7.006999970e+00;
	v14 =	vld.idx.msk [tilespmem:v14+s13+$0x0], $0xffff;
	v10 =	vcvt.f32.s32 v55  }
0x424: {  	v17 =	vmul.f32 v51, v17;
	v13 =	vtrunc.f32 v13;
	v21 =	vmin.f32 v57, $7.006999970e+00;
	v58 =	vld.idx.msk [tilespmem:v47+s13+$0x0], $0xffff  }
0x425: {  	v13 =	vcvt.f32.s32 v13;
	v21 =	vtrunc.f32 v21  }
0x426: {  	[tilespmem:s23+$0x12AE0] =	vst v8;
	v8 =	vadd.f32 v17, v15;
	v60 =	vcvt.f32.s32 v21;
	v59 =	vmul.f32 v54, v19  }
0x427: {  	v61 =	vld.idx.msk [tilespmem:v53+s14+$0x0], $0xffff;
	v18 =	vmul.f32 v18, v36  }
0x428: {  	v16 =	vld.idx.msk [tilespmem:v53+s13+$0x0], $0xffff;
	[tilespmem:s24+$0x12AE0] =	vst v8;
	v8 =	vadd.f32 v59, v14  }
0x429: {  	v62 =	vld.idx.msk [tilespmem:v10+s14+$0x0], $0xffff;
	v63 =	vadd.f32 v18, v58  }
0x42a: {  	v10 =	vld.idx.msk [tilespmem:v10+s13+$0x0], $0xffff;
	[tilespmem:s25+$0x12AE0] =	vst v8  }
0x42b: {  	v8 =	vld.idx.msk [tilespmem:v13+s14+$0x0], $0xffff;
	[tilespmem:s26+$0x12AE0] =	vst v63  }
0x42c: {  	v15 =	vld.idx.msk [tilespmem:v60+s14+$0x0], $0xffff  }
0x42d: {  	v13 =	vld.idx.msk [tilespmem:v13+s13+$0x0], $0xffff  }
0x42e: {  	v9 =	vmul.f32 v61, v9;
	v17 =	vld.idx.msk [tilespmem:v60+s13+$0x0], $0xffff  }
0x42f: {  	v11 =	vmul.f32 v62, v11  }
0x430: {  	s21 =	sadd.s32 $0x1, s21;
	v9 =	vadd.f32 v9, v16;
	v8 =	vmul.f32 v8, v12  }
0x431: {  	p0 =	sne.s32 s21, $0x12;
	v10 =	vadd.f32 v11, v10;
	v7 =	vmul.f32 v15, v7  }
.Ltmp2:
0x432: {  	[tilespmem:s23+$0x12AF0] =	vst v9;
	v8 =	vadd.f32 v8, v13;
	(pc) =	sbr.rel @p0 .LBB2_2-.Ltmp2, $4  }
0x433: {  	[tilespmem:s24+$0x12AF0] =	vst v10;
	v7 =	vadd.f32 v7, v17  }
0x434: {  	[tilespmem:s25+$0x12AF0] =	vst v8  }
0x435: {  	s31 =	sadd.s32 s4, s22;
	[tilespmem:s26+$0x12AF0] =	vst v7  }
0x436: {  	[hbm4b:s31+s5] =	stream.linear.scatter [tilespmem:s17], [sflag:$0x4], $0x6000, $0x38;
	[tilespmem:$0x18280] =	vst v63  }
0x437: {  	s20 =	sadd.s32 $0x1, s20  }
0x438: {  	_ =	swait.ge [sflag:s18], $0x6000;
	p0 =	sne.s32 s20, s8  }
.Ltmp3:
0x439: {  	[sflag:s18] =	ssyncset.done $0x0;
	(pc) =	sbr.rel @p0 .LBB2_1-.Ltmp3, $4  }
0x43a: {  	[sflag:s18] =	ssyncadd.s32 $0xFFFFA000  }
0x43b: {  	_ =	swait.ge [sflag:s19], $0x6000  }
0x43c: {  	[sflag:s19] =	ssyncset.done $0x0  }
0x43d: {  	[sflag:s19] =	ssyncadd.s32 $0xFFFFA000  }
0x43e: {  	_ =	sfence.sel $0x180000  }
0x43f: {  	[bflag:$0x0] =	sbarrier.arrive $0xFFFF  }
0x440: {  	_ =	strace $0x90000047  }
0x441: {  	s0 =	stileid.u32;
	[bflag:$0x2] =	sbarrier.arrive $0xFFFF  }
0x442: {  	p0 =	sne.s32 s0, $0x0;
	s0 =	rddreg [dreg:$0x3]  }
0x443: {  	s0 =	sadd.s32 @!p0 $0x100000, s0  }
0x444: {  	[sflag:s0] =	ssyncadd.tile.s32 @!p0 $0x1;
	_ =	shalt  }
.Lfunc_end2:
_tile_overlayer_lowered:
.L_overlay_start_2:
0x445: {  	(tag) =	ssettag $0x2  }
0x446: {  	s0 =	rddreg [dreg:$0x0];
	s2 =	stileid.u32  }
0x447: {  	s1 =	rddreg [dreg:$0x1];
	p0 =	sne.s32 s2, $0x0  }
0x448: {  	s3 =	rddreg [dreg:$0x2];
	[bflag:$0x3] =	sbarrier.arrive $0xFFFF;
	s2 =	simm.s32 @!p0 $0x1C05  }
0x449: {  	[timem:s3], [sflag:s2] =	dma.local @!p0 [hbm:s0], s1  }
0x44a: {  	s0 =	simm.s32 @!p0 $0x5  }
0x44b: {  	_ =	swait.ge @!p0 [sflag:s0], s1  }
0x44c: {  	s1 =	ssub.s32 @!p0 $0x0, s1;
	[sflag:s0] =	ssyncset.done @!p0 $0x0  }
0x44d: {  	[sflag:s0] =	ssyncadd.s32 @!p0 s1  }
0x44e: {  	[bflag:$0x3] =	sbarrier.arrive $0xFFFF  }
0x44f: {  	_ =	shalt  }

</sc_bundles>
